<compile_context>
chip_gen: v7x
topology: tpu7x:2x2x1
jax: 0.10.2.dev20260603
libtpu: 0.0.44.dev20260713+nightly
codegen_flags: <defaults>
</compile_context>

<pallas_src>
import functools
import jax
import jax.numpy as jnp
from jax.experimental import pallas as pl
from jax.experimental.pallas import tpu as pltpu
from jax.experimental.pallas import tpu_sc as plsc

N = 10000
F = 128
E = 320000
OBS = N * F
A = 10

NC = 2
NS = 16
NW = NC * NS

NP = 10240
RPT = NP // NW
EP = 327680
GPT = EP // (NW * 128)
G64 = EP // (NW * 64)
DPAD = NP


KAHEAD = 16

OBS0 = 448
DEG0 = 112


def _sc1_work(obs_hbm, zvi_hbm, dst_hbm, feat_hbm, idx_v, val_v,
              dstg_a, dstg_b, ones_v, sem_g, sem_da, sem_db, deg_sp,
              nrows, rbase, ng, dbase):
  pltpu.async_copy(dst_hbm.at[pl.ds(dbase, 128)], dstg_a, sem_da)

  @pl.loop(0, ng // 2)
  def _(jj):
    pltpu.make_async_copy(dst_hbm.at[pl.ds(dbase, 128)], dstg_a, sem_da).wait()
    pltpu.async_copy(dst_hbm.at[pl.ds(dbase + (2 * jj + 1) * 128, 128)],
                     dstg_b, sem_db)
    pltpu.sync_copy(ones_v, deg_sp.at[dstg_a], add=True)
    pltpu.make_async_copy(dst_hbm.at[pl.ds(dbase, 128)], dstg_b, sem_db).wait()

    @pl.when(jj < ng // 2 - 1)
    def _():
      pltpu.async_copy(dst_hbm.at[pl.ds(dbase + (2 * jj + 2) * 128, 128)],
                       dstg_a, sem_da)

    pltpu.sync_copy(ones_v, deg_sp.at[dstg_b], add=True)

  pltpu.sync_copy(zvi_hbm.at[pl.ds(rbase, nrows)], idx_v.at[pl.ds(0, nrows)])

  @pl.loop(0, KAHEAD)
  def _(j):
    pltpu.async_copy(obs_hbm.at[idx_v.at[j]], val_v.at[j], sem_g)

  @pl.loop(0, nrows - KAHEAD)
  def _(j):
    pltpu.make_async_copy(obs_hbm.at[idx_v.at[j]], val_v.at[j], sem_g).wait()
    pltpu.async_copy(obs_hbm.at[idx_v.at[j + KAHEAD]], val_v.at[j + KAHEAD],
                     sem_g)

  @pl.loop(nrows - KAHEAD, nrows)
  def _(j):
    pltpu.make_async_copy(obs_hbm.at[idx_v.at[j]], val_v.at[j], sem_g).wait()

  pltpu.sync_copy(val_v.at[pl.ds(0, nrows)], feat_hbm.at[pl.ds(rbase, nrows)])


def _sc1_body(obs_hbm, zvi_hbm, dst_hbm, ones_hbm, zeros1_hbm,
              feat_hbm, deg_hbm, idx_v, val_v, dstg_a, dstg_b, ones_v,
              sem_g, sem_da, sem_db, deg_sp):
  c = jax.lax.axis_index("c")
  s = jax.lax.axis_index("s")

  @pl.when(s == 0)
  def _():
    pltpu.sync_copy(zeros1_hbm, deg_sp)
  plsc.subcore_barrier()

  pltpu.sync_copy(ones_hbm, ones_v)
  args = (obs_hbm, zvi_hbm, dst_hbm, feat_hbm, idx_v, val_v,
          dstg_a, dstg_b, ones_v, sem_g, sem_da, sem_db, deg_sp)

  @pl.when(c == 0)
  def _():
    _sc1_work(*args, OBS0, s * 640, DEG0, s * 160 * 128)

  @pl.when(c == 1)
  def _():
    _sc1_work(*args, 640 - OBS0, s * 640 + OBS0,
              160 - DEG0, s * 160 * 128 + DEG0 * 128)

  plsc.subcore_barrier()
  pltpu.sync_copy(deg_sp.at[pl.ds(s * (DPAD // NS), DPAD // NS)],
                  deg_hbm.at[c].at[pl.ds(s * (DPAD // NS), DPAD // NS)])


def _sc1(obs_vec, zvi_pad, dst_pad, ones128, zeros1):
  mesh = plsc.VectorSubcoreMesh(core_axis_name="c", subcore_axis_name="s")
  f = pl.kernel(
      _sc1_body,
      out_type=(jax.ShapeDtypeStruct((NP, 128), jnp.float32),
                jax.ShapeDtypeStruct((NC, DPAD), jnp.float32)),
      mesh=mesh,
      scratch_types=[
          pltpu.VMEM((OBS0, 128), jnp.int32),
          pltpu.VMEM((OBS0, 128), jnp.float32),
          pltpu.VMEM((128,), jnp.int32),
          pltpu.VMEM((128,), jnp.int32),
          pltpu.VMEM((128,), jnp.float32),
          pltpu.SemaphoreType.DMA,
          pltpu.SemaphoreType.DMA,
          pltpu.SemaphoreType.DMA,
          pltpu.VMEM_SHARED((DPAD,), jnp.float32),
      ],
  )
  return f(obs_vec, zvi_pad, dst_pad, ones128, zeros1)


GC0 = 224
NR0 = GC0 // 2
NR1 = (320 - GC0) // 2


def _sc2_pipe(y_hbm, dst_hbm, s_sp, src_v, bufs, ni, dbase):
  def issue(t, k):
    rows, dst64, gsem, _, dsem = bufs[k]
    r = 2 * t + (k // 2)
    h = (k % 2) * 64
    pltpu.async_copy(y_hbm.at[src_v.at[r, pl.ds(h, 64)]], rows, gsem)
    pltpu.async_copy(dst_hbm.at[pl.ds(dbase + (4 * t + k) * 64, 64)],
                     dst64, dsem)

  def wait_gather(t, k):
    rows, dst64, gsem, _, dsem = bufs[k]
    r = 2 * t + (k // 2)
    h = (k % 2) * 64
    pltpu.make_async_copy(y_hbm.at[src_v.at[r, pl.ds(h, 64)]],
                          rows, gsem).wait()
    pltpu.make_async_copy(dst_hbm.at[pl.ds(dbase, 64)], dst64, dsem).wait()

  def wait_scatter(k):
    rows, dst64, _, ssem, _ = bufs[k]
    pltpu.make_async_copy(rows, s_sp.at[dst64], ssem).wait()

  for k in range(4):
    issue(0, k)

  @pl.loop(0, ni)
  def _(t):
    for k in range(4):
      rows, dst64, _, ssem, _ = bufs[k]
      wait_gather(t, k)
      pltpu.async_copy(rows, s_sp.at[dst64], ssem, add=True)
      if k % 2 == 1:
        def refill(pair=(k - 1, k)):
          for kk in pair:
            wait_scatter(kk)
            issue(t + 1, kk)
        pl.when(t < ni - 1)(refill)

  for k in range(4):
    wait_scatter(k)


def _sc2_body(y_hbm, src_hbm, dst_hbm, zeros2_hbm, s_hbm,
              src_v, rows_a, rows_b, rows_c, rows_d,
              dst64_a, dst64_b, dst64_c, dst64_d,
              ga, gb, gc, gd, sa, sb, sc, sd, da, db, dc, dd, s_sp):
  c = jax.lax.axis_index("c")
  s = jax.lax.axis_index("s")

  pltpu.sync_copy(zeros2_hbm.at[pl.ds(s * (DPAD // NS), DPAD // NS)],
                  s_sp.at[pl.ds(s * (DPAD // NS), DPAD // NS)])
  plsc.subcore_barrier()

  bufs = [(rows_a, dst64_a, ga, sa, da), (rows_b, dst64_b, gb, sb, db),
          (rows_c, dst64_c, gc, sc, dc), (rows_d, dst64_d, gd, sd, dd)]

  @pl.when(c == 0)
  def _():
    pltpu.sync_copy(src_hbm.at[pl.ds(s * 160, NR0)], src_v.at[pl.ds(0, NR0)])
    _sc2_pipe(y_hbm, dst_hbm, s_sp, src_v, bufs, GC0 // 4, s * 20480)

  @pl.when(c == 1)
  def _():
    pltpu.sync_copy(src_hbm.at[pl.ds(s * 160 + NR0, NR1)],
                    src_v.at[pl.ds(0, NR1)])
    _sc2_pipe(y_hbm, dst_hbm, s_sp, src_v, bufs, (320 - GC0) // 4,
              s * 20480 + GC0 * 64)

  plsc.subcore_barrier()
  pltpu.sync_copy(s_sp.at[pl.ds(s * (DPAD // NS), DPAD // NS)],
                  s_hbm.at[c].at[pl.ds(s * (DPAD // NS), DPAD // NS)])


def _sc2(y, src_pad, dst_pad, zeros2):
  mesh = plsc.VectorSubcoreMesh(core_axis_name="c", subcore_axis_name="s")
  f = pl.kernel(
      _sc2_body,
      out_type=jax.ShapeDtypeStruct((NC, DPAD, 128), jnp.float32),
      mesh=mesh,
      scratch_types=(
          [pltpu.VMEM((max(NR0, NR1), 128), jnp.int32)]
          + [pltpu.VMEM((64, 128), jnp.float32)] * 4
          + [pltpu.VMEM((64,), jnp.int32)] * 4
          + [pltpu.SemaphoreType.DMA] * 12
          + [pltpu.VMEM_SHARED((DPAD, 128), jnp.float32)]
      ),
  )
  return f(y, src_pad, dst_pad, zeros2)


BN = 1000


def _tc1_body(f_ref, m_ref, d0_ref, d1_ref, we_ref, be_ref, wg_ref, y_ref):
  x = f_ref[...] * m_ref[...]
  h1 = jnp.maximum(
      jnp.dot(x, we_ref[...], preferred_element_type=jnp.float32) + be_ref[...],
      0.0)
  dinv = jax.lax.rsqrt(1.0 + d0_ref[...] + d1_ref[...])
  y_ref[...] = dinv * jnp.dot(h1, wg_ref[...],
                              preferred_element_type=jnp.float32)


def _tc1(feature, mask, d0, d1, W_enc, b_enc, W_gcn):
  grid = (N // BN,)
  return pl.pallas_call(
      _tc1_body,
      grid=grid,
      in_specs=[
          pl.BlockSpec((BN, 128), lambda i: (i, 0)),
          pl.BlockSpec((BN, 128), lambda i: (i, 0)),
          pl.BlockSpec((BN, 1), lambda i: (i, 0)),
          pl.BlockSpec((BN, 1), lambda i: (i, 0)),
          pl.BlockSpec((128, 128), lambda i: (0, 0)),
          pl.BlockSpec((1, 128), lambda i: (0, 0)),
          pl.BlockSpec((128, 128), lambda i: (0, 0)),
      ],
      out_specs=pl.BlockSpec((BN, 128), lambda i: (i, 0)),
      out_shape=jax.ShapeDtypeStruct((N, 128), jnp.float32),
  )(feature, mask, d0, d1, W_enc, b_enc, W_gcn)


def _tc2_body(s0_ref, s1_ref, y_ref, d0_ref, d1_ref, bg_ref,
              w1_ref, b1_ref, w2_ref, b2_ref, q_ref):
  dinv = jax.lax.rsqrt(1.0 + d0_ref[...] + d1_ref[...])
  agg = dinv * (s0_ref[...] + s1_ref[...] + y_ref[...])
  h2 = jnp.maximum(agg + bg_ref[...], 0.0)
  t = jnp.maximum(
      jnp.dot(h2, w1_ref[...], preferred_element_type=jnp.float32) + b1_ref[...],
      0.0)
  q_ref[...] = jnp.dot(t, w2_ref[...],
                       preferred_element_type=jnp.float32) + b2_ref[...]


def _tc2(s0, s1, y, d0, d1, b_gcn, W_q1, b_q1, W_q2p, b_q2p):
  grid = (N // BN,)
  return pl.pallas_call(
      _tc2_body,
      grid=grid,
      in_specs=[
          pl.BlockSpec((BN, 128), lambda i: (i, 0)),
          pl.BlockSpec((BN, 128), lambda i: (i, 0)),
          pl.BlockSpec((BN, 128), lambda i: (i, 0)),
          pl.BlockSpec((BN, 1), lambda i: (i, 0)),
          pl.BlockSpec((BN, 1), lambda i: (i, 0)),
          pl.BlockSpec((1, 128), lambda i: (0, 0)),
          pl.BlockSpec((128, 128), lambda i: (0, 0)),
          pl.BlockSpec((1, 128), lambda i: (0, 0)),
          pl.BlockSpec((128, 128), lambda i: (0, 0)),
          pl.BlockSpec((1, 128), lambda i: (0, 0)),
      ],
      out_specs=pl.BlockSpec((BN, 128), lambda i: (i, 0)),
      out_shape=jax.ShapeDtypeStruct((N, 128), jnp.float32),
  )(s0, s1, y, d0, d1, b_gcn, W_q1, b_q1, W_q2p, b_q2p)


@jax.jit
def kernel(obs_vec, zone_var_index, zone_mask, edge_index, W_enc, b_enc,
           W_gcn, b_gcn, W_q1, b_q1, W_q2, b_q2):
  zvi = zone_var_index.astype(jnp.int32)
  zvi_pad = jnp.concatenate([zvi, jnp.zeros((NP - N, F), jnp.int32)], axis=0)
  src = edge_index[0].astype(jnp.int32)
  dst = edge_index[1].astype(jnp.int32)
  src_pad = jnp.concatenate([src, jnp.zeros((EP - E,), jnp.int32)])
  dst_pad = jnp.concatenate([dst, jnp.full((EP - E,), N, jnp.int32)])
  src2d = src_pad.reshape(EP // 128, 128)
  ones128 = jnp.ones((128,), jnp.float32)
  zeros1 = jnp.zeros((DPAD,), jnp.float32)
  zeros2 = jnp.zeros((DPAD, 128), jnp.float32)

  feat_pad, deg = _sc1(obs_vec, zvi_pad, dst_pad, ones128, zeros1)
  feature = feat_pad[:N]
  d0 = deg[0, :N].reshape(N, 1)
  d1 = deg[1, :N].reshape(N, 1)

  y = _tc1(feature, zone_mask, d0, d1, W_enc, b_enc.reshape(1, 128), W_gcn)

  s_part = _sc2(y, src2d, dst_pad, zeros2)

  W_q2p = jnp.pad(W_q2, ((0, 0), (0, 128 - A)))
  b_q2p = jnp.pad(b_q2, (0, 128 - A)).reshape(1, 128)
  qp = _tc2(s_part[0, :N], s_part[1, :N], y, d0, d1, b_gcn.reshape(1, 128),
            W_q1, b_q1.reshape(1, 128), W_q2p, b_q2p)
  return qp[:, :A]

# --- scband reference (transcript-rebuilt; emitter-appended) ---
"""Pipeline reference for scband-thermo-grl-43026982371789 (READ-ONLY COPY).

The authoritative reference and input builder live on the scoring server;
editing this copy changes nothing except your own understanding.
"""

import jax, jax.numpy as jnp
import numpy as np

N = 10000        # n_nodes (zones)
F = 128          # num_features per zone
ENC = 128        # encoder_hidden_dim
GCN = 128        # gcn_hidden_dim
QH = 128         # q_net_hidden_dim
A = 10           # action_dim
E = 320000       # n_edges
OBS = N * F      # length of eplus_obs_vec


def setup_inputs(seed: int = 0) -> dict:
    key = jax.random.key(seed)
    ks = jax.random.split(key, 12)
    obs_vec = jax.random.normal(ks[0], (OBS,), dtype=jnp.float32)
    # zone_to_variables / handle_to_index collapse to an index matrix into obs_vec
    zone_var_index = jax.random.randint(ks[1], (N, F), 0, OBS, dtype=jnp.int64)
    # mask models handle==0 -> feature forced to 0 (all-valid here, kept for faithfulness)
    zone_mask = jnp.ones((N, F), dtype=jnp.float32)
    edge_index = jax.random.randint(ks[2], (2, E), 0, N, dtype=jnp.int64)
    s = 1.0 / np.sqrt(F)
    W_enc = jax.random.uniform(ks[3], (F, ENC), jnp.float32, -s, s)
    b_enc = jax.random.uniform(ks[4], (ENC,), jnp.float32, -s, s)
    sg = 1.0 / np.sqrt(ENC)
    W_gcn = jax.random.uniform(ks[5], (ENC, GCN), jnp.float32, -sg, sg)
    b_gcn = jnp.zeros((GCN,), dtype=jnp.float32)
    sq = 1.0 / np.sqrt(GCN)
    W_q1 = jax.random.uniform(ks[6], (GCN, QH), jnp.float32, -sq, sq)
    b_q1 = jax.random.uniform(ks[7], (QH,), jnp.float32, -sq, sq)
    so = 1.0 / np.sqrt(QH)
    W_q2 = jax.random.uniform(ks[8], (QH, A), jnp.float32, -so, so)
    b_q2 = jax.random.uniform(ks[9], (A,), jnp.float32, -so, so)
    return {"obs_vec": obs_vec, "zone_var_index": zone_var_index, "zone_mask": zone_mask,
            "edge_index": edge_index, "W_enc": W_enc, "b_enc": b_enc,
            "W_gcn": W_gcn, "b_gcn": b_gcn, "W_q1": W_q1, "b_q1": b_q1,
            "W_q2": W_q2, "b_q2": b_q2}


def reference(obs_vec, zone_var_index, zone_mask, edge_index, W_enc, b_enc,
              W_gcn, b_gcn, W_q1, b_q1, W_q2, b_q2):
    # Encoder: gather per-zone features from the flat observation vector
    feature = jnp.take(obs_vec, zone_var_index) * zone_mask          # [N, F]
    h1 = jax.nn.relu(feature @ W_enc + b_enc)                        # [N, ENC]
    # Graph_Encoder: GCNConv with self-loops and symmetric normalization
    src = jnp.concatenate([edge_index[0], jnp.arange(N, dtype=edge_index.dtype)])
    dst = jnp.concatenate([edge_index[1], jnp.arange(N, dtype=edge_index.dtype)])
    ones = jnp.ones(src.shape[0], dtype=jnp.float32)
    deg = jax.ops.segment_sum(ones, dst, num_segments=N)             # [N]
    deg_inv_sqrt = jnp.where(deg > 0, jax.lax.rsqrt(deg), 0.0)
    norm = deg_inv_sqrt[src] * deg_inv_sqrt[dst]                     # [E+N]
    xw = h1 @ W_gcn                                                  # [N, GCN]
    msg = xw[src] * norm[:, None]                                    # gather + scale
    agg = jax.ops.segment_sum(msg, dst, num_segments=N)              # scatter-add
    h2 = jax.nn.relu(agg + b_gcn)                                    # [N, GCN]
    # Q_Net
    q = jax.nn.relu(h2 @ W_q1 + b_q1) @ W_q2 + b_q2                  # [N, A]
    return q

if __name__ == "__main__":
    import jax
    _d = setup_inputs()
    print(jax.jit(kernel)(*tuple(_d.values())))

</pallas_src>

<mosaic_0001>
#map = affine_map<(d0, d1) -> (0, 0)>
#map1 = affine_map<(d0, d1) -> (0)>
#map2 = affine_map<(d0, d1) -> (0, 0, 0)>
module attributes {stable_mosaic.version = 14 : i64} {
  func.func @_sc2_body(%arg0: i32, %arg1: i32, %arg2: memref<10000x128xf32, #tpu.memory_space<hbm>>, %arg3: memref<2560x128xi32, #tpu.memory_space<hbm>>, %arg4: memref<327680xi32, #tpu.memory_space<hbm>>, %arg5: memref<10240x128xf32, #tpu.memory_space<hbm>>, %arg6: memref<2x10240x128xf32, #tpu.memory_space<hbm>>, %arg7: memref<112x128xi32, #tpu.memory_space<vmem>>, %arg8: memref<64x128xf32, #tpu.memory_space<vmem>>, %arg9: memref<64x128xf32, #tpu.memory_space<vmem>>, %arg10: memref<64x128xf32, #tpu.memory_space<vmem>>, %arg11: memref<64x128xf32, #tpu.memory_space<vmem>>, %arg12: memref<64xi32, #tpu.memory_space<vmem>>, %arg13: memref<64xi32, #tpu.memory_space<vmem>>, %arg14: memref<64xi32, #tpu.memory_space<vmem>>, %arg15: memref<64xi32, #tpu.memory_space<vmem>>, %arg16: memref<!tpu.dma_semaphore, #tpu.memory_space<semaphore_mem>>, %arg17: memref<!tpu.dma_semaphore, #tpu.memory_space<semaphore_mem>>, %arg18: memref<!tpu.dma_semaphore, #tpu.memory_space<semaphore_mem>>, %arg19: memref<!tpu.dma_semaphore, #tpu.memory_space<semaphore_mem>>, %arg20: memref<!tpu.dma_semaphore, #tpu.memory_space<semaphore_mem>>, %arg21: memref<!tpu.dma_semaphore, #tpu.memory_space<semaphore_mem>>, %arg22: memref<!tpu.dma_semaphore, #tpu.memory_space<semaphore_mem>>, %arg23: memref<!tpu.dma_semaphore, #tpu.memory_space<semaphore_mem>>, %arg24: memref<!tpu.dma_semaphore, #tpu.memory_space<semaphore_mem>>, %arg25: memref<!tpu.dma_semaphore, #tpu.memory_space<semaphore_mem>>, %arg26: memref<!tpu.dma_semaphore, #tpu.memory_space<semaphore_mem>>, %arg27: memref<!tpu.dma_semaphore, #tpu.memory_space<semaphore_mem>>, %arg28: memref<10240x128xf32, #tpu.memory_space<vmem_shared>>) attributes {dimension_semantics = [#tpu.dimension_semantics<core_parallel>, #tpu.dimension_semantics<subcore_parallel>], iteration_bounds = array<i64: 2, 16>, scalar_prefetch = 0 : i64, scratch_operands = 22 : i64, tpu.core_type = #tpu.core_type<sc_vector_subcore>, window_params = [{transform_indices = #map}, {transform_indices = #map}, {transform_indices = #map1}, {transform_indices = #map}, {transform_indices = #map2}]} {
    %mul3A = arith.constant 640 : i32
    %mul3A_0 = arith.muli %arg1, %mul3A : i32
    %mul3A_1 = arith.constant 640 : i32
    %mul3A_2 = arith.muli %arg1, %mul3A_1 : i32
    "tpu.region"() ({
      %run_scoped3A = tpu.sem_alloc : memref<!tpu.dma_semaphore, #tpu.memory_space<semaphore_mem>>
      %dma_start3A = arith.constant 0 : i32
      %dma_start3A_15 = tpu.memref_slice %arg28[%mul3A_2, %dma_start3A] : memref<10240x128xf32, #tpu.memory_space<vmem_shared>> -> memref<640x128xf32, #tpu.memory_space<vmem_shared>>
      %dma_start3A_16 = arith.constant 0 : i32
      %dma_start3A_17 = tpu.memref_slice %arg5[%mul3A_0, %dma_start3A_16] : memref<10240x128xf32, #tpu.memory_space<hbm>> -> memref<640x128xf32, #tpu.memory_space<hbm>>
      tpu.enqueue_dma source(%dma_start3A_17 : memref<640x128xf32, #tpu.memory_space<hbm>>) target(%dma_start3A_15 : memref<640x128xf32, #tpu.memory_space<vmem_shared>>) target_semaphore(%run_scoped3A : memref<!tpu.dma_semaphore, #tpu.memory_space<semaphore_mem>>)
      %dma_wait3A = arith.constant 0 : i32
      %dma_wait3A_18 = tpu.memref_slice %arg28[%mul3A_2, %dma_wait3A] : memref<10240x128xf32, #tpu.memory_space<vmem_shared>> -> memref<640x128xf32, #tpu.memory_space<vmem_shared>>
      %dma_wait3A_19 = arith.constant 0 : i32
      %dma_wait3A_20 = tpu.memref_slice %arg5[%mul3A_0, %dma_wait3A_19] : memref<10240x128xf32, #tpu.memory_space<hbm>> -> memref<640x128xf32, #tpu.memory_space<hbm>>
      tpu.wait_dma2 semaphore(%run_scoped3A : memref<!tpu.dma_semaphore, #tpu.memory_space<semaphore_mem>>) src(%dma_wait3A_20 : memref<640x128xf32, #tpu.memory_space<hbm>>) dst(%dma_wait3A_18 : memref<640x128xf32, #tpu.memory_space<vmem_shared>>)
      tpu.yield
    }) : () -> ()
    %barrier3A = arith.constant 0 : index
    tpu.barrier barrier_id(%barrier3A)
    %eq3A = arith.constant 0 : i32
    %eq3A_3 = arith.cmpi eq, %arg0, %eq3A : i32
    %convert_element_type3A = arith.extui %eq3A_3 : i1 to i32
    %cond3A = arith.constant 0 : i32
    %cond3A_4 = arith.cmpi ne, %convert_element_type3A, %cond3A : i32
    scf.if %cond3A_4 {
      %mul3A_15 = arith.constant 160 : i32
      %mul3A_16 = arith.muli %arg1, %mul3A_15 : i32
      "tpu.region"() ({
        %run_scoped3A = tpu.sem_alloc : memref<!tpu.dma_semaphore, #tpu.memory_space<semaphore_mem>>
        %dma_start3A_76 = arith.constant 0 : i32
        %dma_start3A_77 = arith.constant 0 : i32
        %dma_start3A_78 = tpu.memref_slice %arg7[%dma_start3A_76, %dma_start3A_77] : memref<112x128xi32, #tpu.memory_space<vmem>> -> memref<112x128xi32, #tpu.memory_space<vmem>>
        %dma_start3A_79 = arith.constant 0 : i32
        %dma_start3A_80 = tpu.memref_slice %arg3[%mul3A_16, %dma_start3A_79] : memref<2560x128xi32, #tpu.memory_space<hbm>> -> memref<112x128xi32, #tpu.memory_space<hbm>>
        %dma_start3A_81 = arith.constant 0 : i32
        %dma_start3A_82 = arith.constant 0 : i32
        %dma_start3A_83 = tpu.memref_slice %arg7[%dma_start3A_81, %dma_start3A_82] : memref<112x128xi32, #tpu.memory_space<vmem>> -> memref<112x128xi32, #tpu.memory_space<vmem>>
        %dma_start3A_84 = arith.constant 0 : i32
        %dma_start3A_85 = tpu.memref_slice %arg3[%mul3A_16, %dma_start3A_84] : memref<2560x128xi32, #tpu.memory_space<hbm>> -> memref<112x128xi32, #tpu.memory_space<hbm>>
        tpu.enqueue_dma source(%dma_start3A_85 : memref<112x128xi32, #tpu.memory_space<hbm>>) target(%dma_start3A_83 : memref<112x128xi32, #tpu.memory_space<vmem>>) target_semaphore(%run_scoped3A : memref<!tpu.dma_semaphore, #tpu.memory_space<semaphore_mem>>)
        %dma_wait3A_86 = arith.constant 0 : i32
        %dma_wait3A_87 = arith.constant 0 : i32
        %dma_wait3A_88 = tpu.memref_slice %arg7[%dma_wait3A_86, %dma_wait3A_87] : memref<112x128xi32, #tpu.memory_space<vmem>> -> memref<112x128xi32, #tpu.memory_space<vmem>>
        %dma_wait3A_89 = arith.constant 0 : i32
        %dma_wait3A_90 = tpu.memref_slice %arg3[%mul3A_16, %dma_wait3A_89] : memref<2560x128xi32, #tpu.memory_space<hbm>> -> memref<112x128xi32, #tpu.memory_space<hbm>>
        %dma_wait3A_91 = arith.constant 0 : i32
        %dma_wait3A_92 = arith.constant 0 : i32
        %dma_wait3A_93 = tpu.memref_slice %arg7[%dma_wait3A_91, %dma_wait3A_92] : memref<112x128xi32, #tpu.memory_space<vmem>> -> memref<112x128xi32, #tpu.memory_space<vmem>>
        %dma_wait3A_94 = arith.constant 0 : i32
        %dma_wait3A_95 = tpu.memref_slice %arg3[%mul3A_16, %dma_wait3A_94] : memref<2560x128xi32, #tpu.memory_space<hbm>> -> memref<112x128xi32, #tpu.memory_space<hbm>>
        tpu.wait_dma2 semaphore(%run_scoped3A : memref<!tpu.dma_semaphore, #tpu.memory_space<semaphore_mem>>) src(%dma_wait3A_95 : memref<112x128xi32, #tpu.memory_space<hbm>>) dst(%dma_wait3A_93 : memref<112x128xi32, #tpu.memory_space<vmem>>)
        tpu.yield
      }) : () -> ()
      %mul3A_17 = arith.constant 20480 : i32
      %mul3A_18 = arith.muli %arg1, %mul3A_17 : i32
      %dma_start3A = arith.constant 0 : i32
      %dma_start3A_19 = arith.constant 0 : i32
      %dma_start3A_20 = tpu.memref_slice %arg7[%dma_start3A, %dma_start3A_19] : memref<112x128xi32, #tpu.memory_space<vmem>> -> memref<1x64xi32, #tpu.memory_space<vmem>>
      %dma_start3A_21 = tpu.memref_squeeze %dma_start3A_20 : memref<1x64xi32, #tpu.memory_space<vmem>> -> memref<64xi32, #tpu.memory_space<vmem>>
      %dma_start3A_22 = arith.constant 0 : i32
      %dma_start3A_23 = arith.constant 0 : i32
      %dma_start3A_24 = tpu.memref_slice %arg2[%dma_start3A_22, %dma_start3A_23] : memref<10000x128xf32, #tpu.memory_space<hbm>> -> memref<10000x128xf32, #tpu.memory_space<hbm>>
      tpu.enqueue_indirect_dma source(%dma_start3A_24 : memref<10000x128xf32, #tpu.memory_space<hbm>>) target(%arg8 : memref<64x128xf32, #tpu.memory_space<vmem>>) offsets(%dma_start3A_21 : memref<64xi32, #tpu.memory_space<vmem>>) semaphore(%arg16 : memref<!tpu.dma_semaphore, #tpu.memory_space<semaphore_mem>>)
      %add3A = arith.constant 0 : i32
      %add3A_25 = arith.addi %mul3A_18, %add3A : i32
      %dma_start3A_26 = tpu.memref_slice %arg4[%add3A_25] : memref<327680xi32, #tpu.memory_space<hbm>> -> memref<64xi32, #tpu.memory_space<hbm>>
      %dma_start3A_27 = tpu.memref_slice %arg4[%add3A_25] : memref<327680xi32, #tpu.memory_space<hbm>> -> memref<64xi32, #tpu.memory_space<hbm>>
      tpu.enqueue_dma source(%dma_start3A_27 : memref<64xi32, #tpu.memory_space<hbm>>) target(%arg12 : memref<64xi32, #tpu.memory_space<vmem>>) target_semaphore(%arg24 : memref<!tpu.dma_semaphore, #tpu.memory_space<semaphore_mem>>)
      %dma_start3A_28 = arith.constant 0 : i32
      %dma_start3A_29 = arith.constant 64 : i32
      %dma_start3A_30 = tpu.memref_slice %arg7[%dma_start3A_28, %dma_start3A_29] : memref<112x128xi32, #tpu.memory_space<vmem>> -> memref<1x64xi32, #tpu.memory_space<vmem>>
      %dma_start3A_31 = tpu.memref_squeeze %dma_start3A_30 : memref<1x64xi32, #tpu.memory_space<vmem>> -> memref<64xi32, #tpu.memory_space<vmem>>
      %dma_start3A_32 = arith.constant 0 : i32
      %dma_start3A_33 = arith.constant 0 : i32
      %dma_start3A_34 = tpu.memref_slice %arg2[%dma_start3A_32, %dma_start3A_33] : memref<10000x128xf32, #tpu.memory_space<hbm>> -> memref<10000x128xf32, #tpu.memory_space<hbm>>
      tpu.enqueue_indirect_dma source(%dma_start3A_34 : memref<10000x128xf32, #tpu.memory_space<hbm>>) target(%arg9 : memref<64x128xf32, #tpu.memory_space<vmem>>) offsets(%dma_start3A_31 : memref<64xi32, #tpu.memory_space<vmem>>) semaphore(%arg17 : memref<!tpu.dma_semaphore, #tpu.memory_space<semaphore_mem>>)
      %add3A_35 = arith.constant 64 : i32
      %add3A_36 = arith.addi %mul3A_18, %add3A_35 : i32
      %dma_start3A_37 = tpu.memref_slice %arg4[%add3A_36] : memref<327680xi32, #tpu.memory_space<hbm>> -> memref<64xi32, #tpu.memory_space<hbm>>
      %dma_start3A_38 = tpu.memref_slice %arg4[%add3A_36] : memref<327680xi32, #tpu.memory_space<hbm>> -> memref<64xi32, #tpu.memory_space<hbm>>
      tpu.enqueue_dma source(%dma_start3A_38 : memref<64xi32, #tpu.memory_space<hbm>>) target(%arg13 : memref<64xi32, #tpu.memory_space<vmem>>) target_semaphore(%arg25 : memref<!tpu.dma_semaphore, #tpu.memory_space<semaphore_mem>>)
      %dma_start3A_39 = arith.constant 1 : i32
      %dma_start3A_40 = arith.constant 0 : i32
      %dma_start3A_41 = tpu.memref_slice %arg7[%dma_start3A_39, %dma_start3A_40] : memref<112x128xi32, #tpu.memory_space<vmem>> -> memref<1x64xi32, #tpu.memory_space<vmem>>
      %dma_start3A_42 = tpu.memref_squeeze %dma_start3A_41 : memref<1x64xi32, #tpu.memory_space<vmem>> -> memref<64xi32, #tpu.memory_space<vmem>>
      %dma_start3A_43 = arith.constant 0 : i32
      %dma_start3A_44 = arith.constant 0 : i32
      %dma_start3A_45 = tpu.memref_slice %arg2[%dma_start3A_43, %dma_start3A_44] : memref<10000x128xf32, #tpu.memory_space<hbm>> -> memref<10000x128xf32, #tpu.memory_space<hbm>>
      tpu.enqueue_indirect_dma source(%dma_start3A_45 : memref<10000x128xf32, #tpu.memory_space<hbm>>) target(%arg10 : memref<64x128xf32, #tpu.memory_space<vmem>>) offsets(%dma_start3A_42 : memref<64xi32, #tpu.memory_space<vmem>>) semaphore(%arg18 : memref<!tpu.dma_semaphore, #tpu.memory_space<semaphore_mem>>)
      %add3A_46 = arith.constant 128 : i32
      %add3A_47 = arith.addi %mul3A_18, %add3A_46 : i32
      %dma_start3A_48 = tpu.memref_slice %arg4[%add3A_47] : memref<327680xi32, #tpu.memory_space<hbm>> -> memref<64xi32, #tpu.memory_space<hbm>>
      %dma_start3A_49 = tpu.memref_slice %arg4[%add3A_47] : memref<327680xi32, #tpu.memory_space<hbm>> -> memref<64xi32, #tpu.memory_space<hbm>>
      tpu.enqueue_dma source(%dma_start3A_49 : memref<64xi32, #tpu.memory_space<hbm>>) target(%arg14 : memref<64xi32, #tpu.memory_space<vmem>>) target_semaphore(%arg26 : memref<!tpu.dma_semaphore, #tpu.memory_space<semaphore_mem>>)
      %dma_start3A_50 = arith.constant 1 : i32
      %dma_start3A_51 = arith.constant 64 : i32
      %dma_start3A_52 = tpu.memref_slice %arg7[%dma_start3A_50, %dma_start3A_51] : memref<112x128xi32, #tpu.memory_space<vmem>> -> memref<1x64xi32, #tpu.memory_space<vmem>>
      %dma_start3A_53 = tpu.memref_squeeze %dma_start3A_52 : memref<1x64xi32, #tpu.memory_space<vmem>> -> memref<64xi32, #tpu.memory_space<vmem>>
      %dma_start3A_54 = arith.constant 0 : i32
      %dma_start3A_55 = arith.constant 0 : i32
      %dma_start3A_56 = tpu.memref_slice %arg2[%dma_start3A_54, %dma_start3A_55] : memref<10000x128xf32, #tpu.memory_space<hbm>> -> memref<10000x128xf32, #tpu.memory_space<hbm>>
      tpu.enqueue_indirect_dma source(%dma_start3A_56 : memref<10000x128xf32, #tpu.memory_space<hbm>>) target(%arg11 : memref<64x128xf32, #tpu.memory_space<vmem>>) offsets(%dma_start3A_53 : memref<64xi32, #tpu.memory_space<vmem>>) semaphore(%arg19 : memref<!tpu.dma_semaphore, #tpu.memory_space<semaphore_mem>>)
      %add3A_57 = arith.constant 192 : i32
      %add3A_58 = arith.addi %mul3A_18, %add3A_57 : i32
      %dma_start3A_59 = tpu.memref_slice %arg4[%add3A_58] : memref<327680xi32, #tpu.memory_space<hbm>> -> memref<64xi32, #tpu.memory_space<hbm>>
      %dma_start3A_60 = tpu.memref_slice %arg4[%add3A_58] : memref<327680xi32, #tpu.memory_space<hbm>> -> memref<64xi32, #tpu.memory_space<hbm>>
      tpu.enqueue_dma source(%dma_start3A_60 : memref<64xi32, #tpu.memory_space<hbm>>) target(%arg15 : memref<64xi32, #tpu.memory_space<vmem>>) target_semaphore(%arg27 : memref<!tpu.dma_semaphore, #tpu.memory_space<semaphore_mem>>)
      %scan3A = arith.constant 0 : i32
      %scan3A_61 = arith.constant 56 : i32
      %scan3A_62 = arith.addi %scan3A, %scan3A_61 : i32
      %scan3A_63 = arith.constant 1 : i32
      scf.for %scan3A_76 = %scan3A to %scan3A_62 step %scan3A_63  : i32 {
        %mul3A_77 = arith.constant 1 : i32
        %mul3A_78 = arith.muli %scan3A_76, %mul3A_77 : i32
        %add3A_79 = arith.constant 0 : i32
        %add3A_80 = arith.addi %add3A_79, %mul3A_78 : i32
        %mul3A_81 = arith.constant 2 : i32
        %mul3A_82 = arith.muli %mul3A_81, %add3A_80 : i32
        %add3A_83 = arith.constant 0 : i32
        %add3A_84 = arith.addi %mul3A_82, %add3A_83 : i32
        %dma_wait3A_85 = arith.constant 0 : i32
        %dma_wait3A_86 = tpu.memref_slice %arg7[%add3A_84, %dma_wait3A_85] : memref<112x128xi32, #tpu.memory_space<vmem>> -> memref<1x64xi32, #tpu.memory_space<vmem>>
        %dma_wait3A_87 = tpu.memref_squeeze %dma_wait3A_86 : memref<1x64xi32, #tpu.memory_space<vmem>> -> memref<64xi32, #tpu.memory_space<vmem>>
        %dma_wait3A_88 = arith.constant 0 : i32
        %dma_wait3A_89 = arith.constant 0 : i32
        %dma_wait3A_90 = tpu.memref_slice %arg2[%dma_wait3A_88, %dma_wait3A_89] : memref<10000x128xf32, #tpu.memory_space<hbm>> -> memref<10000x128xf32, #tpu.memory_space<hbm>>
        tpu.wait_indirect_dma semaphore(%arg16 : memref<!tpu.dma_semaphore, #tpu.memory_space<semaphore_mem>>) src(%dma_wait3A_90 : memref<10000x128xf32, #tpu.memory_space<hbm>>) dst(%arg8 : memref<64x128xf32, #tpu.memory_space<vmem>>)
        %dma_wait3A_91 = tpu.memref_slice %arg4[%mul3A_18] : memref<327680xi32, #tpu.memory_space<hbm>> -> memref<64xi32, #tpu.memory_space<hbm>>
        %dma_wait3A_92 = tpu.memref_slice %arg4[%mul3A_18] : memref<327680xi32, #tpu.memory_space<hbm>> -> memref<64xi32, #tpu.memory_space<hbm>>
        tpu.wait_dma2 semaphore(%arg24 : memref<!tpu.dma_semaphore, #tpu.memory_space<semaphore_mem>>) src(%dma_wait3A_92 : memref<64xi32, #tpu.memory_space<hbm>>) dst(%arg12 : memref<64xi32, #tpu.memory_space<vmem>>)
        %dma_start3A_93 = arith.constant 0 : i32
        %dma_start3A_94 = arith.constant 0 : i32
        %dma_start3A_95 = tpu.memref_slice %arg28[%dma_start3A_93, %dma_start3A_94] : memref<10240x128xf32, #tpu.memory_space<vmem_shared>> -> memref<10240x128xf32, #tpu.memory_space<vmem_shared>>
        tpu.enqueue_indirect_dma source(%arg8 : memref<64x128xf32, #tpu.memory_space<vmem>>) target(%dma_start3A_95 : memref<10240x128xf32, #tpu.memory_space<vmem_shared>>) offsets(%arg12 : memref<64xi32, #tpu.memory_space<vmem>>) semaphore(%arg20 : memref<!tpu.dma_semaphore, #tpu.memory_space<semaphore_mem>>) {add = true}
        %mul3A_96 = arith.constant 2 : i32
        %mul3A_97 = arith.muli %mul3A_96, %add3A_80 : i32
        %add3A_98 = arith.constant 0 : i32
        %add3A_99 = arith.addi %mul3A_97, %add3A_98 : i32
        %dma_wait3A_100 = arith.constant 64 : i32
        %dma_wait3A_101 = tpu.memref_slice %arg7[%add3A_99, %dma_wait3A_100] : memref<112x128xi32, #tpu.memory_space<vmem>> -> memref<1x64xi32, #tpu.memory_space<vmem>>
        %dma_wait3A_102 = tpu.memref_squeeze %dma_wait3A_101 : memref<1x64xi32, #tpu.memory_space<vmem>> -> memref<64xi32, #tpu.memory_space<vmem>>
        %dma_wait3A_103 = arith.constant 0 : i32
        %dma_wait3A_104 = arith.constant 0 : i32
        %dma_wait3A_105 = tpu.memref_slice %arg2[%dma_wait3A_103, %dma_wait3A_104] : memref<10000x128xf32, #tpu.memory_space<hbm>> -> memref<10000x128xf32, #tpu.memory_space<hbm>>
        tpu.wait_indirect_dma semaphore(%arg17 : memref<!tpu.dma_semaphore, #tpu.memory_space<semaphore_mem>>) src(%dma_wait3A_105 : memref<10000x128xf32, #tpu.memory_space<hbm>>) dst(%arg9 : memref<64x128xf32, #tpu.memory_space<vmem>>)
        %dma_wait3A_106 = tpu.memref_slice %arg4[%mul3A_18] : memref<327680xi32, #tpu.memory_space<hbm>> -> memref<64xi32, #tpu.memory_space<hbm>>
        %dma_wait3A_107 = tpu.memref_slice %arg4[%mul3A_18] : memref<327680xi32, #tpu.memory_space<hbm>> -> memref<64xi32, #tpu.memory_space<hbm>>
        tpu.wait_dma2 semaphore(%arg25 : memref<!tpu.dma_semaphore, #tpu.memory_space<semaphore_mem>>) src(%dma_wait3A_107 : memref<64xi32, #tpu.memory_space<hbm>>) dst(%arg13 : memref<64xi32, #tpu.memory_space<vmem>>)
        %dma_start3A_108 = arith.constant 0 : i32
        %dma_start3A_109 = arith.constant 0 : i32
        %dma_start3A_110 = tpu.memref_slice %arg28[%dma_start3A_108, %dma_start3A_109] : memref<10240x128xf32, #tpu.memory_space<vmem_shared>> -> memref<10240x128xf32, #tpu.memory_space<vmem_shared>>
        tpu.enqueue_indirect_dma source(%arg9 : memref<64x128xf32, #tpu.memory_space<vmem>>) target(%dma_start3A_110 : memref<10240x128xf32, #tpu.memory_space<vmem_shared>>) offsets(%arg13 : memref<64xi32, #tpu.memory_space<vmem>>) semaphore(%arg21 : memref<!tpu.dma_semaphore, #tpu.memory_space<semaphore_mem>>) {add = true}
        %lt3A = arith.constant 55 : i32
        %lt3A_111 = arith.cmpi slt, %add3A_80, %lt3A : i32
        %convert_element_type3A_112 = arith.extui %lt3A_111 : i1 to i32
        %cond3A_113 = arith.constant 0 : i32
        %cond3A_114 = arith.cmpi ne, %convert_element_type3A_112, %cond3A_113 : i32
        scf.if %cond3A_114 {
          %dma_wait3A_150 = arith.constant 0 : i32
          %dma_wait3A_151 = arith.constant 0 : i32
          %dma_wait3A_152 = tpu.memref_slice %arg28[%dma_wait3A_150, %dma_wait3A_151] : memref<10240x128xf32, #tpu.memory_space<vmem_shared>> -> memref<10240x128xf32, #tpu.memory_space<vmem_shared>>
          tpu.wait_indirect_dma semaphore(%arg20 : memref<!tpu.dma_semaphore, #tpu.memory_space<semaphore_mem>>) src(%arg8 : memref<64x128xf32, #tpu.memory_space<vmem>>) dst(%dma_wait3A_152 : memref<10240x128xf32, #tpu.memory_space<vmem_shared>>)
          %add3A_153 = arith.constant 1 : i32
          %add3A_154 = arith.addi %add3A_80, %add3A_153 : i32
          %mul3A_155 = arith.constant 2 : i32
          %mul3A_156 = arith.muli %mul3A_155, %add3A_154 : i32
          %add3A_157 = arith.constant 0 : i32
          %add3A_158 = arith.addi %mul3A_156, %add3A_157 : i32
          %dma_start3A_159 = arith.constant 0 : i32
          %dma_start3A_160 = tpu.memref_slice %arg7[%add3A_158, %dma_start3A_159] : memref<112x128xi32, #tpu.memory_space<vmem>> -> memref<1x64xi32, #tpu.memory_space<vmem>>
          %dma_start3A_161 = tpu.memref_squeeze %dma_start3A_160 : memref<1x64xi32, #tpu.memory_space<vmem>> -> memref<64xi32, #tpu.memory_space<vmem>>
          %dma_start3A_162 = arith.constant 0 : i32
          %dma_start3A_163 = arith.constant 0 : i32
          %dma_start3A_164 = tpu.memref_slice %arg2[%dma_start3A_162, %dma_start3A_163] : memref<10000x128xf32, #tpu.memory_space<hbm>> -> memref<10000x128xf32, #tpu.memory_space<hbm>>
          tpu.enqueue_indirect_dma source(%dma_start3A_164 : memref<10000x128xf32, #tpu.memory_space<hbm>>) target(%arg8 : memref<64x128xf32, #tpu.memory_space<vmem>>) offsets(%dma_start3A_161 : memref<64xi32, #tpu.memory_space<vmem>>) semaphore(%arg16 : memref<!tpu.dma_semaphore, #tpu.memory_space<semaphore_mem>>)
          %mul3A_165 = arith.constant 4 : i32
          %mul3A_166 = arith.muli %mul3A_165, %add3A_154 : i32
          %add3A_167 = arith.constant 0 : i32
          %add3A_168 = arith.addi %mul3A_166, %add3A_167 : i32
          %mul3A_169 = arith.constant 64 : i32
          %mul3A_170 = arith.muli %add3A_168, %mul3A_169 : i32
          %add3A_171 = arith.addi %mul3A_18, %mul3A_170 : i32
          %dma_start3A_172 = tpu.memref_slice %arg4[%add3A_171] : memref<327680xi32, #tpu.memory_space<hbm>> -> memref<64xi32, #tpu.memory_space<hbm>>
          %dma_start3A_173 = tpu.memref_slice %arg4[%add3A_171] : memref<327680xi32, #tpu.memory_space<hbm>> -> memref<64xi32, #tpu.memory_space<hbm>>
          tpu.enqueue_dma source(%dma_start3A_173 : memref<64xi32, #tpu.memory_space<hbm>>) target(%arg12 : memref<64xi32, #tpu.memory_space<vmem>>) target_semaphore(%arg24 : memref<!tpu.dma_semaphore, #tpu.memory_space<semaphore_mem>>)
          %dma_wait3A_174 = arith.constant 0 : i32
          %dma_wait3A_175 = arith.constant 0 : i32
          %dma_wait3A_176 = tpu.memref_slice %arg28[%dma_wait3A_174, %dma_wait3A_175] : memref<10240x128xf32, #tpu.memory_space<vmem_shared>> -> memref<10240x128xf32, #tpu.memory_space<vmem_shared>>
          tpu.wait_indirect_dma semaphore(%arg21 : memref<!tpu.dma_semaphore, #tpu.memory_space<semaphore_mem>>) src(%arg9 : memref<64x128xf32, #tpu.memory_space<vmem>>) dst(%dma_wait3A_176 : memref<10240x128xf32, #tpu.memory_space<vmem_shared>>)
          %add3A_177 = arith.constant 1 : i32
          %add3A_178 = arith.addi %add3A_80, %add3A_177 : i32
          %mul3A_179 = arith.constant 2 : i32
          %mul3A_180 = arith.muli %mul3A_179, %add3A_178 : i32
          %add3A_181 = arith.constant 0 : i32
          %add3A_182 = arith.addi %mul3A_180, %add3A_181 : i32
          %dma_start3A_183 = arith.constant 64 : i32
          %dma_start3A_184 = tpu.memref_slice %arg7[%add3A_182, %dma_start3A_183] : memref<112x128xi32, #tpu.memory_space<vmem>> -> memref<1x64xi32, #tpu.memory_space<vmem>>
          %dma_start3A_185 = tpu.memref_squeeze %dma_start3A_184 : memref<1x64xi32, #tpu.memory_space<vmem>> -> memref<64xi32, #tpu.memory_space<vmem>>
          %dma_start3A_186 = arith.constant 0 : i32
          %dma_start3A_187 = arith.constant 0 : i32
          %dma_start3A_188 = tpu.memref_slice %arg2[%dma_start3A_186, %dma_start3A_187] : memref<10000x128xf32, #tpu.memory_space<hbm>> -> memref<10000x128xf32, #tpu.memory_space<hbm>>
          tpu.enqueue_indirect_dma source(%dma_start3A_188 : memref<10000x128xf32, #tpu.memory_space<hbm>>) target(%arg9 : memref<64x128xf32, #tpu.memory_space<vmem>>) offsets(%dma_start3A_185 : memref<64xi32, #tpu.memory_space<vmem>>) semaphore(%arg17 : memref<!tpu.dma_semaphore, #tpu.memory_space<semaphore_mem>>)
          %mul3A_189 = arith.constant 4 : i32
          %mul3A_190 = arith.muli %mul3A_189, %add3A_178 : i32
          %add3A_191 = arith.constant 1 : i32
          %add3A_192 = arith.addi %mul3A_190, %add3A_191 : i32
          %mul3A_193 = arith.constant 64 : i32
          %mul3A_194 = arith.muli %add3A_192, %mul3A_193 : i32
          %add3A_195 = arith.addi %mul3A_18, %mul3A_194 : i32
          %dma_start3A_196 = tpu.memref_slice %arg4[%add3A_195] : memref<327680xi32, #tpu.memory_space<hbm>> -> memref<64xi32, #tpu.memory_space<hbm>>
          %dma_start3A_197 = tpu.memref_slice %arg4[%add3A_195] : memref<327680xi32, #tpu.memory_space<hbm>> -> memref<64xi32, #tpu.memory_space<hbm>>
          tpu.enqueue_dma source(%dma_start3A_197 : memref<64xi32, #tpu.memory_space<hbm>>) target(%arg13 : memref<64xi32, #tpu.memory_space<vmem>>) target_semaphore(%arg25 : memref<!tpu.dma_semaphore, #tpu.memory_space<semaphore_mem>>)
        } else {
        }
        %mul3A_115 = arith.constant 2 : i32
        %mul3A_116 = arith.muli %mul3A_115, %add3A_80 : i32
        %add3A_117 = arith.constant 1 : i32
        %add3A_118 = arith.addi %mul3A_116, %add3A_117 : i32
        %dma_wait3A_119 = arith.constant 0 : i32
        %dma_wait3A_120 = tpu.memref_slice %arg7[%add3A_118, %dma_wait3A_119] : memref<112x128xi32, #tpu.memory_space<vmem>> -> memref<1x64xi32, #tpu.memory_space<vmem>>
        %dma_wait3A_121 = tpu.memref_squeeze %dma_wait3A_120 : memref<1x64xi32, #tpu.memory_space<vmem>> -> memref<64xi32, #tpu.memory_space<vmem>>
        %dma_wait3A_122 = arith.constant 0 : i32
        %dma_wait3A_123 = arith.constant 0 : i32
        %dma_wait3A_124 = tpu.memref_slice %arg2[%dma_wait3A_122, %dma_wait3A_123] : memref<10000x128xf32, #tpu.memory_space<hbm>> -> memref<10000x128xf32, #tpu.memory_space<hbm>>
        tpu.wait_indirect_dma semaphore(%arg18 : memref<!tpu.dma_semaphore, #tpu.memory_space<semaphore_mem>>) src(%dma_wait3A_124 : memref<10000x128xf32, #tpu.memory_space<hbm>>) dst(%arg10 : memref<64x128xf32, #tpu.memory_space<vmem>>)
        %dma_wait3A_125 = tpu.memref_slice %arg4[%mul3A_18] : memref<327680xi32, #tpu.memory_space<hbm>> -> memref<64xi32, #tpu.memory_space<hbm>>
        %dma_wait3A_126 = tpu.memref_slice %arg4[%mul3A_18] : memref<327680xi32, #tpu.memory_space<hbm>> -> memref<64xi32, #tpu.memory_space<hbm>>
        tpu.wait_dma2 semaphore(%arg26 : memref<!tpu.dma_semaphore, #tpu.memory_space<semaphore_mem>>) src(%dma_wait3A_126 : memref<64xi32, #tpu.memory_space<hbm>>) dst(%arg14 : memref<64xi32, #tpu.memory_space<vmem>>)
        %dma_start3A_127 = arith.constant 0 : i32
        %dma_start3A_128 = arith.constant 0 : i32
        %dma_start3A_129 = tpu.memref_slice %arg28[%dma_start3A_127, %dma_start3A_128] : memref<10240x128xf32, #tpu.memory_space<vmem_shared>> -> memref<10240x128xf32, #tpu.memory_space<vmem_shared>>
        tpu.enqueue_indirect_dma source(%arg10 : memref<64x128xf32, #tpu.memory_space<vmem>>) target(%dma_start3A_129 : memref<10240x128xf32, #tpu.memory_space<vmem_shared>>) offsets(%arg14 : memref<64xi32, #tpu.memory_space<vmem>>) semaphore(%arg22 : memref<!tpu.dma_semaphore, #tpu.memory_space<semaphore_mem>>) {add = true}
        %mul3A_130 = arith.constant 2 : i32
        %mul3A_131 = arith.muli %mul3A_130, %add3A_80 : i32
        %add3A_132 = arith.constant 1 : i32
        %add3A_133 = arith.addi %mul3A_131, %add3A_132 : i32
        %dma_wait3A_134 = arith.constant 64 : i32
        %dma_wait3A_135 = tpu.memref_slice %arg7[%add3A_133, %dma_wait3A_134] : memref<112x128xi32, #tpu.memory_space<vmem>> -> memref<1x64xi32, #tpu.memory_space<vmem>>
        %dma_wait3A_136 = tpu.memref_squeeze %dma_wait3A_135 : memref<1x64xi32, #tpu.memory_space<vmem>> -> memref<64xi32, #tpu.memory_space<vmem>>
        %dma_wait3A_137 = arith.constant 0 : i32
        %dma_wait3A_138 = arith.constant 0 : i32
        %dma_wait3A_139 = tpu.memref_slice %arg2[%dma_wait3A_137, %dma_wait3A_138] : memref<10000x128xf32, #tpu.memory_space<hbm>> -> memref<10000x128xf32, #tpu.memory_space<hbm>>
        tpu.wait_indirect_dma semaphore(%arg19 : memref<!tpu.dma_semaphore, #tpu.memory_space<semaphore_mem>>) src(%dma_wait3A_139 : memref<10000x128xf32, #tpu.memory_space<hbm>>) dst(%arg11 : memref<64x128xf32, #tpu.memory_space<vmem>>)
        %dma_wait3A_140 = tpu.memref_slice %arg4[%mul3A_18] : memref<327680xi32, #tpu.memory_space<hbm>> -> memref<64xi32, #tpu.memory_space<hbm>>
        %dma_wait3A_141 = tpu.memref_slice %arg4[%mul3A_18] : memref<327680xi32, #tpu.memory_space<hbm>> -> memref<64xi32, #tpu.memory_space<hbm>>
        tpu.wait_dma2 semaphore(%arg27 : memref<!tpu.dma_semaphore, #tpu.memory_space<semaphore_mem>>) src(%dma_wait3A_141 : memref<64xi32, #tpu.memory_space<hbm>>) dst(%arg15 : memref<64xi32, #tpu.memory_space<vmem>>)
        %dma_start3A_142 = arith.constant 0 : i32
        %dma_start3A_143 = arith.constant 0 : i32
        %dma_start3A_144 = tpu.memref_slice %arg28[%dma_start3A_142, %dma_start3A_143] : memref<10240x128xf32, #tpu.memory_space<vmem_shared>> -> memref<10240x128xf32, #tpu.memory_space<vmem_shared>>
        tpu.enqueue_indirect_dma source(%arg11 : memref<64x128xf32, #tpu.memory_space<vmem>>) target(%dma_start3A_144 : memref<10240x128xf32, #tpu.memory_space<vmem_shared>>) offsets(%arg15 : memref<64xi32, #tpu.memory_space<vmem>>) semaphore(%arg23 : memref<!tpu.dma_semaphore, #tpu.memory_space<semaphore_mem>>) {add = true}
        %lt3A_145 = arith.constant 55 : i32
        %lt3A_146 = arith.cmpi slt, %add3A_80, %lt3A_145 : i32
        %convert_element_type3A_147 = arith.extui %lt3A_146 : i1 to i32
        %cond3A_148 = arith.constant 0 : i32
        %cond3A_149 = arith.cmpi ne, %convert_element_type3A_147, %cond3A_148 : i32
        scf.if %cond3A_149 {
          %dma_wait3A_150 = arith.constant 0 : i32
          %dma_wait3A_151 = arith.constant 0 : i32
          %dma_wait3A_152 = tpu.memref_slice %arg28[%dma_wait3A_150, %dma_wait3A_151] : memref<10240x128xf32, #tpu.memory_space<vmem_shared>> -> memref<10240x128xf32, #tpu.memory_space<vmem_shared>>
          tpu.wait_indirect_dma semaphore(%arg22 : memref<!tpu.dma_semaphore, #tpu.memory_space<semaphore_mem>>) src(%arg10 : memref<64x128xf32, #tpu.memory_space<vmem>>) dst(%dma_wait3A_152 : memref<10240x128xf32, #tpu.memory_space<vmem_shared>>)
          %add3A_153 = arith.constant 1 : i32
          %add3A_154 = arith.addi %add3A_80, %add3A_153 : i32
          %mul3A_155 = arith.constant 2 : i32
          %mul3A_156 = arith.muli %mul3A_155, %add3A_154 : i32
          %add3A_157 = arith.constant 1 : i32
          %add3A_158 = arith.addi %mul3A_156, %add3A_157 : i32
          %dma_start3A_159 = arith.constant 0 : i32
          %dma_start3A_160 = tpu.memref_slice %arg7[%add3A_158, %dma_start3A_159] : memref<112x128xi32, #tpu.memory_space<vmem>> -> memref<1x64xi32, #tpu.memory_space<vmem>>
          %dma_start3A_161 = tpu.memref_squeeze %dma_start3A_160 : memref<1x64xi32, #tpu.memory_space<vmem>> -> memref<64xi32, #tpu.memory_space<vmem>>
          %dma_start3A_162 = arith.constant 0 : i32
          %dma_start3A_163 = arith.constant 0 : i32
          %dma_start3A_164 = tpu.memref_slice %arg2[%dma_start3A_162, %dma_start3A_163] : memref<10000x128xf32, #tpu.memory_space<hbm>> -> memref<10000x128xf32, #tpu.memory_space<hbm>>
          tpu.enqueue_indirect_dma source(%dma_start3A_164 : memref<10000x128xf32, #tpu.memory_space<hbm>>) target(%arg10 : memref<64x128xf32, #tpu.memory_space<vmem>>) offsets(%dma_start3A_161 : memref<64xi32, #tpu.memory_space<vmem>>) semaphore(%arg18 : memref<!tpu.dma_semaphore, #tpu.memory_space<semaphore_mem>>)
          %mul3A_165 = arith.constant 4 : i32
          %mul3A_166 = arith.muli %mul3A_165, %add3A_154 : i32
          %add3A_167 = arith.constant 2 : i32
          %add3A_168 = arith.addi %mul3A_166, %add3A_167 : i32
          %mul3A_169 = arith.constant 64 : i32
          %mul3A_170 = arith.muli %add3A_168, %mul3A_169 : i32
          %add3A_171 = arith.addi %mul3A_18, %mul3A_170 : i32
          %dma_start3A_172 = tpu.memref_slice %arg4[%add3A_171] : memref<327680xi32, #tpu.memory_space<hbm>> -> memref<64xi32, #tpu.memory_space<hbm>>
          %dma_start3A_173 = tpu.memref_slice %arg4[%add3A_171] : memref<327680xi32, #tpu.memory_space<hbm>> -> memref<64xi32, #tpu.memory_space<hbm>>
          tpu.enqueue_dma source(%dma_start3A_173 : memref<64xi32, #tpu.memory_space<hbm>>) target(%arg14 : memref<64xi32, #tpu.memory_space<vmem>>) target_semaphore(%arg26 : memref<!tpu.dma_semaphore, #tpu.memory_space<semaphore_mem>>)
          %dma_wait3A_174 = arith.constant 0 : i32
          %dma_wait3A_175 = arith.constant 0 : i32
          %dma_wait3A_176 = tpu.memref_slice %arg28[%dma_wait3A_174, %dma_wait3A_175] : memref<10240x128xf32, #tpu.memory_space<vmem_shared>> -> memref<10240x128xf32, #tpu.memory_space<vmem_shared>>
          tpu.wait_indirect_dma semaphore(%arg23 : memref<!tpu.dma_semaphore, #tpu.memory_space<semaphore_mem>>) src(%arg11 : memref<64x128xf32, #tpu.memory_space<vmem>>) dst(%dma_wait3A_176 : memref<10240x128xf32, #tpu.memory_space<vmem_shared>>)
          %add3A_177 = arith.constant 1 : i32
          %add3A_178 = arith.addi %add3A_80, %add3A_177 : i32
          %mul3A_179 = arith.constant 2 : i32
          %mul3A_180 = arith.muli %mul3A_179, %add3A_178 : i32
          %add3A_181 = arith.constant 1 : i32
          %add3A_182 = arith.addi %mul3A_180, %add3A_181 : i32
          %dma_start3A_183 = arith.constant 64 : i32
          %dma_start3A_184 = tpu.memref_slice %arg7[%add3A_182, %dma_start3A_183] : memref<112x128xi32, #tpu.memory_space<vmem>> -> memref<1x64xi32, #tpu.memory_space<vmem>>
          %dma_start3A_185 = tpu.memref_squeeze %dma_start3A_184 : memref<1x64xi32, #tpu.memory_space<vmem>> -> memref<64xi32, #tpu.memory_space<vmem>>
          %dma_start3A_186 = arith.constant 0 : i32
          %dma_start3A_187 = arith.constant 0 : i32
          %dma_start3A_188 = tpu.memref_slice %arg2[%dma_start3A_186, %dma_start3A_187] : memref<10000x128xf32, #tpu.memory_space<hbm>> -> memref<10000x128xf32, #tpu.memory_space<hbm>>
          tpu.enqueue_indirect_dma source(%dma_start3A_188 : memref<10000x128xf32, #tpu.memory_space<hbm>>) target(%arg11 : memref<64x128xf32, #tpu.memory_space<vmem>>) offsets(%dma_start3A_185 : memref<64xi32, #tpu.memory_space<vmem>>) semaphore(%arg19 : memref<!tpu.dma_semaphore, #tpu.memory_space<semaphore_mem>>)
          %mul3A_189 = arith.constant 4 : i32
          %mul3A_190 = arith.muli %mul3A_189, %add3A_178 : i32
          %add3A_191 = arith.constant 3 : i32
          %add3A_192 = arith.addi %mul3A_190, %add3A_191 : i32
          %mul3A_193 = arith.constant 64 : i32
          %mul3A_194 = arith.muli %add3A_192, %mul3A_193 : i32
          %add3A_195 = arith.addi %mul3A_18, %mul3A_194 : i32
          %dma_start3A_196 = tpu.memref_slice %arg4[%add3A_195] : memref<327680xi32, #tpu.memory_space<hbm>> -> memref<64xi32, #tpu.memory_space<hbm>>
          %dma_start3A_197 = tpu.memref_slice %arg4[%add3A_195] : memref<327680xi32, #tpu.memory_space<hbm>> -> memref<64xi32, #tpu.memory_space<hbm>>
          tpu.enqueue_dma source(%dma_start3A_197 : memref<64xi32, #tpu.memory_space<hbm>>) target(%arg15 : memref<64xi32, #tpu.memory_space<vmem>>) target_semaphore(%arg27 : memref<!tpu.dma_semaphore, #tpu.memory_space<semaphore_mem>>)
        } else {
        }
      }
      %scan3A_64 = arith.constant 56 : i32
      %dma_wait3A = arith.constant 0 : i32
      %dma_wait3A_65 = arith.constant 0 : i32
      %dma_wait3A_66 = tpu.memref_slice %arg28[%dma_wait3A, %dma_wait3A_65] : memref<10240x128xf32, #tpu.memory_space<vmem_shared>> -> memref<10240x128xf32, #tpu.memory_space<vmem_shared>>
      tpu.wait_indirect_dma semaphore(%arg20 : memref<!tpu.dma_semaphore, #tpu.memory_space<semaphore_mem>>) src(%arg8 : memref<64x128xf32, #tpu.memory_space<vmem>>) dst(%dma_wait3A_66 : memref<10240x128xf32, #tpu.memory_space<vmem_shared>>)
      %dma_wait3A_67 = arith.constant 0 : i32
      %dma_wait3A_68 = arith.constant 0 : i32
      %dma_wait3A_69 = tpu.memref_slice %arg28[%dma_wait3A_67, %dma_wait3A_68] : memref<10240x128xf32, #tpu.memory_space<vmem_shared>> -> memref<10240x128xf32, #tpu.memory_space<vmem_shared>>
      tpu.wait_indirect_dma semaphore(%arg21 : memref<!tpu.dma_semaphore, #tpu.memory_space<semaphore_mem>>) src(%arg9 : memref<64x128xf32, #tpu.memory_space<vmem>>) dst(%dma_wait3A_69 : memref<10240x128xf32, #tpu.memory_space<vmem_shared>>)
      %dma_wait3A_70 = arith.constant 0 : i32
      %dma_wait3A_71 = arith.constant 0 : i32
      %dma_wait3A_72 = tpu.memref_slice %arg28[%dma_wait3A_70, %dma_wait3A_71] : memref<10240x128xf32, #tpu.memory_space<vmem_shared>> -> memref<10240x128xf32, #tpu.memory_space<vmem_shared>>
      tpu.wait_indirect_dma semaphore(%arg22 : memref<!tpu.dma_semaphore, #tpu.memory_space<semaphore_mem>>) src(%arg10 : memref<64x128xf32, #tpu.memory_space<vmem>>) dst(%dma_wait3A_72 : memref<10240x128xf32, #tpu.memory_space<vmem_shared>>)
      %dma_wait3A_73 = arith.constant 0 : i32
      %dma_wait3A_74 = arith.constant 0 : i32
      %dma_wait3A_75 = tpu.memref_slice %arg28[%dma_wait3A_73, %dma_wait3A_74] : memref<10240x128xf32, #tpu.memory_space<vmem_shared>> -> memref<10240x128xf32, #tpu.memory_space<vmem_shared>>
      tpu.wait_indirect_dma semaphore(%arg23 : memref<!tpu.dma_semaphore, #tpu.memory_space<semaphore_mem>>) src(%arg11 : memref<64x128xf32, #tpu.memory_space<vmem>>) dst(%dma_wait3A_75 : memref<10240x128xf32, #tpu.memory_space<vmem_shared>>)
    } else {
    }
    %eq3A_5 = arith.constant 1 : i32
    %eq3A_6 = arith.cmpi eq, %arg0, %eq3A_5 : i32
    %convert_element_type3A_7 = arith.extui %eq3A_6 : i1 to i32
    %cond3A_8 = arith.constant 0 : i32
    %cond3A_9 = arith.cmpi ne, %convert_element_type3A_7, %cond3A_8 : i32
    scf.if %cond3A_9 {
      %mul3A_15 = arith.constant 160 : i32
      %mul3A_16 = arith.muli %arg1, %mul3A_15 : i32
      %add3A = arith.constant 112 : i32
      %add3A_17 = arith.addi %mul3A_16, %add3A : i32
      "tpu.region"() ({
        %run_scoped3A = tpu.sem_alloc : memref<!tpu.dma_semaphore, #tpu.memory_space<semaphore_mem>>
        %dma_start3A_80 = arith.constant 0 : i32
        %dma_start3A_81 = arith.constant 0 : i32
        %dma_start3A_82 = tpu.memref_slice %arg7[%dma_start3A_80, %dma_start3A_81] : memref<112x128xi32, #tpu.memory_space<vmem>> -> memref<48x128xi32, #tpu.memory_space<vmem>>
        %dma_start3A_83 = arith.constant 0 : i32
        %dma_start3A_84 = tpu.memref_slice %arg3[%add3A_17, %dma_start3A_83] : memref<2560x128xi32, #tpu.memory_space<hbm>> -> memref<48x128xi32, #tpu.memory_space<hbm>>
        %dma_start3A_85 = arith.constant 0 : i32
        %dma_start3A_86 = arith.constant 0 : i32
        %dma_start3A_87 = tpu.memref_slice %arg7[%dma_start3A_85, %dma_start3A_86] : memref<112x128xi32, #tpu.memory_space<vmem>> -> memref<48x128xi32, #tpu.memory_space<vmem>>
        %dma_start3A_88 = arith.constant 0 : i32
        %dma_start3A_89 = tpu.memref_slice %arg3[%add3A_17, %dma_start3A_88] : memref<2560x128xi32, #tpu.memory_space<hbm>> -> memref<48x128xi32, #tpu.memory_space<hbm>>
        tpu.enqueue_dma source(%dma_start3A_89 : memref<48x128xi32, #tpu.memory_space<hbm>>) target(%dma_start3A_87 : memref<48x128xi32, #tpu.memory_space<vmem>>) target_semaphore(%run_scoped3A : memref<!tpu.dma_semaphore, #tpu.memory_space<semaphore_mem>>)
        %dma_wait3A_90 = arith.constant 0 : i32
        %dma_wait3A_91 = arith.constant 0 : i32
        %dma_wait3A_92 = tpu.memref_slice %arg7[%dma_wait3A_90, %dma_wait3A_91] : memref<112x128xi32, #tpu.memory_space<vmem>> -> memref<48x128xi32, #tpu.memory_space<vmem>>
        %dma_wait3A_93 = arith.constant 0 : i32
        %dma_wait3A_94 = tpu.memref_slice %arg3[%add3A_17, %dma_wait3A_93] : memref<2560x128xi32, #tpu.memory_space<hbm>> -> memref<48x128xi32, #tpu.memory_space<hbm>>
        %dma_wait3A_95 = arith.constant 0 : i32
        %dma_wait3A_96 = arith.constant 0 : i32
        %dma_wait3A_97 = tpu.memref_slice %arg7[%dma_wait3A_95, %dma_wait3A_96] : memref<112x128xi32, #tpu.memory_space<vmem>> -> memref<48x128xi32, #tpu.memory_space<vmem>>
        %dma_wait3A_98 = arith.constant 0 : i32
        %dma_wait3A_99 = tpu.memref_slice %arg3[%add3A_17, %dma_wait3A_98] : memref<2560x128xi32, #tpu.memory_space<hbm>> -> memref<48x128xi32, #tpu.memory_space<hbm>>
        tpu.wait_dma2 semaphore(%run_scoped3A : memref<!tpu.dma_semaphore, #tpu.memory_space<semaphore_mem>>) src(%dma_wait3A_99 : memref<48x128xi32, #tpu.memory_space<hbm>>) dst(%dma_wait3A_97 : memref<48x128xi32, #tpu.memory_space<vmem>>)
        tpu.yield
      }) : () -> ()
      %mul3A_18 = arith.constant 20480 : i32
      %mul3A_19 = arith.muli %arg1, %mul3A_18 : i32
      %add3A_20 = arith.constant 14336 : i32
      %add3A_21 = arith.addi %mul3A_19, %add3A_20 : i32
      %dma_start3A = arith.constant 0 : i32
      %dma_start3A_22 = arith.constant 0 : i32
      %dma_start3A_23 = tpu.memref_slice %arg7[%dma_start3A, %dma_start3A_22] : memref<112x128xi32, #tpu.memory_space<vmem>> -> memref<1x64xi32, #tpu.memory_space<vmem>>
      %dma_start3A_24 = tpu.memref_squeeze %dma_start3A_23 : memref<1x64xi32, #tpu.memory_space<vmem>> -> memref<64xi32, #tpu.memory_space<vmem>>
      %dma_start3A_25 = arith.constant 0 : i32
      %dma_start3A_26 = arith.constant 0 : i32
      %dma_start3A_27 = tpu.memref_slice %arg2[%dma_start3A_25, %dma_start3A_26] : memref<10000x128xf32, #tpu.memory_space<hbm>> -> memref<10000x128xf32, #tpu.memory_space<hbm>>
      tpu.enqueue_indirect_dma source(%dma_start3A_27 : memref<10000x128xf32, #tpu.memory_space<hbm>>) target(%arg8 : memref<64x128xf32, #tpu.memory_space<vmem>>) offsets(%dma_start3A_24 : memref<64xi32, #tpu.memory_space<vmem>>) semaphore(%arg16 : memref<!tpu.dma_semaphore, #tpu.memory_space<semaphore_mem>>)
      %add3A_28 = arith.constant 0 : i32
      %add3A_29 = arith.addi %add3A_21, %add3A_28 : i32
      %dma_start3A_30 = tpu.memref_slice %arg4[%add3A_29] : memref<327680xi32, #tpu.memory_space<hbm>> -> memref<64xi32, #tpu.memory_space<hbm>>
      %dma_start3A_31 = tpu.memref_slice %arg4[%add3A_29] : memref<327680xi32, #tpu.memory_space<hbm>> -> memref<64xi32, #tpu.memory_space<hbm>>
      tpu.enqueue_dma source(%dma_start3A_31 : memref<64xi32, #tpu.memory_space<hbm>>) target(%arg12 : memref<64xi32, #tpu.memory_space<vmem>>) target_semaphore(%arg24 : memref<!tpu.dma_semaphore, #tpu.memory_space<semaphore_mem>>)
      %dma_start3A_32 = arith.constant 0 : i32
      %dma_start3A_33 = arith.constant 64 : i32
      %dma_start3A_34 = tpu.memref_slice %arg7[%dma_start3A_32, %dma_start3A_33] : memref<112x128xi32, #tpu.memory_space<vmem>> -> memref<1x64xi32, #tpu.memory_space<vmem>>
      %dma_start3A_35 = tpu.memref_squeeze %dma_start3A_34 : memref<1x64xi32, #tpu.memory_space<vmem>> -> memref<64xi32, #tpu.memory_space<vmem>>
      %dma_start3A_36 = arith.constant 0 : i32
      %dma_start3A_37 = arith.constant 0 : i32
      %dma_start3A_38 = tpu.memref_slice %arg2[%dma_start3A_36, %dma_start3A_37] : memref<10000x128xf32, #tpu.memory_space<hbm>> -> memref<10000x128xf32, #tpu.memory_space<hbm>>
      tpu.enqueue_indirect_dma source(%dma_start3A_38 : memref<10000x128xf32, #tpu.memory_space<hbm>>) target(%arg9 : memref<64x128xf32, #tpu.memory_space<vmem>>) offsets(%dma_start3A_35 : memref<64xi32, #tpu.memory_space<vmem>>) semaphore(%arg17 : memref<!tpu.dma_semaphore, #tpu.memory_space<semaphore_mem>>)
      %add3A_39 = arith.constant 64 : i32
      %add3A_40 = arith.addi %add3A_21, %add3A_39 : i32
      %dma_start3A_41 = tpu.memref_slice %arg4[%add3A_40] : memref<327680xi32, #tpu.memory_space<hbm>> -> memref<64xi32, #tpu.memory_space<hbm>>
      %dma_start3A_42 = tpu.memref_slice %arg4[%add3A_40] : memref<327680xi32, #tpu.memory_space<hbm>> -> memref<64xi32, #tpu.memory_space<hbm>>
      tpu.enqueue_dma source(%dma_start3A_42 : memref<64xi32, #tpu.memory_space<hbm>>) target(%arg13 : memref<64xi32, #tpu.memory_space<vmem>>) target_semaphore(%arg25 : memref<!tpu.dma_semaphore, #tpu.memory_space<semaphore_mem>>)
      %dma_start3A_43 = arith.constant 1 : i32
      %dma_start3A_44 = arith.constant 0 : i32
      %dma_start3A_45 = tpu.memref_slice %arg7[%dma_start3A_43, %dma_start3A_44] : memref<112x128xi32, #tpu.memory_space<vmem>> -> memref<1x64xi32, #tpu.memory_space<vmem>>
      %dma_start3A_46 = tpu.memref_squeeze %dma_start3A_45 : memref<1x64xi32, #tpu.memory_space<vmem>> -> memref<64xi32, #tpu.memory_space<vmem>>
      %dma_start3A_47 = arith.constant 0 : i32
      %dma_start3A_48 = arith.constant 0 : i32
      %dma_start3A_49 = tpu.memref_slice %arg2[%dma_start3A_47, %dma_start3A_48] : memref<10000x128xf32, #tpu.memory_space<hbm>> -> memref<10000x128xf32, #tpu.memory_space<hbm>>
      tpu.enqueue_indirect_dma source(%dma_start3A_49 : memref<10000x128xf32, #tpu.memory_space<hbm>>) target(%arg10 : memref<64x128xf32, #tpu.memory_space<vmem>>) offsets(%dma_start3A_46 : memref<64xi32, #tpu.memory_space<vmem>>) semaphore(%arg18 : memref<!tpu.dma_semaphore, #tpu.memory_space<semaphore_mem>>)
      %add3A_50 = arith.constant 128 : i32
      %add3A_51 = arith.addi %add3A_21, %add3A_50 : i32
      %dma_start3A_52 = tpu.memref_slice %arg4[%add3A_51] : memref<327680xi32, #tpu.memory_space<hbm>> -> memref<64xi32, #tpu.memory_space<hbm>>
      %dma_start3A_53 = tpu.memref_slice %arg4[%add3A_51] : memref<327680xi32, #tpu.memory_space<hbm>> -> memref<64xi32, #tpu.memory_space<hbm>>
      tpu.enqueue_dma source(%dma_start3A_53 : memref<64xi32, #tpu.memory_space<hbm>>) target(%arg14 : memref<64xi32, #tpu.memory_space<vmem>>) target_semaphore(%arg26 : memref<!tpu.dma_semaphore, #tpu.memory_space<semaphore_mem>>)
      %dma_start3A_54 = arith.constant 1 : i32
      %dma_start3A_55 = arith.constant 64 : i32
      %dma_start3A_56 = tpu.memref_slice %arg7[%dma_start3A_54, %dma_start3A_55] : memref<112x128xi32, #tpu.memory_space<vmem>> -> memref<1x64xi32, #tpu.memory_space<vmem>>
      %dma_start3A_57 = tpu.memref_squeeze %dma_start3A_56 : memref<1x64xi32, #tpu.memory_space<vmem>> -> memref<64xi32, #tpu.memory_space<vmem>>
      %dma_start3A_58 = arith.constant 0 : i32
      %dma_start3A_59 = arith.constant 0 : i32
      %dma_start3A_60 = tpu.memref_slice %arg2[%dma_start3A_58, %dma_start3A_59] : memref<10000x128xf32, #tpu.memory_space<hbm>> -> memref<10000x128xf32, #tpu.memory_space<hbm>>
      tpu.enqueue_indirect_dma source(%dma_start3A_60 : memref<10000x128xf32, #tpu.memory_space<hbm>>) target(%arg11 : memref<64x128xf32, #tpu.memory_space<vmem>>) offsets(%dma_start3A_57 : memref<64xi32, #tpu.memory_space<vmem>>) semaphore(%arg19 : memref<!tpu.dma_semaphore, #tpu.memory_space<semaphore_mem>>)
      %add3A_61 = arith.constant 192 : i32
      %add3A_62 = arith.addi %add3A_21, %add3A_61 : i32
      %dma_start3A_63 = tpu.memref_slice %arg4[%add3A_62] : memref<327680xi32, #tpu.memory_space<hbm>> -> memref<64xi32, #tpu.memory_space<hbm>>
      %dma_start3A_64 = tpu.memref_slice %arg4[%add3A_62] : memref<327680xi32, #tpu.memory_space<hbm>> -> memref<64xi32, #tpu.memory_space<hbm>>
      tpu.enqueue_dma source(%dma_start3A_64 : memref<64xi32, #tpu.memory_space<hbm>>) target(%arg15 : memref<64xi32, #tpu.memory_space<vmem>>) target_semaphore(%arg27 : memref<!tpu.dma_semaphore, #tpu.memory_space<semaphore_mem>>)
      %scan3A = arith.constant 0 : i32
      %scan3A_65 = arith.constant 24 : i32
      %scan3A_66 = arith.addi %scan3A, %scan3A_65 : i32
      %scan3A_67 = arith.constant 1 : i32
      scf.for %scan3A_80 = %scan3A to %scan3A_66 step %scan3A_67  : i32 {
        %mul3A_81 = arith.constant 1 : i32
        %mul3A_82 = arith.muli %scan3A_80, %mul3A_81 : i32
        %add3A_83 = arith.constant 0 : i32
        %add3A_84 = arith.addi %add3A_83, %mul3A_82 : i32
        %mul3A_85 = arith.constant 2 : i32
        %mul3A_86 = arith.muli %mul3A_85, %add3A_84 : i32
        %add3A_87 = arith.constant 0 : i32
        %add3A_88 = arith.addi %mul3A_86, %add3A_87 : i32
        %dma_wait3A_89 = arith.constant 0 : i32
        %dma_wait3A_90 = tpu.memref_slice %arg7[%add3A_88, %dma_wait3A_89] : memref<112x128xi32, #tpu.memory_space<vmem>> -> memref<1x64xi32, #tpu.memory_space<vmem>>
        %dma_wait3A_91 = tpu.memref_squeeze %dma_wait3A_90 : memref<1x64xi32, #tpu.memory_space<vmem>> -> memref<64xi32, #tpu.memory_space<vmem>>
        %dma_wait3A_92 = arith.constant 0 : i32
        %dma_wait3A_93 = arith.constant 0 : i32
        %dma_wait3A_94 = tpu.memref_slice %arg2[%dma_wait3A_92, %dma_wait3A_93] : memref<10000x128xf32, #tpu.memory_space<hbm>> -> memref<10000x128xf32, #tpu.memory_space<hbm>>
        tpu.wait_indirect_dma semaphore(%arg16 : memref<!tpu.dma_semaphore, #tpu.memory_space<semaphore_mem>>) src(%dma_wait3A_94 : memref<10000x128xf32, #tpu.memory_space<hbm>>) dst(%arg8 : memref<64x128xf32, #tpu.memory_space<vmem>>)
        %dma_wait3A_95 = tpu.memref_slice %arg4[%add3A_21] : memref<327680xi32, #tpu.memory_space<hbm>> -> memref<64xi32, #tpu.memory_space<hbm>>
        %dma_wait3A_96 = tpu.memref_slice %arg4[%add3A_21] : memref<327680xi32, #tpu.memory_space<hbm>> -> memref<64xi32, #tpu.memory_space<hbm>>
        tpu.wait_dma2 semaphore(%arg24 : memref<!tpu.dma_semaphore, #tpu.memory_space<semaphore_mem>>) src(%dma_wait3A_96 : memref<64xi32, #tpu.memory_space<hbm>>) dst(%arg12 : memref<64xi32, #tpu.memory_space<vmem>>)
        %dma_start3A_97 = arith.constant 0 : i32
        %dma_start3A_98 = arith.constant 0 : i32
        %dma_start3A_99 = tpu.memref_slice %arg28[%dma_start3A_97, %dma_start3A_98] : memref<10240x128xf32, #tpu.memory_space<vmem_shared>> -> memref<10240x128xf32, #tpu.memory_space<vmem_shared>>
        tpu.enqueue_indirect_dma source(%arg8 : memref<64x128xf32, #tpu.memory_space<vmem>>) target(%dma_start3A_99 : memref<10240x128xf32, #tpu.memory_space<vmem_shared>>) offsets(%arg12 : memref<64xi32, #tpu.memory_space<vmem>>) semaphore(%arg20 : memref<!tpu.dma_semaphore, #tpu.memory_space<semaphore_mem>>) {add = true}
        %mul3A_100 = arith.constant 2 : i32
        %mul3A_101 = arith.muli %mul3A_100, %add3A_84 : i32
        %add3A_102 = arith.constant 0 : i32
        %add3A_103 = arith.addi %mul3A_101, %add3A_102 : i32
        %dma_wait3A_104 = arith.constant 64 : i32
        %dma_wait3A_105 = tpu.memref_slice %arg7[%add3A_103, %dma_wait3A_104] : memref<112x128xi32, #tpu.memory_space<vmem>> -> memref<1x64xi32, #tpu.memory_space<vmem>>
        %dma_wait3A_106 = tpu.memref_squeeze %dma_wait3A_105 : memref<1x64xi32, #tpu.memory_space<vmem>> -> memref<64xi32, #tpu.memory_space<vmem>>
        %dma_wait3A_107 = arith.constant 0 : i32
        %dma_wait3A_108 = arith.constant 0 : i32
        %dma_wait3A_109 = tpu.memref_slice %arg2[%dma_wait3A_107, %dma_wait3A_108] : memref<10000x128xf32, #tpu.memory_space<hbm>> -> memref<10000x128xf32, #tpu.memory_space<hbm>>
        tpu.wait_indirect_dma semaphore(%arg17 : memref<!tpu.dma_semaphore, #tpu.memory_space<semaphore_mem>>) src(%dma_wait3A_109 : memref<10000x128xf32, #tpu.memory_space<hbm>>) dst(%arg9 : memref<64x128xf32, #tpu.memory_space<vmem>>)
        %dma_wait3A_110 = tpu.memref_slice %arg4[%add3A_21] : memref<327680xi32, #tpu.memory_space<hbm>> -> memref<64xi32, #tpu.memory_space<hbm>>
        %dma_wait3A_111 = tpu.memref_slice %arg4[%add3A_21] : memref<327680xi32, #tpu.memory_space<hbm>> -> memref<64xi32, #tpu.memory_space<hbm>>
        tpu.wait_dma2 semaphore(%arg25 : memref<!tpu.dma_semaphore, #tpu.memory_space<semaphore_mem>>) src(%dma_wait3A_111 : memref<64xi32, #tpu.memory_space<hbm>>) dst(%arg13 : memref<64xi32, #tpu.memory_space<vmem>>)
        %dma_start3A_112 = arith.constant 0 : i32
        %dma_start3A_113 = arith.constant 0 : i32
        %dma_start3A_114 = tpu.memref_slice %arg28[%dma_start3A_112, %dma_start3A_113] : memref<10240x128xf32, #tpu.memory_space<vmem_shared>> -> memref<10240x128xf32, #tpu.memory_space<vmem_shared>>
        tpu.enqueue_indirect_dma source(%arg9 : memref<64x128xf32, #tpu.memory_space<vmem>>) target(%dma_start3A_114 : memref<10240x128xf32, #tpu.memory_space<vmem_shared>>) offsets(%arg13 : memref<64xi32, #tpu.memory_space<vmem>>) semaphore(%arg21 : memref<!tpu.dma_semaphore, #tpu.memory_space<semaphore_mem>>) {add = true}
        %lt3A = arith.constant 23 : i32
        %lt3A_115 = arith.cmpi slt, %add3A_84, %lt3A : i32
        %convert_element_type3A_116 = arith.extui %lt3A_115 : i1 to i32
        %cond3A_117 = arith.constant 0 : i32
        %cond3A_118 = arith.cmpi ne, %convert_element_type3A_116, %cond3A_117 : i32
        scf.if %cond3A_118 {
          %dma_wait3A_154 = arith.constant 0 : i32
          %dma_wait3A_155 = arith.constant 0 : i32
          %dma_wait3A_156 = tpu.memref_slice %arg28[%dma_wait3A_154, %dma_wait3A_155] : memref<10240x128xf32, #tpu.memory_space<vmem_shared>> -> memref<10240x128xf32, #tpu.memory_space<vmem_shared>>
          tpu.wait_indirect_dma semaphore(%arg20 : memref<!tpu.dma_semaphore, #tpu.memory_space<semaphore_mem>>) src(%arg8 : memref<64x128xf32, #tpu.memory_space<vmem>>) dst(%dma_wait3A_156 : memref<10240x128xf32, #tpu.memory_space<vmem_shared>>)
          %add3A_157 = arith.constant 1 : i32
          %add3A_158 = arith.addi %add3A_84, %add3A_157 : i32
          %mul3A_159 = arith.constant 2 : i32
          %mul3A_160 = arith.muli %mul3A_159, %add3A_158 : i32
          %add3A_161 = arith.constant 0 : i32
          %add3A_162 = arith.addi %mul3A_160, %add3A_161 : i32
          %dma_start3A_163 = arith.constant 0 : i32
          %dma_start3A_164 = tpu.memref_slice %arg7[%add3A_162, %dma_start3A_163] : memref<112x128xi32, #tpu.memory_space<vmem>> -> memref<1x64xi32, #tpu.memory_space<vmem>>
          %dma_start3A_165 = tpu.memref_squeeze %dma_start3A_164 : memref<1x64xi32, #tpu.memory_space<vmem>> -> memref<64xi32, #tpu.memory_space<vmem>>
          %dma_start3A_166 = arith.constant 0 : i32
          %dma_start3A_167 = arith.constant 0 : i32
          %dma_start3A_168 = tpu.memref_slice %arg2[%dma_start3A_166, %dma_start3A_167] : memref<10000x128xf32, #tpu.memory_space<hbm>> -> memref<10000x128xf32, #tpu.memory_space<hbm>>
          tpu.enqueue_indirect_dma source(%dma_start3A_168 : memref<10000x128xf32, #tpu.memory_space<hbm>>) target(%arg8 : memref<64x128xf32, #tpu.memory_space<vmem>>) offsets(%dma_start3A_165 : memref<64xi32, #tpu.memory_space<vmem>>) semaphore(%arg16 : memref<!tpu.dma_semaphore, #tpu.memory_space<semaphore_mem>>)
          %mul3A_169 = arith.constant 4 : i32
          %mul3A_170 = arith.muli %mul3A_169, %add3A_158 : i32
          %add3A_171 = arith.constant 0 : i32
          %add3A_172 = arith.addi %mul3A_170, %add3A_171 : i32
          %mul3A_173 = arith.constant 64 : i32
          %mul3A_174 = arith.muli %add3A_172, %mul3A_173 : i32
          %add3A_175 = arith.addi %add3A_21, %mul3A_174 : i32
          %dma_start3A_176 = tpu.memref_slice %arg4[%add3A_175] : memref<327680xi32, #tpu.memory_space<hbm>> -> memref<64xi32, #tpu.memory_space<hbm>>
          %dma_start3A_177 = tpu.memref_slice %arg4[%add3A_175] : memref<327680xi32, #tpu.memory_space<hbm>> -> memref<64xi32, #tpu.memory_space<hbm>>
          tpu.enqueue_dma source(%dma_start3A_177 : memref<64xi32, #tpu.memory_space<hbm>>) target(%arg12 : memref<64xi32, #tpu.memory_space<vmem>>) target_semaphore(%arg24 : memref<!tpu.dma_semaphore, #tpu.memory_space<semaphore_mem>>)
          %dma_wait3A_178 = arith.constant 0 : i32
          %dma_wait3A_179 = arith.constant 0 : i32
          %dma_wait3A_180 = tpu.memref_slice %arg28[%dma_wait3A_178, %dma_wait3A_179] : memref<10240x128xf32, #tpu.memory_space<vmem_shared>> -> memref<10240x128xf32, #tpu.memory_space<vmem_shared>>
          tpu.wait_indirect_dma semaphore(%arg21 : memref<!tpu.dma_semaphore, #tpu.memory_space<semaphore_mem>>) src(%arg9 : memref<64x128xf32, #tpu.memory_space<vmem>>) dst(%dma_wait3A_180 : memref<10240x128xf32, #tpu.memory_space<vmem_shared>>)
          %add3A_181 = arith.constant 1 : i32
          %add3A_182 = arith.addi %add3A_84, %add3A_181 : i32
          %mul3A_183 = arith.constant 2 : i32
          %mul3A_184 = arith.muli %mul3A_183, %add3A_182 : i32
          %add3A_185 = arith.constant 0 : i32
          %add3A_186 = arith.addi %mul3A_184, %add3A_185 : i32
          %dma_start3A_187 = arith.constant 64 : i32
          %dma_start3A_188 = tpu.memref_slice %arg7[%add3A_186, %dma_start3A_187] : memref<112x128xi32, #tpu.memory_space<vmem>> -> memref<1x64xi32, #tpu.memory_space<vmem>>
          %dma_start3A_189 = tpu.memref_squeeze %dma_start3A_188 : memref<1x64xi32, #tpu.memory_space<vmem>> -> memref<64xi32, #tpu.memory_space<vmem>>
          %dma_start3A_190 = arith.constant 0 : i32
          %dma_start3A_191 = arith.constant 0 : i32
          %dma_start3A_192 = tpu.memref_slice %arg2[%dma_start3A_190, %dma_start3A_191] : memref<10000x128xf32, #tpu.memory_space<hbm>> -> memref<10000x128xf32, #tpu.memory_space<hbm>>
          tpu.enqueue_indirect_dma source(%dma_start3A_192 : memref<10000x128xf32, #tpu.memory_space<hbm>>) target(%arg9 : memref<64x128xf32, #tpu.memory_space<vmem>>) offsets(%dma_start3A_189 : memref<64xi32, #tpu.memory_space<vmem>>) semaphore(%arg17 : memref<!tpu.dma_semaphore, #tpu.memory_space<semaphore_mem>>)
          %mul3A_193 = arith.constant 4 : i32
          %mul3A_194 = arith.muli %mul3A_193, %add3A_182 : i32
          %add3A_195 = arith.constant 1 : i32
          %add3A_196 = arith.addi %mul3A_194, %add3A_195 : i32
          %mul3A_197 = arith.constant 64 : i32
          %mul3A_198 = arith.muli %add3A_196, %mul3A_197 : i32
          %add3A_199 = arith.addi %add3A_21, %mul3A_198 : i32
          %dma_start3A_200 = tpu.memref_slice %arg4[%add3A_199] : memref<327680xi32, #tpu.memory_space<hbm>> -> memref<64xi32, #tpu.memory_space<hbm>>
          %dma_start3A_201 = tpu.memref_slice %arg4[%add3A_199] : memref<327680xi32, #tpu.memory_space<hbm>> -> memref<64xi32, #tpu.memory_space<hbm>>
          tpu.enqueue_dma source(%dma_start3A_201 : memref<64xi32, #tpu.memory_space<hbm>>) target(%arg13 : memref<64xi32, #tpu.memory_space<vmem>>) target_semaphore(%arg25 : memref<!tpu.dma_semaphore, #tpu.memory_space<semaphore_mem>>)
        } else {
        }
        %mul3A_119 = arith.constant 2 : i32
        %mul3A_120 = arith.muli %mul3A_119, %add3A_84 : i32
        %add3A_121 = arith.constant 1 : i32
        %add3A_122 = arith.addi %mul3A_120, %add3A_121 : i32
        %dma_wait3A_123 = arith.constant 0 : i32
        %dma_wait3A_124 = tpu.memref_slice %arg7[%add3A_122, %dma_wait3A_123] : memref<112x128xi32, #tpu.memory_space<vmem>> -> memref<1x64xi32, #tpu.memory_space<vmem>>
        %dma_wait3A_125 = tpu.memref_squeeze %dma_wait3A_124 : memref<1x64xi32, #tpu.memory_space<vmem>> -> memref<64xi32, #tpu.memory_space<vmem>>
        %dma_wait3A_126 = arith.constant 0 : i32
        %dma_wait3A_127 = arith.constant 0 : i32
        %dma_wait3A_128 = tpu.memref_slice %arg2[%dma_wait3A_126, %dma_wait3A_127] : memref<10000x128xf32, #tpu.memory_space<hbm>> -> memref<10000x128xf32, #tpu.memory_space<hbm>>
        tpu.wait_indirect_dma semaphore(%arg18 : memref<!tpu.dma_semaphore, #tpu.memory_space<semaphore_mem>>) src(%dma_wait3A_128 : memref<10000x128xf32, #tpu.memory_space<hbm>>) dst(%arg10 : memref<64x128xf32, #tpu.memory_space<vmem>>)
        %dma_wait3A_129 = tpu.memref_slice %arg4[%add3A_21] : memref<327680xi32, #tpu.memory_space<hbm>> -> memref<64xi32, #tpu.memory_space<hbm>>
        %dma_wait3A_130 = tpu.memref_slice %arg4[%add3A_21] : memref<327680xi32, #tpu.memory_space<hbm>> -> memref<64xi32, #tpu.memory_space<hbm>>
        tpu.wait_dma2 semaphore(%arg26 : memref<!tpu.dma_semaphore, #tpu.memory_space<semaphore_mem>>) src(%dma_wait3A_130 : memref<64xi32, #tpu.memory_space<hbm>>) dst(%arg14 : memref<64xi32, #tpu.memory_space<vmem>>)
        %dma_start3A_131 = arith.constant 0 : i32
        %dma_start3A_132 = arith.constant 0 : i32
        %dma_start3A_133 = tpu.memref_slice %arg28[%dma_start3A_131, %dma_start3A_132] : memref<10240x128xf32, #tpu.memory_space<vmem_shared>> -> memref<10240x128xf32, #tpu.memory_space<vmem_shared>>
        tpu.enqueue_indirect_dma source(%arg10 : memref<64x128xf32, #tpu.memory_space<vmem>>) target(%dma_start3A_133 : memref<10240x128xf32, #tpu.memory_space<vmem_shared>>) offsets(%arg14 : memref<64xi32, #tpu.memory_space<vmem>>) semaphore(%arg22 : memref<!tpu.dma_semaphore, #tpu.memory_space<semaphore_mem>>) {add = true}
        %mul3A_134 = arith.constant 2 : i32
        %mul3A_135 = arith.muli %mul3A_134, %add3A_84 : i32
        %add3A_136 = arith.constant 1 : i32
        %add3A_137 = arith.addi %mul3A_135, %add3A_136 : i32
        %dma_wait3A_138 = arith.constant 64 : i32
        %dma_wait3A_139 = tpu.memref_slice %arg7[%add3A_137, %dma_wait3A_138] : memref<112x128xi32, #tpu.memory_space<vmem>> -> memref<1x64xi32, #tpu.memory_space<vmem>>
        %dma_wait3A_140 = tpu.memref_squeeze %dma_wait3A_139 : memref<1x64xi32, #tpu.memory_space<vmem>> -> memref<64xi32, #tpu.memory_space<vmem>>
        %dma_wait3A_141 = arith.constant 0 : i32
        %dma_wait3A_142 = arith.constant 0 : i32
        %dma_wait3A_143 = tpu.memref_slice %arg2[%dma_wait3A_141, %dma_wait3A_142] : memref<10000x128xf32, #tpu.memory_space<hbm>> -> memref<10000x128xf32, #tpu.memory_space<hbm>>
        tpu.wait_indirect_dma semaphore(%arg19 : memref<!tpu.dma_semaphore, #tpu.memory_space<semaphore_mem>>) src(%dma_wait3A_143 : memref<10000x128xf32, #tpu.memory_space<hbm>>) dst(%arg11 : memref<64x128xf32, #tpu.memory_space<vmem>>)
        %dma_wait3A_144 = tpu.memref_slice %arg4[%add3A_21] : memref<327680xi32, #tpu.memory_space<hbm>> -> memref<64xi32, #tpu.memory_space<hbm>>
        %dma_wait3A_145 = tpu.memref_slice %arg4[%add3A_21] : memref<327680xi32, #tpu.memory_space<hbm>> -> memref<64xi32, #tpu.memory_space<hbm>>
        tpu.wait_dma2 semaphore(%arg27 : memref<!tpu.dma_semaphore, #tpu.memory_space<semaphore_mem>>) src(%dma_wait3A_145 : memref<64xi32, #tpu.memory_space<hbm>>) dst(%arg15 : memref<64xi32, #tpu.memory_space<vmem>>)
        %dma_start3A_146 = arith.constant 0 : i32
        %dma_start3A_147 = arith.constant 0 : i32
        %dma_start3A_148 = tpu.memref_slice %arg28[%dma_start3A_146, %dma_start3A_147] : memref<10240x128xf32, #tpu.memory_space<vmem_shared>> -> memref<10240x128xf32, #tpu.memory_space<vmem_shared>>
        tpu.enqueue_indirect_dma source(%arg11 : memref<64x128xf32, #tpu.memory_space<vmem>>) target(%dma_start3A_148 : memref<10240x128xf32, #tpu.memory_space<vmem_shared>>) offsets(%arg15 : memref<64xi32, #tpu.memory_space<vmem>>) semaphore(%arg23 : memref<!tpu.dma_semaphore, #tpu.memory_space<semaphore_mem>>) {add = true}
        %lt3A_149 = arith.constant 23 : i32
        %lt3A_150 = arith.cmpi slt, %add3A_84, %lt3A_149 : i32
        %convert_element_type3A_151 = arith.extui %lt3A_150 : i1 to i32
        %cond3A_152 = arith.constant 0 : i32
        %cond3A_153 = arith.cmpi ne, %convert_element_type3A_151, %cond3A_152 : i32
        scf.if %cond3A_153 {
          %dma_wait3A_154 = arith.constant 0 : i32
          %dma_wait3A_155 = arith.constant 0 : i32
          %dma_wait3A_156 = tpu.memref_slice %arg28[%dma_wait3A_154, %dma_wait3A_155] : memref<10240x128xf32, #tpu.memory_space<vmem_shared>> -> memref<10240x128xf32, #tpu.memory_space<vmem_shared>>
          tpu.wait_indirect_dma semaphore(%arg22 : memref<!tpu.dma_semaphore, #tpu.memory_space<semaphore_mem>>) src(%arg10 : memref<64x128xf32, #tpu.memory_space<vmem>>) dst(%dma_wait3A_156 : memref<10240x128xf32, #tpu.memory_space<vmem_shared>>)
          %add3A_157 = arith.constant 1 : i32
          %add3A_158 = arith.addi %add3A_84, %add3A_157 : i32
          %mul3A_159 = arith.constant 2 : i32
          %mul3A_160 = arith.muli %mul3A_159, %add3A_158 : i32
          %add3A_161 = arith.constant 1 : i32
          %add3A_162 = arith.addi %mul3A_160, %add3A_161 : i32
          %dma_start3A_163 = arith.constant 0 : i32
          %dma_start3A_164 = tpu.memref_slice %arg7[%add3A_162, %dma_start3A_163] : memref<112x128xi32, #tpu.memory_space<vmem>> -> memref<1x64xi32, #tpu.memory_space<vmem>>
          %dma_start3A_165 = tpu.memref_squeeze %dma_start3A_164 : memref<1x64xi32, #tpu.memory_space<vmem>> -> memref<64xi32, #tpu.memory_space<vmem>>
          %dma_start3A_166 = arith.constant 0 : i32
          %dma_start3A_167 = arith.constant 0 : i32
          %dma_start3A_168 = tpu.memref_slice %arg2[%dma_start3A_166, %dma_start3A_167] : memref<10000x128xf32, #tpu.memory_space<hbm>> -> memref<10000x128xf32, #tpu.memory_space<hbm>>
          tpu.enqueue_indirect_dma source(%dma_start3A_168 : memref<10000x128xf32, #tpu.memory_space<hbm>>) target(%arg10 : memref<64x128xf32, #tpu.memory_space<vmem>>) offsets(%dma_start3A_165 : memref<64xi32, #tpu.memory_space<vmem>>) semaphore(%arg18 : memref<!tpu.dma_semaphore, #tpu.memory_space<semaphore_mem>>)
          %mul3A_169 = arith.constant 4 : i32
          %mul3A_170 = arith.muli %mul3A_169, %add3A_158 : i32
          %add3A_171 = arith.constant 2 : i32
          %add3A_172 = arith.addi %mul3A_170, %add3A_171 : i32
          %mul3A_173 = arith.constant 64 : i32
          %mul3A_174 = arith.muli %add3A_172, %mul3A_173 : i32
          %add3A_175 = arith.addi %add3A_21, %mul3A_174 : i32
          %dma_start3A_176 = tpu.memref_slice %arg4[%add3A_175] : memref<327680xi32, #tpu.memory_space<hbm>> -> memref<64xi32, #tpu.memory_space<hbm>>
          %dma_start3A_177 = tpu.memref_slice %arg4[%add3A_175] : memref<327680xi32, #tpu.memory_space<hbm>> -> memref<64xi32, #tpu.memory_space<hbm>>
          tpu.enqueue_dma source(%dma_start3A_177 : memref<64xi32, #tpu.memory_space<hbm>>) target(%arg14 : memref<64xi32, #tpu.memory_space<vmem>>) target_semaphore(%arg26 : memref<!tpu.dma_semaphore, #tpu.memory_space<semaphore_mem>>)
          %dma_wait3A_178 = arith.constant 0 : i32
          %dma_wait3A_179 = arith.constant 0 : i32
          %dma_wait3A_180 = tpu.memref_slice %arg28[%dma_wait3A_178, %dma_wait3A_179] : memref<10240x128xf32, #tpu.memory_space<vmem_shared>> -> memref<10240x128xf32, #tpu.memory_space<vmem_shared>>
          tpu.wait_indirect_dma semaphore(%arg23 : memref<!tpu.dma_semaphore, #tpu.memory_space<semaphore_mem>>) src(%arg11 : memref<64x128xf32, #tpu.memory_space<vmem>>) dst(%dma_wait3A_180 : memref<10240x128xf32, #tpu.memory_space<vmem_shared>>)
          %add3A_181 = arith.constant 1 : i32
          %add3A_182 = arith.addi %add3A_84, %add3A_181 : i32
          %mul3A_183 = arith.constant 2 : i32
          %mul3A_184 = arith.muli %mul3A_183, %add3A_182 : i32
          %add3A_185 = arith.constant 1 : i32
          %add3A_186 = arith.addi %mul3A_184, %add3A_185 : i32
          %dma_start3A_187 = arith.constant 64 : i32
          %dma_start3A_188 = tpu.memref_slice %arg7[%add3A_186, %dma_start3A_187] : memref<112x128xi32, #tpu.memory_space<vmem>> -> memref<1x64xi32, #tpu.memory_space<vmem>>
          %dma_start3A_189 = tpu.memref_squeeze %dma_start3A_188 : memref<1x64xi32, #tpu.memory_space<vmem>> -> memref<64xi32, #tpu.memory_space<vmem>>
          %dma_start3A_190 = arith.constant 0 : i32
          %dma_start3A_191 = arith.constant 0 : i32
          %dma_start3A_192 = tpu.memref_slice %arg2[%dma_start3A_190, %dma_start3A_191] : memref<10000x128xf32, #tpu.memory_space<hbm>> -> memref<10000x128xf32, #tpu.memory_space<hbm>>
          tpu.enqueue_indirect_dma source(%dma_start3A_192 : memref<10000x128xf32, #tpu.memory_space<hbm>>) target(%arg11 : memref<64x128xf32, #tpu.memory_space<vmem>>) offsets(%dma_start3A_189 : memref<64xi32, #tpu.memory_space<vmem>>) semaphore(%arg19 : memref<!tpu.dma_semaphore, #tpu.memory_space<semaphore_mem>>)
          %mul3A_193 = arith.constant 4 : i32
          %mul3A_194 = arith.muli %mul3A_193, %add3A_182 : i32
          %add3A_195 = arith.constant 3 : i32
          %add3A_196 = arith.addi %mul3A_194, %add3A_195 : i32
          %mul3A_197 = arith.constant 64 : i32
          %mul3A_198 = arith.muli %add3A_196, %mul3A_197 : i32
          %add3A_199 = arith.addi %add3A_21, %mul3A_198 : i32
          %dma_start3A_200 = tpu.memref_slice %arg4[%add3A_199] : memref<327680xi32, #tpu.memory_space<hbm>> -> memref<64xi32, #tpu.memory_space<hbm>>
          %dma_start3A_201 = tpu.memref_slice %arg4[%add3A_199] : memref<327680xi32, #tpu.memory_space<hbm>> -> memref<64xi32, #tpu.memory_space<hbm>>
          tpu.enqueue_dma source(%dma_start3A_201 : memref<64xi32, #tpu.memory_space<hbm>>) target(%arg15 : memref<64xi32, #tpu.memory_space<vmem>>) target_semaphore(%arg27 : memref<!tpu.dma_semaphore, #tpu.memory_space<semaphore_mem>>)
        } else {
        }
      }
      %scan3A_68 = arith.constant 24 : i32
      %dma_wait3A = arith.constant 0 : i32
      %dma_wait3A_69 = arith.constant 0 : i32
      %dma_wait3A_70 = tpu.memref_slice %arg28[%dma_wait3A, %dma_wait3A_69] : memref<10240x128xf32, #tpu.memory_space<vmem_shared>> -> memref<10240x128xf32, #tpu.memory_space<vmem_shared>>
      tpu.wait_indirect_dma semaphore(%arg20 : memref<!tpu.dma_semaphore, #tpu.memory_space<semaphore_mem>>) src(%arg8 : memref<64x128xf32, #tpu.memory_space<vmem>>) dst(%dma_wait3A_70 : memref<10240x128xf32, #tpu.memory_space<vmem_shared>>)
      %dma_wait3A_71 = arith.constant 0 : i32
      %dma_wait3A_72 = arith.constant 0 : i32
      %dma_wait3A_73 = tpu.memref_slice %arg28[%dma_wait3A_71, %dma_wait3A_72] : memref<10240x128xf32, #tpu.memory_space<vmem_shared>> -> memref<10240x128xf32, #tpu.memory_space<vmem_shared>>
      tpu.wait_indirect_dma semaphore(%arg21 : memref<!tpu.dma_semaphore, #tpu.memory_space<semaphore_mem>>) src(%arg9 : memref<64x128xf32, #tpu.memory_space<vmem>>) dst(%dma_wait3A_73 : memref<10240x128xf32, #tpu.memory_space<vmem_shared>>)
      %dma_wait3A_74 = arith.constant 0 : i32
      %dma_wait3A_75 = arith.constant 0 : i32
      %dma_wait3A_76 = tpu.memref_slice %arg28[%dma_wait3A_74, %dma_wait3A_75] : memref<10240x128xf32, #tpu.memory_space<vmem_shared>> -> memref<10240x128xf32, #tpu.memory_space<vmem_shared>>
      tpu.wait_indirect_dma semaphore(%arg22 : memref<!tpu.dma_semaphore, #tpu.memory_space<semaphore_mem>>) src(%arg10 : memref<64x128xf32, #tpu.memory_space<vmem>>) dst(%dma_wait3A_76 : memref<10240x128xf32, #tpu.memory_space<vmem_shared>>)
      %dma_wait3A_77 = arith.constant 0 : i32
      %dma_wait3A_78 = arith.constant 0 : i32
      %dma_wait3A_79 = tpu.memref_slice %arg28[%dma_wait3A_77, %dma_wait3A_78] : memref<10240x128xf32, #tpu.memory_space<vmem_shared>> -> memref<10240x128xf32, #tpu.memory_space<vmem_shared>>
      tpu.wait_indirect_dma semaphore(%arg23 : memref<!tpu.dma_semaphore, #tpu.memory_space<semaphore_mem>>) src(%arg11 : memref<64x128xf32, #tpu.memory_space<vmem>>) dst(%dma_wait3A_79 : memref<10240x128xf32, #tpu.memory_space<vmem_shared>>)
    } else {
    }
    %barrier3A_10 = arith.constant 0 : index
    tpu.barrier barrier_id(%barrier3A_10)
    %mul3A_11 = arith.constant 640 : i32
    %mul3A_12 = arith.muli %arg1, %mul3A_11 : i32
    %mul3A_13 = arith.constant 640 : i32
    %mul3A_14 = arith.muli %arg1, %mul3A_13 : i32
    "tpu.region"() ({
      %run_scoped3A = tpu.sem_alloc : memref<!tpu.dma_semaphore, #tpu.memory_space<semaphore_mem>>
      %dma_start3A = arith.constant 0 : i32
      %dma_start3A_15 = arith.constant 0 : i32
      %dma_start3A_16 = tpu.memref_slice %arg6[%arg0, %dma_start3A, %dma_start3A_15] : memref<2x10240x128xf32, #tpu.memory_space<hbm>> -> memref<1x10240x128xf32, #tpu.memory_space<hbm>>
      %dma_start3A_17 = tpu.memref_squeeze %dma_start3A_16 : memref<1x10240x128xf32, #tpu.memory_space<hbm>> -> memref<10240x128xf32, #tpu.memory_space<hbm>>
      %dma_start3A_18 = arith.constant 0 : i32
      %dma_start3A_19 = tpu.memref_slice %dma_start3A_17[%mul3A_14, %dma_start3A_18] : memref<10240x128xf32, #tpu.memory_space<hbm>> -> memref<640x128xf32, #tpu.memory_space<hbm>>
      %dma_start3A_20 = arith.constant 0 : i32
      %dma_start3A_21 = tpu.memref_slice %arg28[%mul3A_12, %dma_start3A_20] : memref<10240x128xf32, #tpu.memory_space<vmem_shared>> -> memref<640x128xf32, #tpu.memory_space<vmem_shared>>
      tpu.enqueue_dma source(%dma_start3A_21 : memref<640x128xf32, #tpu.memory_space<vmem_shared>>) target(%dma_start3A_19 : memref<640x128xf32, #tpu.memory_space<hbm>>) target_semaphore(%run_scoped3A : memref<!tpu.dma_semaphore, #tpu.memory_space<semaphore_mem>>)
      %dma_wait3A = arith.constant 0 : i32
      %dma_wait3A_22 = arith.constant 0 : i32
      %dma_wait3A_23 = tpu.memref_slice %arg6[%arg0, %dma_wait3A, %dma_wait3A_22] : memref<2x10240x128xf32, #tpu.memory_space<hbm>> -> memref<1x10240x128xf32, #tpu.memory_space<hbm>>
      %dma_wait3A_24 = tpu.memref_squeeze %dma_wait3A_23 : memref<1x10240x128xf32, #tpu.memory_space<hbm>> -> memref<10240x128xf32, #tpu.memory_space<hbm>>
      %dma_wait3A_25 = arith.constant 0 : i32
      %dma_wait3A_26 = tpu.memref_slice %dma_wait3A_24[%mul3A_14, %dma_wait3A_25] : memref<10240x128xf32, #tpu.memory_space<hbm>> -> memref<640x128xf32, #tpu.memory_space<hbm>>
      %dma_wait3A_27 = arith.constant 0 : i32
      %dma_wait3A_28 = tpu.memref_slice %arg28[%mul3A_12, %dma_wait3A_27] : memref<10240x128xf32, #tpu.memory_space<vmem_shared>> -> memref<640x128xf32, #tpu.memory_space<vmem_shared>>
      tpu.wait_dma2 semaphore(%run_scoped3A : memref<!tpu.dma_semaphore, #tpu.memory_space<semaphore_mem>>) src(%dma_wait3A_28 : memref<640x128xf32, #tpu.memory_space<vmem_shared>>) dst(%dma_wait3A_26 : memref<640x128xf32, #tpu.memory_space<hbm>>)
      tpu.yield
    }) : () -> ()
    return
  }
}

#map = affine_map<(d0, d1) -> (0)>
#map1 = affine_map<(d0, d1) -> (0, 0)>
module attributes {stable_mosaic.version = 14 : i64} {
  func.func @_sc1_body(%arg0: i32, %arg1: i32, %arg2: memref<1280000xf32, #tpu.memory_space<hbm>>, %arg3: memref<10240x128xi32, #tpu.memory_space<hbm>>, %arg4: memref<327680xi32, #tpu.memory_space<hbm>>, %arg5: memref<128xf32, #tpu.memory_space<hbm>>, %arg6: memref<10240xf32, #tpu.memory_space<hbm>>, %arg7: memref<10240x128xf32, #tpu.memory_space<hbm>>, %arg8: memref<2x10240xf32, #tpu.memory_space<hbm>>, %arg9: memref<448x128xi32, #tpu.memory_space<vmem>>, %arg10: memref<448x128xf32, #tpu.memory_space<vmem>>, %arg11: memref<128xi32, #tpu.memory_space<vmem>>, %arg12: memref<128xi32, #tpu.memory_space<vmem>>, %arg13: memref<128xf32, #tpu.memory_space<vmem>>, %arg14: memref<!tpu.dma_semaphore, #tpu.memory_space<semaphore_mem>>, %arg15: memref<!tpu.dma_semaphore, #tpu.memory_space<semaphore_mem>>, %arg16: memref<!tpu.dma_semaphore, #tpu.memory_space<semaphore_mem>>, %arg17: memref<10240xf32, #tpu.memory_space<vmem_shared>>) attributes {dimension_semantics = [#tpu.dimension_semantics<core_parallel>, #tpu.dimension_semantics<subcore_parallel>], iteration_bounds = array<i64: 2, 16>, scalar_prefetch = 0 : i64, scratch_operands = 9 : i64, tpu.core_type = #tpu.core_type<sc_vector_subcore>, window_params = [{transform_indices = #map}, {transform_indices = #map1}, {transform_indices = #map}, {transform_indices = #map}, {transform_indices = #map}, {transform_indices = #map1}, {transform_indices = #map1}]} {
    %eq3A = arith.constant 0 : i32
    %eq3A_0 = arith.cmpi eq, %arg1, %eq3A : i32
    %convert_element_type3A = arith.extui %eq3A_0 : i1 to i32
    %cond3A = arith.constant 0 : i32
    %cond3A_1 = arith.cmpi ne, %convert_element_type3A, %cond3A : i32
    scf.if %cond3A_1 {
      "tpu.region"() ({
        %run_scoped3A = tpu.sem_alloc : memref<!tpu.dma_semaphore, #tpu.memory_space<semaphore_mem>>
        tpu.enqueue_dma source(%arg6 : memref<10240xf32, #tpu.memory_space<hbm>>) target(%arg17 : memref<10240xf32, #tpu.memory_space<vmem_shared>>) target_semaphore(%run_scoped3A : memref<!tpu.dma_semaphore, #tpu.memory_space<semaphore_mem>>)
        tpu.wait_dma2 semaphore(%run_scoped3A : memref<!tpu.dma_semaphore, #tpu.memory_space<semaphore_mem>>) src(%arg6 : memref<10240xf32, #tpu.memory_space<hbm>>) dst(%arg17 : memref<10240xf32, #tpu.memory_space<vmem_shared>>)
        tpu.yield
      }) : () -> ()
    } else {
    }
    %barrier3A = arith.constant 0 : index
    tpu.barrier barrier_id(%barrier3A)
    "tpu.region"() ({
      %run_scoped3A = tpu.sem_alloc : memref<!tpu.dma_semaphore, #tpu.memory_space<semaphore_mem>>
      tpu.enqueue_dma source(%arg5 : memref<128xf32, #tpu.memory_space<hbm>>) target(%arg13 : memref<128xf32, #tpu.memory_space<vmem>>) target_semaphore(%run_scoped3A : memref<!tpu.dma_semaphore, #tpu.memory_space<semaphore_mem>>)
      tpu.wait_dma2 semaphore(%run_scoped3A : memref<!tpu.dma_semaphore, #tpu.memory_space<semaphore_mem>>) src(%arg5 : memref<128xf32, #tpu.memory_space<hbm>>) dst(%arg13 : memref<128xf32, #tpu.memory_space<vmem>>)
      tpu.yield
    }) : () -> ()
    %eq3A_2 = arith.constant 0 : i32
    %eq3A_3 = arith.cmpi eq, %arg0, %eq3A_2 : i32
    %convert_element_type3A_4 = arith.extui %eq3A_3 : i1 to i32
    %cond3A_5 = arith.constant 0 : i32
    %cond3A_6 = arith.cmpi ne, %convert_element_type3A_4, %cond3A_5 : i32
    scf.if %cond3A_6 {
      %mul3A_16 = arith.constant 640 : i32
      %mul3A_17 = arith.muli %arg1, %mul3A_16 : i32
      %mul3A_18 = arith.constant 160 : i32
      %mul3A_19 = arith.muli %arg1, %mul3A_18 : i32
      %mul3A_20 = arith.constant 128 : i32
      %mul3A_21 = arith.muli %mul3A_19, %mul3A_20 : i32
      %dma_start3A = tpu.memref_slice %arg4[%mul3A_21] : memref<327680xi32, #tpu.memory_space<hbm>> -> memref<128xi32, #tpu.memory_space<hbm>>
      %dma_start3A_22 = tpu.memref_slice %arg4[%mul3A_21] : memref<327680xi32, #tpu.memory_space<hbm>> -> memref<128xi32, #tpu.memory_space<hbm>>
      tpu.enqueue_dma source(%dma_start3A_22 : memref<128xi32, #tpu.memory_space<hbm>>) target(%arg11 : memref<128xi32, #tpu.memory_space<vmem>>) target_semaphore(%arg15 : memref<!tpu.dma_semaphore, #tpu.memory_space<semaphore_mem>>)
      %scan3A = arith.constant 0 : i32
      %scan3A_23 = arith.constant 56 : i32
      %scan3A_24 = arith.addi %scan3A, %scan3A_23 : i32
      %scan3A_25 = arith.constant 1 : i32
      scf.for %scan3A_42 = %scan3A to %scan3A_24 step %scan3A_25  : i32 {
        %mul3A_43 = arith.constant 1 : i32
        %mul3A_44 = arith.muli %scan3A_42, %mul3A_43 : i32
        %add3A = arith.constant 0 : i32
        %add3A_45 = arith.addi %add3A, %mul3A_44 : i32
        %dma_wait3A = tpu.memref_slice %arg4[%mul3A_21] : memref<327680xi32, #tpu.memory_space<hbm>> -> memref<128xi32, #tpu.memory_space<hbm>>
        %dma_wait3A_46 = tpu.memref_slice %arg4[%mul3A_21] : memref<327680xi32, #tpu.memory_space<hbm>> -> memref<128xi32, #tpu.memory_space<hbm>>
        tpu.wait_dma2 semaphore(%arg15 : memref<!tpu.dma_semaphore, #tpu.memory_space<semaphore_mem>>) src(%dma_wait3A_46 : memref<128xi32, #tpu.memory_space<hbm>>) dst(%arg11 : memref<128xi32, #tpu.memory_space<vmem>>)
        %mul3A_47 = arith.constant 2 : i32
        %mul3A_48 = arith.muli %mul3A_47, %add3A_45 : i32
        %add3A_49 = arith.constant 1 : i32
        %add3A_50 = arith.addi %mul3A_48, %add3A_49 : i32
        %mul3A_51 = arith.constant 128 : i32
        %mul3A_52 = arith.muli %add3A_50, %mul3A_51 : i32
        %add3A_53 = arith.addi %mul3A_21, %mul3A_52 : i32
        %dma_start3A_54 = tpu.memref_slice %arg4[%add3A_53] : memref<327680xi32, #tpu.memory_space<hbm>> -> memref<128xi32, #tpu.memory_space<hbm>>
        %dma_start3A_55 = tpu.memref_slice %arg4[%add3A_53] : memref<327680xi32, #tpu.memory_space<hbm>> -> memref<128xi32, #tpu.memory_space<hbm>>
        tpu.enqueue_dma source(%dma_start3A_55 : memref<128xi32, #tpu.memory_space<hbm>>) target(%arg12 : memref<128xi32, #tpu.memory_space<vmem>>) target_semaphore(%arg16 : memref<!tpu.dma_semaphore, #tpu.memory_space<semaphore_mem>>)
        "tpu.region"() ({
          %run_scoped3A = tpu.sem_alloc : memref<!tpu.dma_semaphore, #tpu.memory_space<semaphore_mem>>
          %dma_start3A_62 = arith.constant 0 : i32
          %dma_start3A_63 = tpu.memref_slice %arg17[%dma_start3A_62] : memref<10240xf32, #tpu.memory_space<vmem_shared>> -> memref<10240xf32, #tpu.memory_space<vmem_shared>>
          tpu.enqueue_indirect_dma source(%arg13 : memref<128xf32, #tpu.memory_space<vmem>>) target(%dma_start3A_63 : memref<10240xf32, #tpu.memory_space<vmem_shared>>) offsets(%arg11 : memref<128xi32, #tpu.memory_space<vmem>>) semaphore(%run_scoped3A : memref<!tpu.dma_semaphore, #tpu.memory_space<semaphore_mem>>) {add = true}
          %dma_wait3A_64 = arith.constant 0 : i32
          %dma_wait3A_65 = tpu.memref_slice %arg17[%dma_wait3A_64] : memref<10240xf32, #tpu.memory_space<vmem_shared>> -> memref<10240xf32, #tpu.memory_space<vmem_shared>>
          tpu.wait_indirect_dma semaphore(%run_scoped3A : memref<!tpu.dma_semaphore, #tpu.memory_space<semaphore_mem>>) src(%arg13 : memref<128xf32, #tpu.memory_space<vmem>>) dst(%dma_wait3A_65 : memref<10240xf32, #tpu.memory_space<vmem_shared>>)
          tpu.yield
        }) : () -> ()
        %dma_wait3A_56 = tpu.memref_slice %arg4[%mul3A_21] : memref<327680xi32, #tpu.memory_space<hbm>> -> memref<128xi32, #tpu.memory_space<hbm>>
        %dma_wait3A_57 = tpu.memref_slice %arg4[%mul3A_21] : memref<327680xi32, #tpu.memory_space<hbm>> -> memref<128xi32, #tpu.memory_space<hbm>>
        tpu.wait_dma2 semaphore(%arg16 : memref<!tpu.dma_semaphore, #tpu.memory_space<semaphore_mem>>) src(%dma_wait3A_57 : memref<128xi32, #tpu.memory_space<hbm>>) dst(%arg12 : memref<128xi32, #tpu.memory_space<vmem>>)
        %lt3A = arith.constant 55 : i32
        %lt3A_58 = arith.cmpi slt, %add3A_45, %lt3A : i32
        %convert_element_type3A_59 = arith.extui %lt3A_58 : i1 to i32
        %cond3A_60 = arith.constant 0 : i32
        %cond3A_61 = arith.cmpi ne, %convert_element_type3A_59, %cond3A_60 : i32
        scf.if %cond3A_61 {
          %mul3A_62 = arith.constant 2 : i32
          %mul3A_63 = arith.muli %mul3A_62, %add3A_45 : i32
          %add3A_64 = arith.constant 2 : i32
          %add3A_65 = arith.addi %mul3A_63, %add3A_64 : i32
          %mul3A_66 = arith.constant 128 : i32
          %mul3A_67 = arith.muli %add3A_65, %mul3A_66 : i32
          %add3A_68 = arith.addi %mul3A_21, %mul3A_67 : i32
          %dma_start3A_69 = tpu.memref_slice %arg4[%add3A_68] : memref<327680xi32, #tpu.memory_space<hbm>> -> memref<128xi32, #tpu.memory_space<hbm>>
          %dma_start3A_70 = tpu.memref_slice %arg4[%add3A_68] : memref<327680xi32, #tpu.memory_space<hbm>> -> memref<128xi32, #tpu.memory_space<hbm>>
          tpu.enqueue_dma source(%dma_start3A_70 : memref<128xi32, #tpu.memory_space<hbm>>) target(%arg11 : memref<128xi32, #tpu.memory_space<vmem>>) target_semaphore(%arg15 : memref<!tpu.dma_semaphore, #tpu.memory_space<semaphore_mem>>)
        } else {
        }
        "tpu.region"() ({
          %run_scoped3A = tpu.sem_alloc : memref<!tpu.dma_semaphore, #tpu.memory_space<semaphore_mem>>
          %dma_start3A_62 = arith.constant 0 : i32
          %dma_start3A_63 = tpu.memref_slice %arg17[%dma_start3A_62] : memref<10240xf32, #tpu.memory_space<vmem_shared>> -> memref<10240xf32, #tpu.memory_space<vmem_shared>>
          tpu.enqueue_indirect_dma source(%arg13 : memref<128xf32, #tpu.memory_space<vmem>>) target(%dma_start3A_63 : memref<10240xf32, #tpu.memory_space<vmem_shared>>) offsets(%arg12 : memref<128xi32, #tpu.memory_space<vmem>>) semaphore(%run_scoped3A : memref<!tpu.dma_semaphore, #tpu.memory_space<semaphore_mem>>) {add = true}
          %dma_wait3A_64 = arith.constant 0 : i32
          %dma_wait3A_65 = tpu.memref_slice %arg17[%dma_wait3A_64] : memref<10240xf32, #tpu.memory_space<vmem_shared>> -> memref<10240xf32, #tpu.memory_space<vmem_shared>>
          tpu.wait_indirect_dma semaphore(%run_scoped3A : memref<!tpu.dma_semaphore, #tpu.memory_space<semaphore_mem>>) src(%arg13 : memref<128xf32, #tpu.memory_space<vmem>>) dst(%dma_wait3A_65 : memref<10240xf32, #tpu.memory_space<vmem_shared>>)
          tpu.yield
        }) : () -> ()
      }
      %scan3A_26 = arith.constant 56 : i32
      "tpu.region"() ({
        %run_scoped3A = tpu.sem_alloc : memref<!tpu.dma_semaphore, #tpu.memory_space<semaphore_mem>>
        %dma_start3A_42 = arith.constant 0 : i32
        %dma_start3A_43 = arith.constant 0 : i32
        %dma_start3A_44 = tpu.memref_slice %arg9[%dma_start3A_42, %dma_start3A_43] : memref<448x128xi32, #tpu.memory_space<vmem>> -> memref<448x128xi32, #tpu.memory_space<vmem>>
        %dma_start3A_45 = arith.constant 0 : i32
        %dma_start3A_46 = tpu.memref_slice %arg3[%mul3A_17, %dma_start3A_45] : memref<10240x128xi32, #tpu.memory_space<hbm>> -> memref<448x128xi32, #tpu.memory_space<hbm>>
        %dma_start3A_47 = arith.constant 0 : i32
        %dma_start3A_48 = arith.constant 0 : i32
        %dma_start3A_49 = tpu.memref_slice %arg9[%dma_start3A_47, %dma_start3A_48] : memref<448x128xi32, #tpu.memory_space<vmem>> -> memref<448x128xi32, #tpu.memory_space<vmem>>
        %dma_start3A_50 = arith.constant 0 : i32
        %dma_start3A_51 = tpu.memref_slice %arg3[%mul3A_17, %dma_start3A_50] : memref<10240x128xi32, #tpu.memory_space<hbm>> -> memref<448x128xi32, #tpu.memory_space<hbm>>
        tpu.enqueue_dma source(%dma_start3A_51 : memref<448x128xi32, #tpu.memory_space<hbm>>) target(%dma_start3A_49 : memref<448x128xi32, #tpu.memory_space<vmem>>) target_semaphore(%run_scoped3A : memref<!tpu.dma_semaphore, #tpu.memory_space<semaphore_mem>>)
        %dma_wait3A = arith.constant 0 : i32
        %dma_wait3A_52 = arith.constant 0 : i32
        %dma_wait3A_53 = tpu.memref_slice %arg9[%dma_wait3A, %dma_wait3A_52] : memref<448x128xi32, #tpu.memory_space<vmem>> -> memref<448x128xi32, #tpu.memory_space<vmem>>
        %dma_wait3A_54 = arith.constant 0 : i32
        %dma_wait3A_55 = tpu.memref_slice %arg3[%mul3A_17, %dma_wait3A_54] : memref<10240x128xi32, #tpu.memory_space<hbm>> -> memref<448x128xi32, #tpu.memory_space<hbm>>
        %dma_wait3A_56 = arith.constant 0 : i32
        %dma_wait3A_57 = arith.constant 0 : i32
        %dma_wait3A_58 = tpu.memref_slice %arg9[%dma_wait3A_56, %dma_wait3A_57] : memref<448x128xi32, #tpu.memory_space<vmem>> -> memref<448x128xi32, #tpu.memory_space<vmem>>
        %dma_wait3A_59 = arith.constant 0 : i32
        %dma_wait3A_60 = tpu.memref_slice %arg3[%mul3A_17, %dma_wait3A_59] : memref<10240x128xi32, #tpu.memory_space<hbm>> -> memref<448x128xi32, #tpu.memory_space<hbm>>
        tpu.wait_dma2 semaphore(%run_scoped3A : memref<!tpu.dma_semaphore, #tpu.memory_space<semaphore_mem>>) src(%dma_wait3A_60 : memref<448x128xi32, #tpu.memory_space<hbm>>) dst(%dma_wait3A_58 : memref<448x128xi32, #tpu.memory_space<vmem>>)
        tpu.yield
      }) : () -> ()
      %scan3A_27 = arith.constant 0 : i32
      %scan3A_28 = arith.constant 16 : i32
      %scan3A_29 = arith.addi %scan3A_27, %scan3A_28 : i32
      %scan3A_30 = arith.constant 1 : i32
      scf.for %scan3A_42 = %scan3A_27 to %scan3A_29 step %scan3A_30  : i32 {
        %mul3A_43 = arith.constant 1 : i32
        %mul3A_44 = arith.muli %scan3A_42, %mul3A_43 : i32
        %add3A = arith.constant 0 : i32
        %add3A_45 = arith.addi %add3A, %mul3A_44 : i32
        %dma_start3A_46 = arith.constant 0 : i32
        %dma_start3A_47 = tpu.memref_slice %arg10[%add3A_45, %dma_start3A_46] : memref<448x128xf32, #tpu.memory_space<vmem>> -> memref<1x128xf32, #tpu.memory_space<vmem>>
        %dma_start3A_48 = tpu.memref_squeeze %dma_start3A_47 : memref<1x128xf32, #tpu.memory_space<vmem>> -> memref<128xf32, #tpu.memory_space<vmem>>
        %dma_start3A_49 = arith.constant 0 : i32
        %dma_start3A_50 = tpu.memref_slice %arg9[%add3A_45, %dma_start3A_49] : memref<448x128xi32, #tpu.memory_space<vmem>> -> memref<1x128xi32, #tpu.memory_space<vmem>>
        %dma_start3A_51 = tpu.memref_squeeze %dma_start3A_50 : memref<1x128xi32, #tpu.memory_space<vmem>> -> memref<128xi32, #tpu.memory_space<vmem>>
        %dma_start3A_52 = arith.constant 0 : i32
        %dma_start3A_53 = tpu.memref_slice %arg2[%dma_start3A_52] : memref<1280000xf32, #tpu.memory_space<hbm>> -> memref<1280000xf32, #tpu.memory_space<hbm>>
        tpu.enqueue_indirect_dma source(%dma_start3A_53 : memref<1280000xf32, #tpu.memory_space<hbm>>) target(%dma_start3A_48 : memref<128xf32, #tpu.memory_space<vmem>>) offsets(%dma_start3A_51 : memref<128xi32, #tpu.memory_space<vmem>>) semaphore(%arg14 : memref<!tpu.dma_semaphore, #tpu.memory_space<semaphore_mem>>)
      }
      %scan3A_31 = arith.constant 16 : i32
      %scan3A_32 = arith.constant 0 : i32
      %scan3A_33 = arith.constant 432 : i32
      %scan3A_34 = arith.addi %scan3A_32, %scan3A_33 : i32
      %scan3A_35 = arith.constant 1 : i32
      scf.for %scan3A_42 = %scan3A_32 to %scan3A_34 step %scan3A_35  : i32 {
        %mul3A_43 = arith.constant 1 : i32
        %mul3A_44 = arith.muli %scan3A_42, %mul3A_43 : i32
        %add3A = arith.constant 0 : i32
        %add3A_45 = arith.addi %add3A, %mul3A_44 : i32
        %dma_wait3A = arith.constant 0 : i32
        %dma_wait3A_46 = tpu.memref_slice %arg10[%add3A_45, %dma_wait3A] : memref<448x128xf32, #tpu.memory_space<vmem>> -> memref<1x128xf32, #tpu.memory_space<vmem>>
        %dma_wait3A_47 = tpu.memref_squeeze %dma_wait3A_46 : memref<1x128xf32, #tpu.memory_space<vmem>> -> memref<128xf32, #tpu.memory_space<vmem>>
        %dma_wait3A_48 = arith.constant 0 : i32
        %dma_wait3A_49 = tpu.memref_slice %arg9[%add3A_45, %dma_wait3A_48] : memref<448x128xi32, #tpu.memory_space<vmem>> -> memref<1x128xi32, #tpu.memory_space<vmem>>
        %dma_wait3A_50 = tpu.memref_squeeze %dma_wait3A_49 : memref<1x128xi32, #tpu.memory_space<vmem>> -> memref<128xi32, #tpu.memory_space<vmem>>
        %dma_wait3A_51 = arith.constant 0 : i32
        %dma_wait3A_52 = tpu.memref_slice %arg2[%dma_wait3A_51] : memref<1280000xf32, #tpu.memory_space<hbm>> -> memref<1280000xf32, #tpu.memory_space<hbm>>
        tpu.wait_indirect_dma semaphore(%arg14 : memref<!tpu.dma_semaphore, #tpu.memory_space<semaphore_mem>>) src(%dma_wait3A_52 : memref<1280000xf32, #tpu.memory_space<hbm>>) dst(%dma_wait3A_47 : memref<128xf32, #tpu.memory_space<vmem>>)
        %add3A_53 = arith.constant 16 : i32
        %add3A_54 = arith.addi %add3A_45, %add3A_53 : i32
        %add3A_55 = arith.constant 16 : i32
        %add3A_56 = arith.addi %add3A_45, %add3A_55 : i32
        %dma_start3A_57 = arith.constant 0 : i32
        %dma_start3A_58 = tpu.memref_slice %arg10[%add3A_56, %dma_start3A_57] : memref<448x128xf32, #tpu.memory_space<vmem>> -> memref<1x128xf32, #tpu.memory_space<vmem>>
        %dma_start3A_59 = tpu.memref_squeeze %dma_start3A_58 : memref<1x128xf32, #tpu.memory_space<vmem>> -> memref<128xf32, #tpu.memory_space<vmem>>
        %dma_start3A_60 = arith.constant 0 : i32
        %dma_start3A_61 = tpu.memref_slice %arg9[%add3A_54, %dma_start3A_60] : memref<448x128xi32, #tpu.memory_space<vmem>> -> memref<1x128xi32, #tpu.memory_space<vmem>>
        %dma_start3A_62 = tpu.memref_squeeze %dma_start3A_61 : memref<1x128xi32, #tpu.memory_space<vmem>> -> memref<128xi32, #tpu.memory_space<vmem>>
        %dma_start3A_63 = arith.constant 0 : i32
        %dma_start3A_64 = tpu.memref_slice %arg2[%dma_start3A_63] : memref<1280000xf32, #tpu.memory_space<hbm>> -> memref<1280000xf32, #tpu.memory_space<hbm>>
        tpu.enqueue_indirect_dma source(%dma_start3A_64 : memref<1280000xf32, #tpu.memory_space<hbm>>) target(%dma_start3A_59 : memref<128xf32, #tpu.memory_space<vmem>>) offsets(%dma_start3A_62 : memref<128xi32, #tpu.memory_space<vmem>>) semaphore(%arg14 : memref<!tpu.dma_semaphore, #tpu.memory_space<semaphore_mem>>)
      }
      %scan3A_36 = arith.constant 432 : i32
      %scan3A_37 = arith.constant 0 : i32
      %scan3A_38 = arith.constant 16 : i32
      %scan3A_39 = arith.addi %scan3A_37, %scan3A_38 : i32
      %scan3A_40 = arith.constant 1 : i32
      scf.for %scan3A_42 = %scan3A_37 to %scan3A_39 step %scan3A_40  : i32 {
        %mul3A_43 = arith.constant 1 : i32
        %mul3A_44 = arith.muli %scan3A_42, %mul3A_43 : i32
        %add3A = arith.constant 432 : i32
        %add3A_45 = arith.addi %add3A, %mul3A_44 : i32
        %dma_wait3A = arith.constant 0 : i32
        %dma_wait3A_46 = tpu.memref_slice %arg10[%add3A_45, %dma_wait3A] : memref<448x128xf32, #tpu.memory_space<vmem>> -> memref<1x128xf32, #tpu.memory_space<vmem>>
        %dma_wait3A_47 = tpu.memref_squeeze %dma_wait3A_46 : memref<1x128xf32, #tpu.memory_space<vmem>> -> memref<128xf32, #tpu.memory_space<vmem>>
        %dma_wait3A_48 = arith.constant 0 : i32
        %dma_wait3A_49 = tpu.memref_slice %arg9[%add3A_45, %dma_wait3A_48] : memref<448x128xi32, #tpu.memory_space<vmem>> -> memref<1x128xi32, #tpu.memory_space<vmem>>
        %dma_wait3A_50 = tpu.memref_squeeze %dma_wait3A_49 : memref<1x128xi32, #tpu.memory_space<vmem>> -> memref<128xi32, #tpu.memory_space<vmem>>
        %dma_wait3A_51 = arith.constant 0 : i32
        %dma_wait3A_52 = tpu.memref_slice %arg2[%dma_wait3A_51] : memref<1280000xf32, #tpu.memory_space<hbm>> -> memref<1280000xf32, #tpu.memory_space<hbm>>
        tpu.wait_indirect_dma semaphore(%arg14 : memref<!tpu.dma_semaphore, #tpu.memory_space<semaphore_mem>>) src(%dma_wait3A_52 : memref<1280000xf32, #tpu.memory_space<hbm>>) dst(%dma_wait3A_47 : memref<128xf32, #tpu.memory_space<vmem>>)
      }
      %scan3A_41 = arith.constant 16 : i32
      "tpu.region"() ({
        %run_scoped3A = tpu.sem_alloc : memref<!tpu.dma_semaphore, #tpu.memory_space<semaphore_mem>>
        %dma_start3A_42 = arith.constant 0 : i32
        %dma_start3A_43 = arith.constant 0 : i32
        %dma_start3A_44 = tpu.memref_slice %arg10[%dma_start3A_42, %dma_start3A_43] : memref<448x128xf32, #tpu.memory_space<vmem>> -> memref<448x128xf32, #tpu.memory_space<vmem>>
        %dma_start3A_45 = arith.constant 0 : i32
        %dma_start3A_46 = tpu.memref_slice %arg7[%mul3A_17, %dma_start3A_45] : memref<10240x128xf32, #tpu.memory_space<hbm>> -> memref<448x128xf32, #tpu.memory_space<hbm>>
        %dma_start3A_47 = arith.constant 0 : i32
        %dma_start3A_48 = tpu.memref_slice %arg7[%mul3A_17, %dma_start3A_47] : memref<10240x128xf32, #tpu.memory_space<hbm>> -> memref<448x128xf32, #tpu.memory_space<hbm>>
        %dma_start3A_49 = arith.constant 0 : i32
        %dma_start3A_50 = arith.constant 0 : i32
        %dma_start3A_51 = tpu.memref_slice %arg10[%dma_start3A_49, %dma_start3A_50] : memref<448x128xf32, #tpu.memory_space<vmem>> -> memref<448x128xf32, #tpu.memory_space<vmem>>
        tpu.enqueue_dma source(%dma_start3A_51 : memref<448x128xf32, #tpu.memory_space<vmem>>) target(%dma_start3A_48 : memref<448x128xf32, #tpu.memory_space<hbm>>) target_semaphore(%run_scoped3A : memref<!tpu.dma_semaphore, #tpu.memory_space<semaphore_mem>>)
        %dma_wait3A = arith.constant 0 : i32
        %dma_wait3A_52 = arith.constant 0 : i32
        %dma_wait3A_53 = tpu.memref_slice %arg10[%dma_wait3A, %dma_wait3A_52] : memref<448x128xf32, #tpu.memory_space<vmem>> -> memref<448x128xf32, #tpu.memory_space<vmem>>
        %dma_wait3A_54 = arith.constant 0 : i32
        %dma_wait3A_55 = tpu.memref_slice %arg7[%mul3A_17, %dma_wait3A_54] : memref<10240x128xf32, #tpu.memory_space<hbm>> -> memref<448x128xf32, #tpu.memory_space<hbm>>
        %dma_wait3A_56 = arith.constant 0 : i32
        %dma_wait3A_57 = tpu.memref_slice %arg7[%mul3A_17, %dma_wait3A_56] : memref<10240x128xf32, #tpu.memory_space<hbm>> -> memref<448x128xf32, #tpu.memory_space<hbm>>
        %dma_wait3A_58 = arith.constant 0 : i32
        %dma_wait3A_59 = arith.constant 0 : i32
        %dma_wait3A_60 = tpu.memref_slice %arg10[%dma_wait3A_58, %dma_wait3A_59] : memref<448x128xf32, #tpu.memory_space<vmem>> -> memref<448x128xf32, #tpu.memory_space<vmem>>
        tpu.wait_dma2 semaphore(%run_scoped3A : memref<!tpu.dma_semaphore, #tpu.memory_space<semaphore_mem>>) src(%dma_wait3A_60 : memref<448x128xf32, #tpu.memory_space<vmem>>) dst(%dma_wait3A_57 : memref<448x128xf32, #tpu.memory_space<hbm>>)
        tpu.yield
      }) : () -> ()
    } else {
    }
    %eq3A_7 = arith.constant 1 : i32
    %eq3A_8 = arith.cmpi eq, %arg0, %eq3A_7 : i32
    %convert_element_type3A_9 = arith.extui %eq3A_8 : i1 to i32
    %cond3A_10 = arith.constant 0 : i32
    %cond3A_11 = arith.cmpi ne, %convert_element_type3A_9, %cond3A_10 : i32
    scf.if %cond3A_11 {
      %mul3A_16 = arith.constant 640 : i32
      %mul3A_17 = arith.muli %arg1, %mul3A_16 : i32
      %add3A = arith.constant 448 : i32
      %add3A_18 = arith.addi %mul3A_17, %add3A : i32
      %mul3A_19 = arith.constant 160 : i32
      %mul3A_20 = arith.muli %arg1, %mul3A_19 : i32
      %mul3A_21 = arith.constant 128 : i32
      %mul3A_22 = arith.muli %mul3A_20, %mul3A_21 : i32
      %add3A_23 = arith.constant 14336 : i32
      %add3A_24 = arith.addi %mul3A_22, %add3A_23 : i32
      %dma_start3A = tpu.memref_slice %arg4[%add3A_24] : memref<327680xi32, #tpu.memory_space<hbm>> -> memref<128xi32, #tpu.memory_space<hbm>>
      %dma_start3A_25 = tpu.memref_slice %arg4[%add3A_24] : memref<327680xi32, #tpu.memory_space<hbm>> -> memref<128xi32, #tpu.memory_space<hbm>>
      tpu.enqueue_dma source(%dma_start3A_25 : memref<128xi32, #tpu.memory_space<hbm>>) target(%arg11 : memref<128xi32, #tpu.memory_space<vmem>>) target_semaphore(%arg15 : memref<!tpu.dma_semaphore, #tpu.memory_space<semaphore_mem>>)
      %scan3A = arith.constant 0 : i32
      %scan3A_26 = arith.constant 24 : i32
      %scan3A_27 = arith.addi %scan3A, %scan3A_26 : i32
      %scan3A_28 = arith.constant 1 : i32
      scf.for %scan3A_45 = %scan3A to %scan3A_27 step %scan3A_28  : i32 {
        %mul3A_46 = arith.constant 1 : i32
        %mul3A_47 = arith.muli %scan3A_45, %mul3A_46 : i32
        %add3A_48 = arith.constant 0 : i32
        %add3A_49 = arith.addi %add3A_48, %mul3A_47 : i32
        %dma_wait3A = tpu.memref_slice %arg4[%add3A_24] : memref<327680xi32, #tpu.memory_space<hbm>> -> memref<128xi32, #tpu.memory_space<hbm>>
        %dma_wait3A_50 = tpu.memref_slice %arg4[%add3A_24] : memref<327680xi32, #tpu.memory_space<hbm>> -> memref<128xi32, #tpu.memory_space<hbm>>
        tpu.wait_dma2 semaphore(%arg15 : memref<!tpu.dma_semaphore, #tpu.memory_space<semaphore_mem>>) src(%dma_wait3A_50 : memref<128xi32, #tpu.memory_space<hbm>>) dst(%arg11 : memref<128xi32, #tpu.memory_space<vmem>>)
        %mul3A_51 = arith.constant 2 : i32
        %mul3A_52 = arith.muli %mul3A_51, %add3A_49 : i32
        %add3A_53 = arith.constant 1 : i32
        %add3A_54 = arith.addi %mul3A_52, %add3A_53 : i32
        %mul3A_55 = arith.constant 128 : i32
        %mul3A_56 = arith.muli %add3A_54, %mul3A_55 : i32
        %add3A_57 = arith.addi %add3A_24, %mul3A_56 : i32
        %dma_start3A_58 = tpu.memref_slice %arg4[%add3A_57] : memref<327680xi32, #tpu.memory_space<hbm>> -> memref<128xi32, #tpu.memory_space<hbm>>
        %dma_start3A_59 = tpu.memref_slice %arg4[%add3A_57] : memref<327680xi32, #tpu.memory_space<hbm>> -> memref<128xi32, #tpu.memory_space<hbm>>
        tpu.enqueue_dma source(%dma_start3A_59 : memref<128xi32, #tpu.memory_space<hbm>>) target(%arg12 : memref<128xi32, #tpu.memory_space<vmem>>) target_semaphore(%arg16 : memref<!tpu.dma_semaphore, #tpu.memory_space<semaphore_mem>>)
        "tpu.region"() ({
          %run_scoped3A = tpu.sem_alloc : memref<!tpu.dma_semaphore, #tpu.memory_space<semaphore_mem>>
          %dma_start3A_66 = arith.constant 0 : i32
          %dma_start3A_67 = tpu.memref_slice %arg17[%dma_start3A_66] : memref<10240xf32, #tpu.memory_space<vmem_shared>> -> memref<10240xf32, #tpu.memory_space<vmem_shared>>
          tpu.enqueue_indirect_dma source(%arg13 : memref<128xf32, #tpu.memory_space<vmem>>) target(%dma_start3A_67 : memref<10240xf32, #tpu.memory_space<vmem_shared>>) offsets(%arg11 : memref<128xi32, #tpu.memory_space<vmem>>) semaphore(%run_scoped3A : memref<!tpu.dma_semaphore, #tpu.memory_space<semaphore_mem>>) {add = true}
          %dma_wait3A_68 = arith.constant 0 : i32
          %dma_wait3A_69 = tpu.memref_slice %arg17[%dma_wait3A_68] : memref<10240xf32, #tpu.memory_space<vmem_shared>> -> memref<10240xf32, #tpu.memory_space<vmem_shared>>
          tpu.wait_indirect_dma semaphore(%run_scoped3A : memref<!tpu.dma_semaphore, #tpu.memory_space<semaphore_mem>>) src(%arg13 : memref<128xf32, #tpu.memory_space<vmem>>) dst(%dma_wait3A_69 : memref<10240xf32, #tpu.memory_space<vmem_shared>>)
          tpu.yield
        }) : () -> ()
        %dma_wait3A_60 = tpu.memref_slice %arg4[%add3A_24] : memref<327680xi32, #tpu.memory_space<hbm>> -> memref<128xi32, #tpu.memory_space<hbm>>
        %dma_wait3A_61 = tpu.memref_slice %arg4[%add3A_24] : memref<327680xi32, #tpu.memory_space<hbm>> -> memref<128xi32, #tpu.memory_space<hbm>>
        tpu.wait_dma2 semaphore(%arg16 : memref<!tpu.dma_semaphore, #tpu.memory_space<semaphore_mem>>) src(%dma_wait3A_61 : memref<128xi32, #tpu.memory_space<hbm>>) dst(%arg12 : memref<128xi32, #tpu.memory_space<vmem>>)
        %lt3A = arith.constant 23 : i32
        %lt3A_62 = arith.cmpi slt, %add3A_49, %lt3A : i32
        %convert_element_type3A_63 = arith.extui %lt3A_62 : i1 to i32
        %cond3A_64 = arith.constant 0 : i32
        %cond3A_65 = arith.cmpi ne, %convert_element_type3A_63, %cond3A_64 : i32
        scf.if %cond3A_65 {
          %mul3A_66 = arith.constant 2 : i32
          %mul3A_67 = arith.muli %mul3A_66, %add3A_49 : i32
          %add3A_68 = arith.constant 2 : i32
          %add3A_69 = arith.addi %mul3A_67, %add3A_68 : i32
          %mul3A_70 = arith.constant 128 : i32
          %mul3A_71 = arith.muli %add3A_69, %mul3A_70 : i32
          %add3A_72 = arith.addi %add3A_24, %mul3A_71 : i32
          %dma_start3A_73 = tpu.memref_slice %arg4[%add3A_72] : memref<327680xi32, #tpu.memory_space<hbm>> -> memref<128xi32, #tpu.memory_space<hbm>>
          %dma_start3A_74 = tpu.memref_slice %arg4[%add3A_72] : memref<327680xi32, #tpu.memory_space<hbm>> -> memref<128xi32, #tpu.memory_space<hbm>>
          tpu.enqueue_dma source(%dma_start3A_74 : memref<128xi32, #tpu.memory_space<hbm>>) target(%arg11 : memref<128xi32, #tpu.memory_space<vmem>>) target_semaphore(%arg15 : memref<!tpu.dma_semaphore, #tpu.memory_space<semaphore_mem>>)
        } else {
        }
        "tpu.region"() ({
          %run_scoped3A = tpu.sem_alloc : memref<!tpu.dma_semaphore, #tpu.memory_space<semaphore_mem>>
          %dma_start3A_66 = arith.constant 0 : i32
          %dma_start3A_67 = tpu.memref_slice %arg17[%dma_start3A_66] : memref<10240xf32, #tpu.memory_space<vmem_shared>> -> memref<10240xf32, #tpu.memory_space<vmem_shared>>
          tpu.enqueue_indirect_dma source(%arg13 : memref<128xf32, #tpu.memory_space<vmem>>) target(%dma_start3A_67 : memref<10240xf32, #tpu.memory_space<vmem_shared>>) offsets(%arg12 : memref<128xi32, #tpu.memory_space<vmem>>) semaphore(%run_scoped3A : memref<!tpu.dma_semaphore, #tpu.memory_space<semaphore_mem>>) {add = true}
          %dma_wait3A_68 = arith.constant 0 : i32
          %dma_wait3A_69 = tpu.memref_slice %arg17[%dma_wait3A_68] : memref<10240xf32, #tpu.memory_space<vmem_shared>> -> memref<10240xf32, #tpu.memory_space<vmem_shared>>
          tpu.wait_indirect_dma semaphore(%run_scoped3A : memref<!tpu.dma_semaphore, #tpu.memory_space<semaphore_mem>>) src(%arg13 : memref<128xf32, #tpu.memory_space<vmem>>) dst(%dma_wait3A_69 : memref<10240xf32, #tpu.memory_space<vmem_shared>>)
          tpu.yield
        }) : () -> ()
      }
      %scan3A_29 = arith.constant 24 : i32
      "tpu.region"() ({
        %run_scoped3A = tpu.sem_alloc : memref<!tpu.dma_semaphore, #tpu.memory_space<semaphore_mem>>
        %dma_start3A_45 = arith.constant 0 : i32
        %dma_start3A_46 = arith.constant 0 : i32
        %dma_start3A_47 = tpu.memref_slice %arg9[%dma_start3A_45, %dma_start3A_46] : memref<448x128xi32, #tpu.memory_space<vmem>> -> memref<192x128xi32, #tpu.memory_space<vmem>>
        %dma_start3A_48 = arith.constant 0 : i32
        %dma_start3A_49 = tpu.memref_slice %arg3[%add3A_18, %dma_start3A_48] : memref<10240x128xi32, #tpu.memory_space<hbm>> -> memref<192x128xi32, #tpu.memory_space<hbm>>
        %dma_start3A_50 = arith.constant 0 : i32
        %dma_start3A_51 = arith.constant 0 : i32
        %dma_start3A_52 = tpu.memref_slice %arg9[%dma_start3A_50, %dma_start3A_51] : memref<448x128xi32, #tpu.memory_space<vmem>> -> memref<192x128xi32, #tpu.memory_space<vmem>>
        %dma_start3A_53 = arith.constant 0 : i32
        %dma_start3A_54 = tpu.memref_slice %arg3[%add3A_18, %dma_start3A_53] : memref<10240x128xi32, #tpu.memory_space<hbm>> -> memref<192x128xi32, #tpu.memory_space<hbm>>
        tpu.enqueue_dma source(%dma_start3A_54 : memref<192x128xi32, #tpu.memory_space<hbm>>) target(%dma_start3A_52 : memref<192x128xi32, #tpu.memory_space<vmem>>) target_semaphore(%run_scoped3A : memref<!tpu.dma_semaphore, #tpu.memory_space<semaphore_mem>>)
        %dma_wait3A = arith.constant 0 : i32
        %dma_wait3A_55 = arith.constant 0 : i32
        %dma_wait3A_56 = tpu.memref_slice %arg9[%dma_wait3A, %dma_wait3A_55] : memref<448x128xi32, #tpu.memory_space<vmem>> -> memref<192x128xi32, #tpu.memory_space<vmem>>
        %dma_wait3A_57 = arith.constant 0 : i32
        %dma_wait3A_58 = tpu.memref_slice %arg3[%add3A_18, %dma_wait3A_57] : memref<10240x128xi32, #tpu.memory_space<hbm>> -> memref<192x128xi32, #tpu.memory_space<hbm>>
        %dma_wait3A_59 = arith.constant 0 : i32
        %dma_wait3A_60 = arith.constant 0 : i32
        %dma_wait3A_61 = tpu.memref_slice %arg9[%dma_wait3A_59, %dma_wait3A_60] : memref<448x128xi32, #tpu.memory_space<vmem>> -> memref<192x128xi32, #tpu.memory_space<vmem>>
        %dma_wait3A_62 = arith.constant 0 : i32
        %dma_wait3A_63 = tpu.memref_slice %arg3[%add3A_18, %dma_wait3A_62] : memref<10240x128xi32, #tpu.memory_space<hbm>> -> memref<192x128xi32, #tpu.memory_space<hbm>>
        tpu.wait_dma2 semaphore(%run_scoped3A : memref<!tpu.dma_semaphore, #tpu.memory_space<semaphore_mem>>) src(%dma_wait3A_63 : memref<192x128xi32, #tpu.memory_space<hbm>>) dst(%dma_wait3A_61 : memref<192x128xi32, #tpu.memory_space<vmem>>)
        tpu.yield
      }) : () -> ()
      %scan3A_30 = arith.constant 0 : i32
      %scan3A_31 = arith.constant 16 : i32
      %scan3A_32 = arith.addi %scan3A_30, %scan3A_31 : i32
      %scan3A_33 = arith.constant 1 : i32
      scf.for %scan3A_45 = %scan3A_30 to %scan3A_32 step %scan3A_33  : i32 {
        %mul3A_46 = arith.constant 1 : i32
        %mul3A_47 = arith.muli %scan3A_45, %mul3A_46 : i32
        %add3A_48 = arith.constant 0 : i32
        %add3A_49 = arith.addi %add3A_48, %mul3A_47 : i32
        %dma_start3A_50 = arith.constant 0 : i32
        %dma_start3A_51 = tpu.memref_slice %arg10[%add3A_49, %dma_start3A_50] : memref<448x128xf32, #tpu.memory_space<vmem>> -> memref<1x128xf32, #tpu.memory_space<vmem>>
        %dma_start3A_52 = tpu.memref_squeeze %dma_start3A_51 : memref<1x128xf32, #tpu.memory_space<vmem>> -> memref<128xf32, #tpu.memory_space<vmem>>
        %dma_start3A_53 = arith.constant 0 : i32
        %dma_start3A_54 = tpu.memref_slice %arg9[%add3A_49, %dma_start3A_53] : memref<448x128xi32, #tpu.memory_space<vmem>> -> memref<1x128xi32, #tpu.memory_space<vmem>>
        %dma_start3A_55 = tpu.memref_squeeze %dma_start3A_54 : memref<1x128xi32, #tpu.memory_space<vmem>> -> memref<128xi32, #tpu.memory_space<vmem>>
        %dma_start3A_56 = arith.constant 0 : i32
        %dma_start3A_57 = tpu.memref_slice %arg2[%dma_start3A_56] : memref<1280000xf32, #tpu.memory_space<hbm>> -> memref<1280000xf32, #tpu.memory_space<hbm>>
        tpu.enqueue_indirect_dma source(%dma_start3A_57 : memref<1280000xf32, #tpu.memory_space<hbm>>) target(%dma_start3A_52 : memref<128xf32, #tpu.memory_space<vmem>>) offsets(%dma_start3A_55 : memref<128xi32, #tpu.memory_space<vmem>>) semaphore(%arg14 : memref<!tpu.dma_semaphore, #tpu.memory_space<semaphore_mem>>)
      }
      %scan3A_34 = arith.constant 16 : i32
      %scan3A_35 = arith.constant 0 : i32
      %scan3A_36 = arith.constant 176 : i32
      %scan3A_37 = arith.addi %scan3A_35, %scan3A_36 : i32
      %scan3A_38 = arith.constant 1 : i32
      scf.for %scan3A_45 = %scan3A_35 to %scan3A_37 step %scan3A_38  : i32 {
        %mul3A_46 = arith.constant 1 : i32
        %mul3A_47 = arith.muli %scan3A_45, %mul3A_46 : i32
        %add3A_48 = arith.constant 0 : i32
        %add3A_49 = arith.addi %add3A_48, %mul3A_47 : i32
        %dma_wait3A = arith.constant 0 : i32
        %dma_wait3A_50 = tpu.memref_slice %arg10[%add3A_49, %dma_wait3A] : memref<448x128xf32, #tpu.memory_space<vmem>> -> memref<1x128xf32, #tpu.memory_space<vmem>>
        %dma_wait3A_51 = tpu.memref_squeeze %dma_wait3A_50 : memref<1x128xf32, #tpu.memory_space<vmem>> -> memref<128xf32, #tpu.memory_space<vmem>>
        %dma_wait3A_52 = arith.constant 0 : i32
        %dma_wait3A_53 = tpu.memref_slice %arg9[%add3A_49, %dma_wait3A_52] : memref<448x128xi32, #tpu.memory_space<vmem>> -> memref<1x128xi32, #tpu.memory_space<vmem>>
        %dma_wait3A_54 = tpu.memref_squeeze %dma_wait3A_53 : memref<1x128xi32, #tpu.memory_space<vmem>> -> memref<128xi32, #tpu.memory_space<vmem>>
        %dma_wait3A_55 = arith.constant 0 : i32
        %dma_wait3A_56 = tpu.memref_slice %arg2[%dma_wait3A_55] : memref<1280000xf32, #tpu.memory_space<hbm>> -> memref<1280000xf32, #tpu.memory_space<hbm>>
        tpu.wait_indirect_dma semaphore(%arg14 : memref<!tpu.dma_semaphore, #tpu.memory_space<semaphore_mem>>) src(%dma_wait3A_56 : memref<1280000xf32, #tpu.memory_space<hbm>>) dst(%dma_wait3A_51 : memref<128xf32, #tpu.memory_space<vmem>>)
        %add3A_57 = arith.constant 16 : i32
        %add3A_58 = arith.addi %add3A_49, %add3A_57 : i32
        %add3A_59 = arith.constant 16 : i32
        %add3A_60 = arith.addi %add3A_49, %add3A_59 : i32
        %dma_start3A_61 = arith.constant 0 : i32
        %dma_start3A_62 = tpu.memref_slice %arg10[%add3A_60, %dma_start3A_61] : memref<448x128xf32, #tpu.memory_space<vmem>> -> memref<1x128xf32, #tpu.memory_space<vmem>>
        %dma_start3A_63 = tpu.memref_squeeze %dma_start3A_62 : memref<1x128xf32, #tpu.memory_space<vmem>> -> memref<128xf32, #tpu.memory_space<vmem>>
        %dma_start3A_64 = arith.constant 0 : i32
        %dma_start3A_65 = tpu.memref_slice %arg9[%add3A_58, %dma_start3A_64] : memref<448x128xi32, #tpu.memory_space<vmem>> -> memref<1x128xi32, #tpu.memory_space<vmem>>
        %dma_start3A_66 = tpu.memref_squeeze %dma_start3A_65 : memref<1x128xi32, #tpu.memory_space<vmem>> -> memref<128xi32, #tpu.memory_space<vmem>>
        %dma_start3A_67 = arith.constant 0 : i32
        %dma_start3A_68 = tpu.memref_slice %arg2[%dma_start3A_67] : memref<1280000xf32, #tpu.memory_space<hbm>> -> memref<1280000xf32, #tpu.memory_space<hbm>>
        tpu.enqueue_indirect_dma source(%dma_start3A_68 : memref<1280000xf32, #tpu.memory_space<hbm>>) target(%dma_start3A_63 : memref<128xf32, #tpu.memory_space<vmem>>) offsets(%dma_start3A_66 : memref<128xi32, #tpu.memory_space<vmem>>) semaphore(%arg14 : memref<!tpu.dma_semaphore, #tpu.memory_space<semaphore_mem>>)
      }
      %scan3A_39 = arith.constant 176 : i32
      %scan3A_40 = arith.constant 0 : i32
      %scan3A_41 = arith.constant 16 : i32
      %scan3A_42 = arith.addi %scan3A_40, %scan3A_41 : i32
      %scan3A_43 = arith.constant 1 : i32
      scf.for %scan3A_45 = %scan3A_40 to %scan3A_42 step %scan3A_43  : i32 {
        %mul3A_46 = arith.constant 1 : i32
        %mul3A_47 = arith.muli %scan3A_45, %mul3A_46 : i32
        %add3A_48 = arith.constant 176 : i32
        %add3A_49 = arith.addi %add3A_48, %mul3A_47 : i32
        %dma_wait3A = arith.constant 0 : i32
        %dma_wait3A_50 = tpu.memref_slice %arg10[%add3A_49, %dma_wait3A] : memref<448x128xf32, #tpu.memory_space<vmem>> -> memref<1x128xf32, #tpu.memory_space<vmem>>
        %dma_wait3A_51 = tpu.memref_squeeze %dma_wait3A_50 : memref<1x128xf32, #tpu.memory_space<vmem>> -> memref<128xf32, #tpu.memory_space<vmem>>
        %dma_wait3A_52 = arith.constant 0 : i32
        %dma_wait3A_53 = tpu.memref_slice %arg9[%add3A_49, %dma_wait3A_52] : memref<448x128xi32, #tpu.memory_space<vmem>> -> memref<1x128xi32, #tpu.memory_space<vmem>>
        %dma_wait3A_54 = tpu.memref_squeeze %dma_wait3A_53 : memref<1x128xi32, #tpu.memory_space<vmem>> -> memref<128xi32, #tpu.memory_space<vmem>>
        %dma_wait3A_55 = arith.constant 0 : i32
        %dma_wait3A_56 = tpu.memref_slice %arg2[%dma_wait3A_55] : memref<1280000xf32, #tpu.memory_space<hbm>> -> memref<1280000xf32, #tpu.memory_space<hbm>>
        tpu.wait_indirect_dma semaphore(%arg14 : memref<!tpu.dma_semaphore, #tpu.memory_space<semaphore_mem>>) src(%dma_wait3A_56 : memref<1280000xf32, #tpu.memory_space<hbm>>) dst(%dma_wait3A_51 : memref<128xf32, #tpu.memory_space<vmem>>)
      }
      %scan3A_44 = arith.constant 16 : i32
      "tpu.region"() ({
        %run_scoped3A = tpu.sem_alloc : memref<!tpu.dma_semaphore, #tpu.memory_space<semaphore_mem>>
        %dma_start3A_45 = arith.constant 0 : i32
        %dma_start3A_46 = arith.constant 0 : i32
        %dma_start3A_47 = tpu.memref_slice %arg10[%dma_start3A_45, %dma_start3A_46] : memref<448x128xf32, #tpu.memory_space<vmem>> -> memref<192x128xf32, #tpu.memory_space<vmem>>
        %dma_start3A_48 = arith.constant 0 : i32
        %dma_start3A_49 = tpu.memref_slice %arg7[%add3A_18, %dma_start3A_48] : memref<10240x128xf32, #tpu.memory_space<hbm>> -> memref<192x128xf32, #tpu.memory_space<hbm>>
        %dma_start3A_50 = arith.constant 0 : i32
        %dma_start3A_51 = tpu.memref_slice %arg7[%add3A_18, %dma_start3A_50] : memref<10240x128xf32, #tpu.memory_space<hbm>> -> memref<192x128xf32, #tpu.memory_space<hbm>>
        %dma_start3A_52 = arith.constant 0 : i32
        %dma_start3A_53 = arith.constant 0 : i32
        %dma_start3A_54 = tpu.memref_slice %arg10[%dma_start3A_52, %dma_start3A_53] : memref<448x128xf32, #tpu.memory_space<vmem>> -> memref<192x128xf32, #tpu.memory_space<vmem>>
        tpu.enqueue_dma source(%dma_start3A_54 : memref<192x128xf32, #tpu.memory_space<vmem>>) target(%dma_start3A_51 : memref<192x128xf32, #tpu.memory_space<hbm>>) target_semaphore(%run_scoped3A : memref<!tpu.dma_semaphore, #tpu.memory_space<semaphore_mem>>)
        %dma_wait3A = arith.constant 0 : i32
        %dma_wait3A_55 = arith.constant 0 : i32
        %dma_wait3A_56 = tpu.memref_slice %arg10[%dma_wait3A, %dma_wait3A_55] : memref<448x128xf32, #tpu.memory_space<vmem>> -> memref<192x128xf32, #tpu.memory_space<vmem>>
        %dma_wait3A_57 = arith.constant 0 : i32
        %dma_wait3A_58 = tpu.memref_slice %arg7[%add3A_18, %dma_wait3A_57] : memref<10240x128xf32, #tpu.memory_space<hbm>> -> memref<192x128xf32, #tpu.memory_space<hbm>>
        %dma_wait3A_59 = arith.constant 0 : i32
        %dma_wait3A_60 = tpu.memref_slice %arg7[%add3A_18, %dma_wait3A_59] : memref<10240x128xf32, #tpu.memory_space<hbm>> -> memref<192x128xf32, #tpu.memory_space<hbm>>
        %dma_wait3A_61 = arith.constant 0 : i32
        %dma_wait3A_62 = arith.constant 0 : i32
        %dma_wait3A_63 = tpu.memref_slice %arg10[%dma_wait3A_61, %dma_wait3A_62] : memref<448x128xf32, #tpu.memory_space<vmem>> -> memref<192x128xf32, #tpu.memory_space<vmem>>
        tpu.wait_dma2 semaphore(%run_scoped3A : memref<!tpu.dma_semaphore, #tpu.memory_space<semaphore_mem>>) src(%dma_wait3A_63 : memref<192x128xf32, #tpu.memory_space<vmem>>) dst(%dma_wait3A_60 : memref<192x128xf32, #tpu.memory_space<hbm>>)
        tpu.yield
      }) : () -> ()
    } else {
    }
    %barrier3A_12 = arith.constant 0 : index
    tpu.barrier barrier_id(%barrier3A_12)
    %mul3A = arith.constant 640 : i32
    %mul3A_13 = arith.muli %arg1, %mul3A : i32
    %mul3A_14 = arith.constant 640 : i32
    %mul3A_15 = arith.muli %arg1, %mul3A_14 : i32
    "tpu.region"() ({
      %run_scoped3A = tpu.sem_alloc : memref<!tpu.dma_semaphore, #tpu.memory_space<semaphore_mem>>
      %dma_start3A = arith.constant 0 : i32
      %dma_start3A_16 = tpu.memref_slice %arg8[%arg0, %dma_start3A] : memref<2x10240xf32, #tpu.memory_space<hbm>> -> memref<1x10240xf32, #tpu.memory_space<hbm>>
      %dma_start3A_17 = tpu.memref_squeeze %dma_start3A_16 : memref<1x10240xf32, #tpu.memory_space<hbm>> -> memref<10240xf32, #tpu.memory_space<hbm>>
      %dma_start3A_18 = tpu.memref_slice %dma_start3A_17[%mul3A_15] : memref<10240xf32, #tpu.memory_space<hbm>> -> memref<640xf32, #tpu.memory_space<hbm>>
      %dma_start3A_19 = tpu.memref_slice %arg17[%mul3A_13] : memref<10240xf32, #tpu.memory_space<vmem_shared>> -> memref<640xf32, #tpu.memory_space<vmem_shared>>
      tpu.enqueue_dma source(%dma_start3A_19 : memref<640xf32, #tpu.memory_space<vmem_shared>>) target(%dma_start3A_18 : memref<640xf32, #tpu.memory_space<hbm>>) target_semaphore(%run_scoped3A : memref<!tpu.dma_semaphore, #tpu.memory_space<semaphore_mem>>)
      %dma_wait3A = arith.constant 0 : i32
      %dma_wait3A_20 = tpu.memref_slice %arg8[%arg0, %dma_wait3A] : memref<2x10240xf32, #tpu.memory_space<hbm>> -> memref<1x10240xf32, #tpu.memory_space<hbm>>
      %dma_wait3A_21 = tpu.memref_squeeze %dma_wait3A_20 : memref<1x10240xf32, #tpu.memory_space<hbm>> -> memref<10240xf32, #tpu.memory_space<hbm>>
      %dma_wait3A_22 = tpu.memref_slice %dma_wait3A_21[%mul3A_15] : memref<10240xf32, #tpu.memory_space<hbm>> -> memref<640xf32, #tpu.memory_space<hbm>>
      %dma_wait3A_23 = tpu.memref_slice %arg17[%mul3A_13] : memref<10240xf32, #tpu.memory_space<vmem_shared>> -> memref<640xf32, #tpu.memory_space<vmem_shared>>
      tpu.wait_dma2 semaphore(%run_scoped3A : memref<!tpu.dma_semaphore, #tpu.memory_space<semaphore_mem>>) src(%dma_wait3A_23 : memref<640xf32, #tpu.memory_space<vmem_shared>>) dst(%dma_wait3A_22 : memref<640xf32, #tpu.memory_space<hbm>>)
      tpu.yield
    }) : () -> ()
    return
  }
}

module attributes {stable_mosaic.version = 14 : i64} {
  func.func @_tc1_body(%arg0: i32, %arg1: memref<1000x128xf32, #tpu.memory_space<vmem>>, %arg2: memref<1000x128xf32, #tpu.memory_space<vmem>>, %arg3: memref<1000x1xf32, #tpu.memory_space<vmem>>, %arg4: memref<1000x1xf32, #tpu.memory_space<vmem>>, %arg5: memref<128x128xf32, #tpu.memory_space<vmem>>, %arg6: memref<1x128xf32, #tpu.memory_space<vmem>>, %arg7: memref<128x128xf32, #tpu.memory_space<vmem>>, %arg8: memref<1000x128xf32, #tpu.memory_space<vmem>>) attributes {dimension_semantics = [#tpu.dimension_semantics<arbitrary>], iteration_bounds = array<i64: 10>, scalar_prefetch = 0 : i64, scratch_operands = 0 : i64, tpu.core_type = #tpu.core_type<tc>, window_params = [{transform_indices = @transform_0, window_bounds = array<i64: 1000, 128>}, {transform_indices = @transform_1, window_bounds = array<i64: 1000, 128>}, {transform_indices = @transform_2, window_bounds = array<i64: 1000, 1>}, {transform_indices = @transform_3, window_bounds = array<i64: 1000, 1>}, {pipeline_mode = #tpu.pipeline_mode<synchronous>, transform_indices = @transform_4, window_bounds = array<i64: 128, 128>}, {pipeline_mode = #tpu.pipeline_mode<synchronous>, transform_indices = @transform_5, window_bounds = array<i64: 1, 128>}, {pipeline_mode = #tpu.pipeline_mode<synchronous>, transform_indices = @transform_6, window_bounds = array<i64: 128, 128>}, {transform_indices = @transform_7, window_bounds = array<i64: 1000, 128>}]} {
    %get3A = arith.constant 0 : index
    %get3A_0 = arith.constant 0 : index
    %get3A_1 = vector.load %arg1[%get3A, %get3A_0] : memref<1000x128xf32, #tpu.memory_space<vmem>>, vector<1000x128xf32>
    %get3A_2 = arith.constant 0 : index
    %get3A_3 = arith.constant 0 : index
    %get3A_4 = vector.load %arg2[%get3A_2, %get3A_3] : memref<1000x128xf32, #tpu.memory_space<vmem>>, vector<1000x128xf32>
    %mul3A = arith.mulf %get3A_1, %get3A_4 : vector<1000x128xf32>
    %get3A_5 = arith.constant 0 : index
    %get3A_6 = arith.constant 0 : index
    %get3A_7 = vector.load %arg5[%get3A_5, %get3A_6] : memref<128x128xf32, #tpu.memory_space<vmem>>, vector<128x128xf32>
    %dot_general3A = arith.constant dense<0.000000e+00> : vector<1000x128xf32>
    %dot_general3A_8 = tpu.matmul %mul3A, %get3A_7, %dot_general3A {dimension_numbers = #tpu.dot_dimension_numbers<[1], [0], [0], [1], [0, 0, 1, 1], [], []>, transpose_lhs_hint = false} : vector<1000x128xf32>, vector<128x128xf32>, vector<1000x128xf32> -> vector<1000x128xf32>
    %get3A_9 = arith.constant 0 : index
    %get3A_10 = arith.constant 0 : index
    %get3A_11 = vector.load %arg6[%get3A_9, %get3A_10] : memref<1x128xf32, #tpu.memory_space<vmem>>, vector<1x128xf32>
    %add3A = vector.broadcast %get3A_11 : vector<1x128xf32> to vector<1000x128xf32>
    %add3A_12 = arith.addf %dot_general3A_8, %add3A : vector<1000x128xf32>
    %max3A = arith.constant 0.000000e+00 : f32
    %max3A_13 = vector.broadcast %max3A : f32 to vector<1000x128xf32>
    %max3A_14 = arith.maximumf %add3A_12, %max3A_13 : vector<1000x128xf32>
    %get3A_15 = arith.constant 0 : index
    %get3A_16 = arith.constant 0 : index
    %get3A_17 = vector.load %arg3[%get3A_15, %get3A_16] : memref<1000x1xf32, #tpu.memory_space<vmem>>, vector<1000x1xf32>
    %add3A_18 = arith.constant 1.000000e+00 : f32
    %add3A_19 = vector.broadcast %add3A_18 : f32 to vector<1000x1xf32>
    %add3A_20 = arith.addf %add3A_19, %get3A_17 : vector<1000x1xf32>
    %get3A_21 = arith.constant 0 : index
    %get3A_22 = arith.constant 0 : index
    %get3A_23 = vector.load %arg4[%get3A_21, %get3A_22] : memref<1000x1xf32, #tpu.memory_space<vmem>>, vector<1000x1xf32>
    %add3A_24 = arith.addf %add3A_20, %get3A_23 : vector<1000x1xf32>
    %rsqrt3A = math.rsqrt %add3A_24 : vector<1000x1xf32>
    %get3A_25 = arith.constant 0 : index
    %get3A_26 = arith.constant 0 : index
    %get3A_27 = vector.load %arg7[%get3A_25, %get3A_26] : memref<128x128xf32, #tpu.memory_space<vmem>>, vector<128x128xf32>
    %dot_general3A_28 = arith.constant dense<0.000000e+00> : vector<1000x128xf32>
    %dot_general3A_29 = tpu.matmul %max3A_14, %get3A_27, %dot_general3A_28 {dimension_numbers = #tpu.dot_dimension_numbers<[1], [0], [0], [1], [0, 0, 1, 1], [], []>, transpose_lhs_hint = false} : vector<1000x128xf32>, vector<128x128xf32>, vector<1000x128xf32> -> vector<1000x128xf32>
    %mul3A_30 = vector.broadcast %rsqrt3A : vector<1000x1xf32> to vector<1000x128xf32>
    %mul3A_31 = arith.mulf %mul3A_30, %dot_general3A_29 : vector<1000x128xf32>
    %swap3A = arith.constant 0 : index
    %swap3A_32 = arith.constant 0 : index
    %swap3A_33 = vector.load %arg8[%swap3A, %swap3A_32] : memref<1000x128xf32, #tpu.memory_space<vmem>>, vector<1000x128xf32>
    tpu.vector_store %arg8[%swap3A, %swap3A_32], %mul3A_31 {strides = array<i32>} : memref<1000x128xf32, #tpu.memory_space<vmem>>, vector<1000x128xf32>,
    return
  }
  func.func @transform_0(%arg0: i32) -> (i32, i32) {
    %c0_i32 = arith.constant 0 : i32
    %c0_i32_0 = arith.constant 0 : i32
    return %arg0, %c0_i32 : i32, i32
  }
  func.func @transform_1(%arg0: i32) -> (i32, i32) {
    %c0_i32 = arith.constant 0 : i32
    %c0_i32_0 = arith.constant 0 : i32
    return %arg0, %c0_i32 : i32, i32
  }
  func.func @transform_2(%arg0: i32) -> (i32, i32) {
    %c0_i32 = arith.constant 0 : i32
    %c0_i32_0 = arith.constant 0 : i32
    return %arg0, %c0_i32 : i32, i32
  }
  func.func @transform_3(%arg0: i32) -> (i32, i32) {
    %c0_i32 = arith.constant 0 : i32
    %c0_i32_0 = arith.constant 0 : i32
    return %arg0, %c0_i32 : i32, i32
  }
  func.func @transform_4(%arg0: i32) -> (i32, i32) {
    %c0_i32 = arith.constant 0 : i32
    %c0_i32_0 = arith.constant 0 : i32
    %c0_i32_1 = arith.constant 0 : i32
    return %c0_i32, %c0_i32_0 : i32, i32
  }
  func.func @transform_5(%arg0: i32) -> (i32, i32) {
    %c0_i32 = arith.constant 0 : i32
    %c0_i32_0 = arith.constant 0 : i32
    %c0_i32_1 = arith.constant 0 : i32
    return %c0_i32, %c0_i32_0 : i32, i32
  }
  func.func @transform_6(%arg0: i32) -> (i32, i32) {
    %c0_i32 = arith.constant 0 : i32
    %c0_i32_0 = arith.constant 0 : i32
    %c0_i32_1 = arith.constant 0 : i32
    return %c0_i32, %c0_i32_0 : i32, i32
  }
  func.func @transform_7(%arg0: i32) -> (i32, i32) {
    %c0_i32 = arith.constant 0 : i32
    %c0_i32_0 = arith.constant 0 : i32
    return %arg0, %c0_i32 : i32, i32
  }
}

module attributes {stable_mosaic.version = 14 : i64} {
  func.func @_tc2_body(%arg0: i32, %arg1: memref<1000x128xf32, #tpu.memory_space<vmem>>, %arg2: memref<1000x128xf32, #tpu.memory_space<vmem>>, %arg3: memref<1000x128xf32, #tpu.memory_space<vmem>>, %arg4: memref<1000x1xf32, #tpu.memory_space<vmem>>, %arg5: memref<1000x1xf32, #tpu.memory_space<vmem>>, %arg6: memref<1x128xf32, #tpu.memory_space<vmem>>, %arg7: memref<128x128xf32, #tpu.memory_space<vmem>>, %arg8: memref<1x128xf32, #tpu.memory_space<vmem>>, %arg9: memref<128x128xf32, #tpu.memory_space<vmem>>, %arg10: memref<1x128xf32, #tpu.memory_space<vmem>>, %arg11: memref<1000x128xf32, #tpu.memory_space<vmem>>) attributes {dimension_semantics = [#tpu.dimension_semantics<arbitrary>], iteration_bounds = array<i64: 10>, scalar_prefetch = 0 : i64, scratch_operands = 0 : i64, tpu.core_type = #tpu.core_type<tc>, window_params = [{transform_indices = @transform_0, window_bounds = array<i64: 1000, 128>}, {transform_indices = @transform_1, window_bounds = array<i64: 1000, 128>}, {transform_indices = @transform_2, window_bounds = array<i64: 1000, 128>}, {transform_indices = @transform_3, window_bounds = array<i64: 1000, 1>}, {transform_indices = @transform_4, window_bounds = array<i64: 1000, 1>}, {pipeline_mode = #tpu.pipeline_mode<synchronous>, transform_indices = @transform_5, window_bounds = array<i64: 1, 128>}, {pipeline_mode = #tpu.pipeline_mode<synchronous>, transform_indices = @transform_6, window_bounds = array<i64: 128, 128>}, {pipeline_mode = #tpu.pipeline_mode<synchronous>, transform_indices = @transform_7, window_bounds = array<i64: 1, 128>}, {pipeline_mode = #tpu.pipeline_mode<synchronous>, transform_indices = @transform_8, window_bounds = array<i64: 128, 128>}, {pipeline_mode = #tpu.pipeline_mode<synchronous>, transform_indices = @transform_9, window_bounds = array<i64: 1, 128>}, {transform_indices = @transform_10, window_bounds = array<i64: 1000, 128>}]} {
    %get3A = arith.constant 0 : index
    %get3A_0 = arith.constant 0 : index
    %get3A_1 = vector.load %arg4[%get3A, %get3A_0] : memref<1000x1xf32, #tpu.memory_space<vmem>>, vector<1000x1xf32>
    %add3A = arith.constant 1.000000e+00 : f32
    %add3A_2 = vector.broadcast %add3A : f32 to vector<1000x1xf32>
    %add3A_3 = arith.addf %add3A_2, %get3A_1 : vector<1000x1xf32>
    %get3A_4 = arith.constant 0 : index
    %get3A_5 = arith.constant 0 : index
    %get3A_6 = vector.load %arg5[%get3A_4, %get3A_5] : memref<1000x1xf32, #tpu.memory_space<vmem>>, vector<1000x1xf32>
    %add3A_7 = arith.addf %add3A_3, %get3A_6 : vector<1000x1xf32>
    %rsqrt3A = math.rsqrt %add3A_7 : vector<1000x1xf32>
    %get3A_8 = arith.constant 0 : index
    %get3A_9 = arith.constant 0 : index
    %get3A_10 = vector.load %arg1[%get3A_8, %get3A_9] : memref<1000x128xf32, #tpu.memory_space<vmem>>, vector<1000x128xf32>
    %get3A_11 = arith.constant 0 : index
    %get3A_12 = arith.constant 0 : index
    %get3A_13 = vector.load %arg2[%get3A_11, %get3A_12] : memref<1000x128xf32, #tpu.memory_space<vmem>>, vector<1000x128xf32>
    %add3A_14 = arith.addf %get3A_10, %get3A_13 : vector<1000x128xf32>
    %get3A_15 = arith.constant 0 : index
    %get3A_16 = arith.constant 0 : index
    %get3A_17 = vector.load %arg3[%get3A_15, %get3A_16] : memref<1000x128xf32, #tpu.memory_space<vmem>>, vector<1000x128xf32>
    %add3A_18 = arith.addf %add3A_14, %get3A_17 : vector<1000x128xf32>
    %mul3A = vector.broadcast %rsqrt3A : vector<1000x1xf32> to vector<1000x128xf32>
    %mul3A_19 = arith.mulf %mul3A, %add3A_18 : vector<1000x128xf32>
    %get3A_20 = arith.constant 0 : index
    %get3A_21 = arith.constant 0 : index
    %get3A_22 = vector.load %arg6[%get3A_20, %get3A_21] : memref<1x128xf32, #tpu.memory_space<vmem>>, vector<1x128xf32>
    %add3A_23 = vector.broadcast %get3A_22 : vector<1x128xf32> to vector<1000x128xf32>
    %add3A_24 = arith.addf %mul3A_19, %add3A_23 : vector<1000x128xf32>
    %max3A = arith.constant 0.000000e+00 : f32
    %max3A_25 = vector.broadcast %max3A : f32 to vector<1000x128xf32>
    %max3A_26 = arith.maximumf %add3A_24, %max3A_25 : vector<1000x128xf32>
    %get3A_27 = arith.constant 0 : index
    %get3A_28 = arith.constant 0 : index
    %get3A_29 = vector.load %arg7[%get3A_27, %get3A_28] : memref<128x128xf32, #tpu.memory_space<vmem>>, vector<128x128xf32>
    %dot_general3A = arith.constant dense<0.000000e+00> : vector<1000x128xf32>
    %dot_general3A_30 = tpu.matmul %max3A_26, %get3A_29, %dot_general3A {dimension_numbers = #tpu.dot_dimension_numbers<[1], [0], [0], [1], [0, 0, 1, 1], [], []>, transpose_lhs_hint = false} : vector<1000x128xf32>, vector<128x128xf32>, vector<1000x128xf32> -> vector<1000x128xf32>
    %get3A_31 = arith.constant 0 : index
    %get3A_32 = arith.constant 0 : index
    %get3A_33 = vector.load %arg8[%get3A_31, %get3A_32] : memref<1x128xf32, #tpu.memory_space<vmem>>, vector<1x128xf32>
    %add3A_34 = vector.broadcast %get3A_33 : vector<1x128xf32> to vector<1000x128xf32>
    %add3A_35 = arith.addf %dot_general3A_30, %add3A_34 : vector<1000x128xf32>
    %max3A_36 = arith.constant 0.000000e+00 : f32
    %max3A_37 = vector.broadcast %max3A_36 : f32 to vector<1000x128xf32>
    %max3A_38 = arith.maximumf %add3A_35, %max3A_37 : vector<1000x128xf32>
    %get3A_39 = arith.constant 0 : index
    %get3A_40 = arith.constant 0 : index
    %get3A_41 = vector.load %arg9[%get3A_39, %get3A_40] : memref<128x128xf32, #tpu.memory_space<vmem>>, vector<128x128xf32>
    %dot_general3A_42 = arith.constant dense<0.000000e+00> : vector<1000x128xf32>
    %dot_general3A_43 = tpu.matmul %max3A_38, %get3A_41, %dot_general3A_42 {dimension_numbers = #tpu.dot_dimension_numbers<[1], [0], [0], [1], [0, 0, 1, 1], [], []>, transpose_lhs_hint = false} : vector<1000x128xf32>, vector<128x128xf32>, vector<1000x128xf32> -> vector<1000x128xf32>
    %get3A_44 = arith.constant 0 : index
    %get3A_45 = arith.constant 0 : index
    %get3A_46 = vector.load %arg10[%get3A_44, %get3A_45] : memref<1x128xf32, #tpu.memory_space<vmem>>, vector<1x128xf32>
    %add3A_47 = vector.broadcast %get3A_46 : vector<1x128xf32> to vector<1000x128xf32>
    %add3A_48 = arith.addf %dot_general3A_43, %add3A_47 : vector<1000x128xf32>
    %swap3A = arith.constant 0 : index
    %swap3A_49 = arith.constant 0 : index
    %swap3A_50 = vector.load %arg11[%swap3A, %swap3A_49] : memref<1000x128xf32, #tpu.memory_space<vmem>>, vector<1000x128xf32>
    tpu.vector_store %arg11[%swap3A, %swap3A_49], %add3A_48 {strides = array<i32>} : memref<1000x128xf32, #tpu.memory_space<vmem>>, vector<1000x128xf32>,
    return
  }
  func.func @transform_0(%arg0: i32) -> (i32, i32) {
    %c0_i32 = arith.constant 0 : i32
    %c0_i32_0 = arith.constant 0 : i32
    return %arg0, %c0_i32 : i32, i32
  }
  func.func @transform_1(%arg0: i32) -> (i32, i32) {
    %c0_i32 = arith.constant 0 : i32
    %c0_i32_0 = arith.constant 0 : i32
    return %arg0, %c0_i32 : i32, i32
  }
  func.func @transform_2(%arg0: i32) -> (i32, i32) {
    %c0_i32 = arith.constant 0 : i32
    %c0_i32_0 = arith.constant 0 : i32
    return %arg0, %c0_i32 : i32, i32
  }
  func.func @transform_3(%arg0: i32) -> (i32, i32) {
    %c0_i32 = arith.constant 0 : i32
    %c0_i32_0 = arith.constant 0 : i32
    return %arg0, %c0_i32 : i32, i32
  }
  func.func @transform_4(%arg0: i32) -> (i32, i32) {
    %c0_i32 = arith.constant 0 : i32
    %c0_i32_0 = arith.constant 0 : i32
    return %arg0, %c0_i32 : i32, i32
  }
  func.func @transform_5(%arg0: i32) -> (i32, i32) {
    %c0_i32 = arith.constant 0 : i32
    %c0_i32_0 = arith.constant 0 : i32
    %c0_i32_1 = arith.constant 0 : i32
    return %c0_i32, %c0_i32_0 : i32, i32
  }
  func.func @transform_6(%arg0: i32) -> (i32, i32) {
    %c0_i32 = arith.constant 0 : i32
    %c0_i32_0 = arith.constant 0 : i32
    %c0_i32_1 = arith.constant 0 : i32
    return %c0_i32, %c0_i32_0 : i32, i32
  }
  func.func @transform_7(%arg0: i32) -> (i32, i32) {
    %c0_i32 = arith.constant 0 : i32
    %c0_i32_0 = arith.constant 0 : i32
    %c0_i32_1 = arith.constant 0 : i32
    return %c0_i32, %c0_i32_0 : i32, i32
  }
  func.func @transform_8(%arg0: i32) -> (i32, i32) {
    %c0_i32 = arith.constant 0 : i32
    %c0_i32_0 = arith.constant 0 : i32
    %c0_i32_1 = arith.constant 0 : i32
    return %c0_i32, %c0_i32_0 : i32, i32
  }
  func.func @transform_9(%arg0: i32) -> (i32, i32) {
    %c0_i32 = arith.constant 0 : i32
    %c0_i32_0 = arith.constant 0 : i32
    %c0_i32_1 = arith.constant 0 : i32
    return %c0_i32, %c0_i32_0 : i32, i32
  }
  func.func @transform_10(%arg0: i32) -> (i32, i32) {
    %c0_i32 = arith.constant 0 : i32
    %c0_i32_0 = arith.constant 0 : i32
    return %arg0, %c0_i32 : i32, i32
  }
}

</mosaic_0001>

<sc_bundles>
// kernel: kernel.6.cloned.1.call-start
scs
__scs_entry_jumppad:
0x0: {  	(pc) =	sbr.rel $0x88, $3  }
0x1: {  	(tag) =	ssettag $0x0;
	lr =	simm.s32 $0x1  }
0x2: {  	[smem:$0x3F95] =	sst lr;
	_ =	strace $0xD0000000  }
0x3: {  	_ = 	snop  }
0x4: {  	_ = 	snop  }
0x5: {  	_ = 	snop  }
0x6: {  	_ = 	snop  }
0x7: {  	_ = 	snop  }
__scs_overlays_trampoline_lowered:
0x8: {  	[smem:$0x3FA4] =	sst s0  }
0x9: {  	[smem:$0x3FA5] =	sst s1  }
0xa: {  	[smem:$0x3FA6] =	sst s2  }
0xb: {  	[smem:$0x3FA7] =	sst s3  }
0xc: {  	[smem:$0x3FA8] =	sst s4  }
0xd: {  	[smem:$0x3FA9] =	sst s5  }
0xe: {  	[smem:$0x3FAA] =	sst s6  }
0xf: {  	[smem:$0x3FAB] =	sst s7  }
0x10: {  	[smem:$0x3FAC] =	sst s8  }
0x11: {  	[smem:$0x3FAD] =	sst s9;
	s0 =	simm.s32 @!p0 $0x0  }
0x12: {  	s1 =	sld [smem:$0x3F93];
	s0 =	simm.s32 @p0 $0x1  }
0x13: {  	[smem:$0x3FAE] =	sst s0;
	s0 =	simm.s32 @!p1 $0x0  }
0x14: {  	s2 =	sld [smem:$0x3F92];
	s0 =	simm.s32 @p1 $0x1  }
0x15: {  	[smem:$0x3FAF] =	sst s0;
	s0 =	simm.s32 @!p2 $0x0  }
0x16: {  	s3 =	sld [smem:$0x3FDB];
	s0 =	simm.s32 @p2 $0x1  }
0x17: {  	s4 =	simm.s32 $0x1BF5;
	[smem:$0x3FB1] =	sst s0  }
0x18: {  	s0 =	sld [smem:$0x3F94];
	_ =	swait.ge [sflag:s4], $0x0  }
0x19: {  	s7 =	sld [smem:$0x3F95]  }
0x1a: {  	s8 =	sadd.s32 $0xFFFFE003, lr  }
0x1b: {  	s9 =	sadd.s32 $0xFFFFFEF7, lr;
	s5 =	simm.s32 $0xFFFFFFFF;
	p2 =	slt.u32 s8, $0xFFFFF086  }
0x1c: {  	p1 =	slt.u32 s9, $0xF7A;
	s5 =	simm.s32 @!p2 $0x0  }
0x1d: {  	s5 =	simm.s32 @p1 $0x1;
	p0 =	seq.s32 s7, s2  }
0x1e: {  	s7 =	smul.u32 @!p0 $0xF7A, s2;
	p2 =	seq.s32 @!p0 s5, $0x0  }
0x1f: {  	s9 =	smul.u32 $0xF7A, s1;
	s8 =	simm.s32 @!p0 $0x1BF5;
	p2 =	por !p2, p0  }
0x20: {  	[sflag:s8] =	ssyncset.s32 @!p0 $0xFFFFF086;
	s6 =	sadd.s32 @!p0 s3, s7;
	s7 =	simm.s32 @!p0 $0x108  }
0x21: {  	s3 =	sadd.s32 s3, s9;
	s6 =	sadd.s32 @!p0 $0x88, s6;
	s7 =	simm.s32 @p2 $0x1082  }
0x22: {  	[simem:s7], [sflag:s8] =	dma.local @!p0 [hbm:s6], $0xF7A  }
0x23: {  	s9 =	sor.u32 $0xD0000000, s2;
	s6 =	simm.s32 $0x108;
	_ =	swait.ge @!p0 [sflag:s8], $0x0  }
0x24: {  	s3 =	sadd.s32 $0x88, s3;
	s6 =	simm.s32 @!p1 $0x1082;
	[sflag:s4] =	ssyncset.s32 $0xFFFFF086  }
0x25: {  	[simem:s6], [sflag:s4] =	dma.local [hbm:s3], $0xF7A  }
0x26: {  	[smem:$0x3F95] =	sst s1;
	(tag) =	ssettag s2;
	_ =	strace s9  }
0x27: {  	s1 =	sld [smem:$0x3FA5]  }
0x28: {  	s2 =	sld [smem:$0x3FA6]  }
0x29: {  	s4 =	sld [smem:$0x3FA8]  }
0x2a: {  	p0 =	seq.s32 s5, $0x0;
	s5 =	sld [smem:$0x3FA9]  }
0x2b: {  	s6 =	sld [smem:$0x3FAA]  }
0x2c: {  	s7 =	sld [smem:$0x3FAB]  }
0x2d: {  	s3 =	simm.s32 $0x108;
	s8 =	sld [smem:$0x3FAC]  }
0x2e: {  	s3 =	simm.s32 @!p0 $0x1082;
	s9 =	sld [smem:$0x3FAD]  }
0x2f: {  	lr =	sadd.s32 s0, s3;
	s0 =	sld [smem:$0x3FA4]  }
0x30: {  	s3 =	sld [smem:$0x3FA7]  }
0x31: {  	[smem:$0x3FB0] =	sst s10  }
0x32: {  	s10 =	sld [smem:$0x3FAE];
	_ =	sdelay $0x3  }
0x33: {  	p0 =	seq.s32 s10, $0x1;
	s10 =	sld [smem:$0x3FB0];
	_ =	sdelay $0x3  }
0x34: {  	[smem:$0x3FB0] =	sst s10  }
0x35: {  	s10 =	sld [smem:$0x3FAF];
	_ =	sdelay $0x3  }
0x36: {  	p1 =	seq.s32 s10, $0x1;
	s10 =	sld [smem:$0x3FB0];
	_ =	sdelay $0x3  }
0x37: {  	[smem:$0x3FB0] =	sst s10  }
0x38: {  	s10 =	sld [smem:$0x3FB1]  }
0x39: {  	_ = 	snop;
	(pc) =	sbr.ind lr, $3  }
0x3a: {  	_ = 	snop  }
0x3b: {  	_ = 	snop  }
0x3c: {  	p2 =	seq.s32 s10, $0x1;
	s10 =	sld [smem:$0x3FB0]  }
0x3d: {  	_ =	shalt  }
0x3e: {  	_ =	shalt  }
0x3f: {  	_ =	shalt  }
0x40: {  	_ =	shalt  }
0x41: {  	_ =	shalt  }
0x42: {  	_ =	shalt  }
0x43: {  	_ =	shalt  }
0x44: {  	_ =	shalt  }
0x45: {  	_ =	shalt  }
0x46: {  	_ =	shalt  }
0x47: {  	_ =	shalt  }
0x48: {  	_ =	shalt  }
0x49: {  	_ =	shalt  }
0x4a: {  	_ =	shalt  }
0x4b: {  	_ =	shalt  }
0x4c: {  	_ =	shalt  }
0x4d: {  	_ =	shalt  }
0x4e: {  	_ =	shalt  }
0x4f: {  	_ =	shalt  }
0x50: {  	_ =	shalt  }
0x51: {  	_ =	shalt  }
0x52: {  	_ =	shalt  }
0x53: {  	_ =	shalt  }
0x54: {  	_ =	shalt  }
0x55: {  	_ =	shalt  }
0x56: {  	_ =	shalt  }
0x57: {  	_ =	shalt  }
0x58: {  	_ =	shalt  }
0x59: {  	_ =	shalt  }
0x5a: {  	_ =	shalt  }
0x5b: {  	_ =	shalt  }
0x5c: {  	_ =	shalt  }
0x5d: {  	_ =	shalt  }
0x5e: {  	_ =	shalt  }
0x5f: {  	_ =	shalt  }
0x60: {  	_ =	shalt  }
0x61: {  	_ =	shalt  }
0x62: {  	_ =	shalt  }
0x63: {  	_ =	shalt  }
0x64: {  	_ =	shalt  }
0x65: {  	_ =	shalt  }
0x66: {  	_ =	shalt  }
0x67: {  	_ =	shalt  }
0x68: {  	_ =	shalt  }
0x69: {  	_ =	shalt  }
0x6a: {  	_ =	shalt  }
0x6b: {  	_ =	shalt  }
0x6c: {  	_ =	shalt  }
0x6d: {  	_ =	shalt  }
0x6e: {  	_ =	shalt  }
0x6f: {  	_ =	shalt  }
0x70: {  	_ =	shalt  }
0x71: {  	_ =	shalt  }
0x72: {  	_ =	shalt  }
0x73: {  	_ =	shalt  }
0x74: {  	_ =	shalt  }
0x75: {  	_ =	shalt  }
0x76: {  	_ =	shalt  }
0x77: {  	_ =	shalt  }
0x78: {  	_ =	shalt  }
0x79: {  	_ =	shalt  }
0x7a: {  	_ =	shalt  }
0x7b: {  	_ =	shalt  }
0x7c: {  	_ =	shalt  }
0x7d: {  	_ =	shalt  }
0x7e: {  	_ =	shalt  }
0x7f: {  	_ =	shalt  }
0x80: {  	_ =	shalt  }
0x81: {  	_ =	shalt  }
0x82: {  	_ =	shalt  }
0x83: {  	_ =	shalt  }
0x84: {  	_ =	shalt  }
0x85: {  	_ =	shalt  }
0x86: {  	_ =	shalt  }
0x87: {  	_ =	shalt  }
.Lfunc_end0:
.L_simem_size_0:
called_computation_lowered:
.L_overlay_start_0:
0x88: {  	s2 =	sld [smem:$0x3FD9]  }
0x89: {  	s3 =	sld [smem:$0x3FFE];
	_ =	sdelay $0x1  }
0x8a: {  	s1 =	srdreg.scid  }
0x8b: {  	s0 =	sand.u32 $0x1, s1  }
0x8c: {  	s17 =	sshll.u32 s0, $0xA;
	s2 =	sadd.s32 s3, s2  }
0x8d: {  	s2 =	sadd.s32 s2, s17  }
0x8e: {  	[smem:$0x3FBC] =	sst s2  }
0x8f: {  	_ = 	snop  }
0x90: {  	s2 =	sld [smem:$0x3FC9]  }
0x91: {  	s18 =	sld [smem:$0x3FD0];
	(tm) =	ssettm $0x1  }
0x92: {  	s4 =	sld [smem:$0x3FFB];
	_ =	sdelay $0x3  }
0x93: {  	_ =	strace s4  }
0x94: {  	s4 =	sld [smem:$0x3FFC];
	_ =	sdelay $0x3  }
0x95: {  	_ =	strace s4  }
0x96: {  	s4 =	sld [smem:$0x3FFD];
	_ =	sdelay $0x3  }
0x97: {  	_ =	strace s4  }
0x98: {  	_ =	strace $0x8FFFFFFF  }
0x99: {  	s19 =	sld [smem:$0x3FDB];
	_ =	sdelay $0x1  }
0x9a: {  	s5 =	simm.s32 $_scs_section_size  }
0x9b: {  	s6 =	simm.s32 $_size__tile_overlayer_lowered;
	s7 =	simm.s32 $_tile_overlayer_lowered  }
0x9c: {  	s22 =	simm.s32 $0x1BFF;
	s21 =	sshll.u32 s7, $0x1;
	s4 =	sadd.s32 s5, s19  }
0x9d: {  	s8 =	simm.s32 $0x0;
	s20 =	sshll.u32 s6, $0x1;
	s6 =	sadd.s32 s21, s4  }
0x9e: {  	[timem:s8], [sflag:s22] =	dma.local [hbm:s6], s20  }
0x9f: {  	_ =	swait.ge [sflag:s22], s20  }
0xa0: {  	s5 =	ssub.s32 $0x0, s20;
	[sflag:s22] =	ssyncset.done $0x0  }
0xa1: {  	[sflag:s22] =	ssyncadd.s32 s5;
	_ =	sdelay $0x1  }
0xa2: {  	s23 =	simm.s32 $0x1B8B  }
0xa3: {  	_ =	swait.ge [sflag:s23], $0x1  }
0xa4: {  	[sflag:s23] =	ssyncset.done $0x0  }
0xa5: {  	s25 =	simm.s32 $0x1B8E;
	s24 =	sld [smem:$0x3FFE];
	[sflag:s23] =	ssyncadd.s32 $0xFFFFFFFF  }
0xa6: {  	s26 =	simm.s32 $execute0_lowered;
	[smem:$0x3FD2] =	sst s25  }
0xa7: {  	s6 =	sshll.u32 s26, $0x1;
	_ =	strace $0x80000046;
	[dreg:$0x1] =	wrdreg $0xFFFFFFFF  }
0xa8: {  	s28 =	simm.s32 $_size_execute0_lowered;
	s4 =	sadd.s32 s4, s6;
	[dreg:$0x0] =	wrdreg $0x0  }
0xa9: {  	s6 =	sshll.u32 s28, $0x1;
	[dreg:$0x2] =	wrdreg s4  }
0xaa: {  	[dreg:$0x3] =	wrdreg s6  }
0xab: {  	[dreg:$0x4] =	wrdreg $0xC0  }
0xac: {  	_ =	task [dreg:s8], $0x5FFFF  }
0xad: {  	[dreg:$0x1] =	wrdreg $0xFFFFFFFF  }
0xae: {  	[dreg:$0x0] =	wrdreg $0x60  }
0xaf: {  	[dreg:$0x2] =	wrdreg s2  }
0xb0: {  	[dreg:$0x3] =	wrdreg s24  }
0xb1: {  	[dreg:$0x4] =	wrdreg s18  }
0xb2: {  	[dreg:$0x5] =	wrdreg $0x1C1800  }
0xb3: {  	[dreg:$0x6] =	wrdreg $0x9  }
0xb4: {  	_ =	task.clear_ibuf [dreg:s8], $0x7FFFF;
	_ =	strace $0x90000046  }
0xb5: {  	s29 =	simm.s32 $0x9;
	_ =	strace $0x80000048  }
0xb6: {  	_ =	swait.ge [sflag:s29], $0x1  }
0xb7: {  	[sflag:s29] =	ssyncadd.s32 $0xFFFFFFFF  }
0xb8: {  	_ =	strace $0x90000048  }
0xb9: {  	_ =	sfence  }
0xba: {  	s30 =	sld [smem:$0x0];
	_ =	sdelay $0x2  }
0xbb: {  	s31 =	sshll.u32 s1, $0xD;
	s1 =	sshrl.u32 s1, $0x2  }
0xbc: {  	s3 =	sand.u32 $0x4000, s31;
	s1 =	sadd.s32 s1, s30  }
0xbd: {  	s0 =	sor.u32 s3, s0;
	s1 =	sshll.u32 s1, $0x11  }
0xbe: {  	s0 =	sor.u32 s1, s0  }
0xbf: {  	s0 =	sadd.s32 $0x8F2B, s0  }
0xc0: {  	[sflag:s0] =	ssyncadd.remote.s32 $0x1  }
0xc1: {  	_ =	sfence.sel $0xFFFF  }
0xc2: {  	[dreg:$0x0] =	wrdreg $0xFFFFFFFF;
	(pc) =	sbr.abs _section_cstart, $3  }
0xc3: {  	[dreg:$0x1] =	wrdreg $0xFFFFFFFF  }
0xc4: {  	_ =	task.clear_ibuf [dreg:s8], $0x2FFFF;
	_ =	strace $0x9FFFFFFF  }
0xc5: {  	(tm) =	ssettm $0x7FFFFFFF  }
tec
execute0_lowered:
.L_overlay_start_1:
0x0: {  	(tag) =	ssettag $0x1  }
0x1: {  	s1 =	rddreg [dreg:$0x0]  }
0x2: {  	s0 =	rddreg [dreg:$0x1]  }
0x3: {  	s8 =	rddreg [dreg:$0x2]  }
0x4: {  	s2 =	rddreg [dreg:$0x3];
	s3 =	simm.s32 $0x0;
	s4 =	stileid.u32  }
0x5: {  	s6 =	srdreg.scid;
	s18 =	simm.s32 $0x1C100;
	s7 =	smul.u32 $0x5000, s4  }
0x6: {  	s28 =	simm.s32 $0xE000;
	[smem:$0x7FF] =	sst s3;
	s13 =	smul.u32 $0x2800, s4  }
0x7: {  	s9 =	sadd.s32 $0xD600, s0;
	s10 =	sadd.s32 $0x3600, s0;
	s15 =	smul.u32 $0x14000, s4  }
0x8: {  	s5 =	sadd.s32 $0x35C00, s0;
	s11 =	sand.u32 $0x1, s6;
	s22 =	smul.u32 $0xA00, s4  }
0x9: {  	s6 =	sadd.s32 $0x35600, s0;
	s0 =	sadd.s32 $0x35E00, s0;
	s29 =	smul.u32 $0xA0, s4  }
0xa: {  	p1 =	sne.s32 s4, $0x0;
	_ =	strace $0x80000047;
	s12 =	ssub.s32 $0x2, s11  }
0xb: {  	p0 =	seq.s32 s11, $0x1;
	s24 =	sshll.u32 s11, $0x4;
	s17 =	sshrl.u32 @!p1 s2, $0x3  }
0xc: {  	s11 =	simm.s32 $0x1;
	s14 =	sshrl.u32 s12, $0x1;
	s7 =	sshrl.u32 s7, $0x3  }
0xd: {  	s19 =	sadd.s32 s9, s13;
	s20 =	sshrl.u32 s15, $0x3;
	s13 =	sadd.s32 s0, s13  }
0xe: {  	s25 =	sadd.s32 s8, s24;
	s26 =	sshrl.u32 s22, $0x2;
	s16 =	sadd.s32 s22, s10  }
0xf: {  	s22 =	simm.s32 $0x1C080;
	s24 =	simm.s32 $0x80;
	s15 =	simm.s32 $0x0  }
0x10: {  	s12 =	ssub.s32 s12, s14;
	s7 =	sadd.s32 s10, s7;
	[dreg:$0x5] =	wrdreg s19  }
0x11: {  	[dreg:$0x6] =	wrdreg s13;
	s21 =	sadd.s32 $0x1C00, s20;
	s8 =	sadd.s32 s26, s2  }
0x12: {  	s19 =	simm.s32 $0x4;
	s20 =	simm.s32 $0x1C000;
	s26 =	simm.s32 $0x3  }
0x13: {  	s10 =	simm.s32 $0xE780;
	s14 =	simm.s32 $0x10;
	s23 =	sadd.s32 $0x700, s7  }
0x14: {  	s9 =	sadd.s32 s9, s21;
	s0 =	sadd.s32 s0, s21;
	[dreg:$0x7] =	wrdreg s23  }
.Ltmp0:
0x15: {  	s13 =	smax.u32 s12, $0x1;
	[dreg:$0x8] =	wrdreg s9;
	(pc) =	sbr.rel .LBB2_1-.Ltmp0, $4  }
0x16: {  	s30 =	sadd.s32 $0x6F0, s7;
	s31 =	sadd.s32 $0x9F0, s7;
	[dreg:$0x9] =	wrdreg s0  }
0x17: {  	s21 =	simm.s32 $0x2;
	s12 =	simm.s32 $0x20;
	[dreg:$0xa] =	wrdreg s30  }
0x18: {  	[dreg:$0xb] =	wrdreg s31;
	s23 =	sadd.s32 s29, s25;
	s25 =	sshrl.u32 s8, $0x3  }
0x19: {  	s0 =	simm.s32 $0x700;
	s8 =	simm.s32 $0xE700;
	s9 =	simm.s32 $0x780  }
.LBB2_11:
0x1a: {  	[tilespmem:s31], [sflag:$0x1] =	stream.indirect.gather [hbm4b:s1+s24], $0x1, s30, s24, $0xb8;
	[tilespmem:$0x1C400] =	vst v63  }
0x1b: {  	_ =	swait.ge [sflag:s11], $0x80  }
0x1c: {  	[sflag:s11] =	ssyncset.done $0x0  }
0x1d: {  	[sflag:s11] =	ssyncadd.s32 $0xFFFFFF80  }
0x1e: {  	_ =	swait.ge [sflag:s11], $0x80  }
0x1f: {  	[sflag:s11] =	ssyncset.done $0x0  }
0x20: {  	[sflag:s11] =	ssyncadd.s32 $0xFFFFFF80  }
0x21: {  	_ =	swait.ge [sflag:s11], $0x80  }
0x22: {  	[sflag:s11] =	ssyncset.done $0x0  }
0x23: {  	[sflag:s11] =	ssyncadd.s32 $0xFFFFFF80  }
0x24: {  	_ =	swait.ge [sflag:s11], $0x80  }
0x25: {  	[sflag:s11] =	ssyncset.done $0x0  }
0x26: {  	[sflag:s11] =	ssyncadd.s32 $0xFFFFFF80  }
0x27: {  	_ =	swait.ge [sflag:s11], $0x80  }
0x28: {  	[sflag:s11] =	ssyncset.done $0x0  }
0x29: {  	[sflag:s11] =	ssyncadd.s32 $0xFFFFFF80  }
0x2a: {  	_ =	swait.ge [sflag:s11], $0x80  }
0x2b: {  	[sflag:s11] =	ssyncset.done $0x0  }
0x2c: {  	[sflag:s11] =	ssyncadd.s32 $0xFFFFFF80  }
0x2d: {  	_ =	swait.ge [sflag:s11], $0x80  }
0x2e: {  	[sflag:s11] =	ssyncset.done $0x0  }
0x2f: {  	[sflag:s11] =	ssyncadd.s32 $0xFFFFFF80  }
0x30: {  	_ =	swait.ge [sflag:s11], $0x80  }
0x31: {  	[sflag:s11] =	ssyncset.done $0x0  }
0x32: {  	[sflag:s11] =	ssyncadd.s32 $0xFFFFFF80  }
0x33: {  	_ =	swait.ge [sflag:s11], $0x80  }
0x34: {  	[sflag:s11] =	ssyncset.done $0x0  }
0x35: {  	[sflag:s11] =	ssyncadd.s32 $0xFFFFFF80  }
0x36: {  	_ =	swait.ge [sflag:s11], $0x80  }
0x37: {  	[sflag:s11] =	ssyncset.done $0x0  }
0x38: {  	[sflag:s11] =	ssyncadd.s32 $0xFFFFFF80  }
0x39: {  	_ =	swait.ge [sflag:s11], $0x80  }
0x3a: {  	[sflag:s11] =	ssyncset.done $0x0  }
0x3b: {  	[sflag:s11] =	ssyncadd.s32 $0xFFFFFF80  }
0x3c: {  	_ =	swait.ge [sflag:s11], $0x80  }
0x3d: {  	[sflag:s11] =	ssyncset.done $0x0  }
0x3e: {  	[sflag:s11] =	ssyncadd.s32 $0xFFFFFF80  }
0x3f: {  	_ =	swait.ge [sflag:s11], $0x80  }
0x40: {  	[sflag:s11] =	ssyncset.done $0x0  }
0x41: {  	[sflag:s11] =	ssyncadd.s32 $0xFFFFFF80  }
0x42: {  	_ =	swait.ge [sflag:s11], $0x80  }
0x43: {  	[sflag:s11] =	ssyncset.done $0x0  }
0x44: {  	[sflag:s11] =	ssyncadd.s32 $0xFFFFFF80  }
0x45: {  	_ =	swait.ge [sflag:s11], $0x80  }
0x46: {  	[sflag:s11] =	ssyncset.done $0x0  }
0x47: {  	[sflag:s11] =	ssyncadd.s32 $0xFFFFFF80  }
0x48: {  	_ =	swait.ge [sflag:s11], $0x80  }
0x49: {  	[sflag:s11] =	ssyncset.done $0x0  }
0x4a: {  	s29 =	rddreg [dreg:$0x9];
	[sflag:s11] =	ssyncadd.s32 $0xFFFFFF80  }
0x4b: {  	[hbm4b:s29+s3] =	stream.linear.scatter [tilespmem:s28], [sflag:$0x4], $0x6000, $0x38;
	[tilespmem:$0x1C400] =	vst v63  }
0x4c: {  	_ =	swait.ge [sflag:s19], $0x6000  }
0x4d: {  	[sflag:s19] =	ssyncset.done $0x0  }
0x4e: {  	[sflag:s19] =	ssyncadd.s32 $0xFFFFA000  }
.LBB2_12:
0x4f: {  	s15 =	sadd.s32 $0x1, s15  }
0x50: {  	s29 =	sshll.u32 s4, $0x6;
	p2 =	sne.s32 s15, s13  }
.Ltmp1:
0x51: {  	[bflag:$0x0] =	sbarrier.arrive $0xFFFF;
	s29 =	sor.u32 $0x1C04, s29;
	(pc) =	sbr.rel @!p2 .LBB2_13-.Ltmp1, $4  }
0x52: {  	[hbm:s23@s12], [sflag:s29] =	dma.strided [spmem:s25@s14], $0x50, s11, $0x10   }
0x53: {  	_ =	swait.ge [sflag:s19], $0x50  }
0x54: {  	[sflag:s19] =	ssyncset.done $0x0  }
0x55: {  	[sflag:s19] =	ssyncadd.s32 $0xFFFFFFB0  }
.LBB2_1:
0x56: {  	s29 =	simm.s32 @!p1 $0x1C04  }
0x57: {  	[spmem:s17], [sflag:s29] =	dma.local @!p1 [hbm:s6], $0x500  }
0x58: {  	s29 =	simm.s32 @!p1 $0x4  }
0x59: {  	_ =	swait.ge @!p1 [sflag:s29], $0x500  }
0x5a: {  	[sflag:s29] =	ssyncset.done @!p1 $0x0  }
0x5b: {  	[sflag:s29] =	ssyncadd.s32 @!p1 $0xFFFFFB00  }
.Ltmp2:
0x5c: {  	[bflag:$0x0] =	sbarrier.arrive $0xFFFF;
	(pc) =	sbr.rel @!p0 .LBB2_2-.Ltmp2, $4  }
0x5d: {  	[tilespmem:s18], [sflag:$0x4] =	stream.linear.gather [hbm4b:s5+s3], $0x80, $0x38;
	[tilespmem:$0x1C400] =	vst v63  }
0x5e: {  	_ =	swait.ge [sflag:s19], $0x80  }
0x5f: {  	[sflag:s19] =	ssyncset.done $0x0  }
0x60: {  	[sflag:s19] =	ssyncadd.s32 $0xFFFFFF80  }
0x61: {  	s29 =	rddreg [dreg:$0x7]  }
0x62: {  	[tilespmem:s20], [sflag:$0x2] =	stream.linear.gather [hbm4b:s29+s3], $0x80, $0x38;
	[tilespmem:$0x1C400] =	vst v63  }
0x63: {  	_ =	swait.ge [sflag:s21], $0x80  }
0x64: {  	s29 =	sadd.s32 $0xFFFFFD20, s16;
	[sflag:s21] =	ssyncset.done $0x0  }
0x65: {  	s30 =	sadd.s32 $0x9F0, s29;
	[sflag:s21] =	ssyncadd.s32 $0xFFFFFF80  }
0x66: {  	[tilespmem:s22], [sflag:$0x3] =	stream.linear.gather [hbm4b:s30+s3], $0x80, $0x38;
	[tilespmem:$0x1C400] =	vst v63  }
0x67: {  	_ = 	snop  }
0x68: {  	[spmem:s2] =	stream.indirect.scatter.add.f32 [tilespmem:s18], [sflag:$0x4], $0x1, s20, s24, $0xb8;
	[tilespmem:$0x1C400] =	vst v63  }
0x69: {  	_ =	swait.ge [sflag:s19], $0x80  }
0x6a: {  	[sflag:s19] =	ssyncset.done $0x0  }
0x6b: {  	[sflag:s19] =	ssyncadd.s32 $0xFFFFFF80  }
0x6c: {  	_ =	swait.ge [sflag:s26], $0x80  }
0x6d: {  	[sflag:s26] =	ssyncset.done $0x0  }
0x6e: {  	s29 =	sadd.s32 $0xA00, s29;
	[sflag:s26] =	ssyncadd.s32 $0xFFFFFF80  }
0x6f: {  	[tilespmem:s20], [sflag:$0x2] =	stream.linear.gather [hbm4b:s29+s3], $0x80, $0x38;
	[tilespmem:$0x1C400] =	vst v63  }
0x70: {  	_ = 	snop  }
0x71: {  	[spmem:s2] =	stream.indirect.scatter.add.f32 [tilespmem:s18], [sflag:$0x4], $0x1, s22, s24, $0xb8;
	[tilespmem:$0x1C400] =	vst v63  }
0x72: {  	_ =	swait.ge [sflag:s19], $0x80  }
0x73: {  	s29 =	simm.s32 $0xFFFFFD40;
	[sflag:s19] =	ssyncset.done $0x0  }
.LBB2_8:
0x74: {  	p2 =	sne.s32 s29, $0xFFFFFFE0  }
0x75: {  	[sflag:s19] =	ssyncadd.s32 $0xFFFFFF80;
	s30 =	smov.u32 s29;
	s29 =	sadd.s32 $0x20, s29  }
0x76: {  	_ = 	snop  }
0x77: {  	_ =	swait.ge [sflag:s21], $0x80  }
0x78: {  	s30 =	sadd.s32 s30, s16;
	[sflag:s21] =	ssyncset.done $0x0  }
0x79: {  	s31 =	sadd.s32 $0x9F0, s30;
	[sflag:s21] =	ssyncadd.s32 $0xFFFFFF80  }
0x7a: {  	[tilespmem:s22], [sflag:$0x3] =	stream.linear.gather [hbm4b:s31+s3], $0x80, $0x38;
	[tilespmem:$0x1C400] =	vst v63  }
0x7b: {  	_ = 	snop  }
0x7c: {  	[spmem:s2] =	stream.indirect.scatter.add.f32 [tilespmem:s18], [sflag:$0x4], $0x1, s20, s24, $0xb8;
	[tilespmem:$0x1C400] =	vst v63  }
0x7d: {  	_ =	swait.ge [sflag:s19], $0x80  }
0x7e: {  	[sflag:s19] =	ssyncset.done $0x0  }
0x7f: {  	[sflag:s19] =	ssyncadd.s32 $0xFFFFFF80  }
0x80: {  	_ =	swait.ge [sflag:s26], $0x80  }
0x81: {  	[sflag:s26] =	ssyncset.done $0x0  }
0x82: {  	s30 =	sadd.s32 $0xA00, s30;
	[sflag:s26] =	ssyncadd.s32 $0xFFFFFF80  }
0x83: {  	[tilespmem:s20], [sflag:$0x2] =	stream.linear.gather [hbm4b:s30+s3], $0x80, $0x38;
	[tilespmem:$0x1C400] =	vst v63  }
.Ltmp3:
0x84: {  	_ = 	snop;
	(pc) =	sbr.rel @p2 .LBB2_8-.Ltmp3, $4  }
0x85: {  	_ = 	snop  }
0x86: {  	[spmem:s2] =	stream.indirect.scatter.add.f32 [tilespmem:s18], [sflag:$0x4], $0x1, s22, s24, $0xb8;
	[tilespmem:$0x1C400] =	vst v63  }
0x87: {  	_ =	swait.ge [sflag:s19], $0x80  }
0x88: {  	[sflag:s19] =	ssyncset.done $0x0  }
0x89: {  	[sflag:s19] =	ssyncadd.s32 $0xFFFFFF80  }
0x8a: {  	_ =	swait.ge [sflag:s21], $0x80  }
0x8b: {  	[sflag:s21] =	ssyncset.done $0x0  }
0x8c: {  	s29 =	rddreg [dreg:$0xb];
	[sflag:s21] =	ssyncadd.s32 $0xFFFFFF80  }
0x8d: {  	[tilespmem:s22], [sflag:$0x3] =	stream.linear.gather [hbm4b:s29+s3], $0x80, $0x38;
	[tilespmem:$0x1C400] =	vst v63  }
0x8e: {  	_ = 	snop  }
0x8f: {  	[spmem:s2] =	stream.indirect.scatter.add.f32 [tilespmem:s18], [sflag:$0x4], $0x1, s20, s24, $0xb8;
	[tilespmem:$0x1C400] =	vst v63  }
0x90: {  	_ =	swait.ge [sflag:s19], $0x80  }
0x91: {  	[sflag:s19] =	ssyncset.done $0x0  }
0x92: {  	[sflag:s19] =	ssyncadd.s32 $0xFFFFFF80  }
0x93: {  	_ =	swait.ge [sflag:s26], $0x80  }
0x94: {  	[sflag:s26] =	ssyncset.done $0x0  }
0x95: {  	[sflag:s26] =	ssyncadd.s32 $0xFFFFFF80  }
0x96: {  	[spmem:s2] =	stream.indirect.scatter.add.f32 [tilespmem:s18], [sflag:$0x4], $0x1, s22, s24, $0xb8;
	[tilespmem:$0x1C400] =	vst v63  }
0x97: {  	_ =	swait.ge [sflag:s19], $0x80  }
0x98: {  	[sflag:s19] =	ssyncset.done $0x0  }
0x99: {  	s29 =	rddreg [dreg:$0x8];
	[sflag:s19] =	ssyncadd.s32 $0xFFFFFF80  }
0x9a: {  	[tilespmem:s3], [sflag:$0x4] =	stream.linear.gather [hbm4b:s29+s3], $0x6000, $0x38;
	[tilespmem:$0x1C400] =	vst v63  }
0x9b: {  	_ =	swait.ge [sflag:s19], $0x6000  }
0x9c: {  	[sflag:s19] =	ssyncset.done $0x0  }
0x9d: {  	[sflag:s19] =	ssyncadd.s32 $0xFFFFA000  }
0x9e: {  	[tilespmem:s28], [sflag:$0x1] =	stream.indirect.gather [hbm4b:s1+s24], $0x1, s3, s24, $0xb8;
	[tilespmem:$0x1C400] =	vst v63  }
0x9f: {  	s29 =	simm.s32 $0xE080  }
0xa0: {  	[tilespmem:s29], [sflag:$0x1] =	stream.indirect.gather [hbm4b:s1+s24], $0x1, s24, s24, $0xb8;
	[tilespmem:$0x1C400] =	vst v63  }
0xa1: {  	s30 =	simm.s32 $0xE100;
	s29 =	simm.s32 $0x100  }
0xa2: {  	[tilespmem:s30], [sflag:$0x1] =	stream.indirect.gather [hbm4b:s1+s24], $0x1, s29, s24, $0xb8;
	[tilespmem:$0x1C400] =	vst v63  }
0xa3: {  	s29 =	simm.s32 $0x180;
	s30 =	simm.s32 $0xE180  }
0xa4: {  	[tilespmem:s30], [sflag:$0x1] =	stream.indirect.gather [hbm4b:s1+s24], $0x1, s29, s24, $0xb8;
	[tilespmem:$0x1C400] =	vst v63  }
0xa5: {  	s29 =	simm.s32 $0x200;
	s30 =	simm.s32 $0xE200  }
0xa6: {  	[tilespmem:s30], [sflag:$0x1] =	stream.indirect.gather [hbm4b:s1+s24], $0x1, s29, s24, $0xb8;
	[tilespmem:$0x1C400] =	vst v63  }
0xa7: {  	s29 =	simm.s32 $0x280;
	s30 =	simm.s32 $0xE280  }
0xa8: {  	[tilespmem:s30], [sflag:$0x1] =	stream.indirect.gather [hbm4b:s1+s24], $0x1, s29, s24, $0xb8;
	[tilespmem:$0x1C400] =	vst v63  }
0xa9: {  	s29 =	simm.s32 $0x300;
	s30 =	simm.s32 $0xE300  }
0xaa: {  	[tilespmem:s30], [sflag:$0x1] =	stream.indirect.gather [hbm4b:s1+s24], $0x1, s29, s24, $0xb8;
	[tilespmem:$0x1C400] =	vst v63  }
0xab: {  	s29 =	simm.s32 $0x380;
	s30 =	simm.s32 $0xE380  }
0xac: {  	[tilespmem:s30], [sflag:$0x1] =	stream.indirect.gather [hbm4b:s1+s24], $0x1, s29, s24, $0xb8;
	[tilespmem:$0x1C400] =	vst v63  }
0xad: {  	s29 =	simm.s32 $0x400;
	s30 =	simm.s32 $0xE400  }
0xae: {  	[tilespmem:s30], [sflag:$0x1] =	stream.indirect.gather [hbm4b:s1+s24], $0x1, s29, s24, $0xb8;
	[tilespmem:$0x1C400] =	vst v63  }
0xaf: {  	s29 =	simm.s32 $0x480;
	s30 =	simm.s32 $0xE480  }
0xb0: {  	[tilespmem:s30], [sflag:$0x1] =	stream.indirect.gather [hbm4b:s1+s24], $0x1, s29, s24, $0xb8;
	[tilespmem:$0x1C400] =	vst v63  }
0xb1: {  	s29 =	simm.s32 $0x500;
	s30 =	simm.s32 $0xE500  }
0xb2: {  	[tilespmem:s30], [sflag:$0x1] =	stream.indirect.gather [hbm4b:s1+s24], $0x1, s29, s24, $0xb8;
	[tilespmem:$0x1C400] =	vst v63  }
0xb3: {  	s29 =	simm.s32 $0x580;
	s30 =	simm.s32 $0xE580  }
0xb4: {  	[tilespmem:s30], [sflag:$0x1] =	stream.indirect.gather [hbm4b:s1+s24], $0x1, s29, s24, $0xb8;
	[tilespmem:$0x1C400] =	vst v63  }
0xb5: {  	s29 =	simm.s32 $0x600;
	s30 =	simm.s32 $0xE600  }
0xb6: {  	[tilespmem:s30], [sflag:$0x1] =	stream.indirect.gather [hbm4b:s1+s24], $0x1, s29, s24, $0xb8;
	[tilespmem:$0x1C400] =	vst v63  }
0xb7: {  	s29 =	simm.s32 $0x680;
	s30 =	simm.s32 $0xE680  }
0xb8: {  	[tilespmem:s30], [sflag:$0x1] =	stream.indirect.gather [hbm4b:s1+s24], $0x1, s29, s24, $0xb8;
	[tilespmem:$0x1C400] =	vst v63  }
0xb9: {  	_ = 	snop  }
0xba: {  	[tilespmem:s8], [sflag:$0x1] =	stream.indirect.gather [hbm4b:s1+s24], $0x1, s0, s24, $0xb8;
	[tilespmem:$0x1C400] =	vst v63  }
0xbb: {  	_ = 	snop  }
0xbc: {  	[tilespmem:s10], [sflag:$0x1] =	stream.indirect.gather [hbm4b:s1+s24], $0x1, s9, s24, $0xb8;
	[tilespmem:$0x1C400] =	vst v63  }
0xbd: {  	_ =	swait.ge [sflag:s11], $0x80  }
0xbe: {  	s31 =	simm.s32 $0xE800;
	[sflag:s11] =	ssyncset.done $0x0  }
0xbf: {  	s29 =	simm.s32 $0x2200;
	s30 =	simm.s32 $0x800;
	[sflag:s11] =	ssyncadd.s32 $0xFFFFFF80  }
.LBB2_10:
0xc0: {  	[tilespmem:s31], [sflag:$0x1] =	stream.indirect.gather [hbm4b:s1+s24], $0x1, s30, s24, $0xb8;
	[tilespmem:$0x1C400] =	vst v63  }
0xc1: {  	s30 =	smov.u32 s29;
	p2 =	sne.s32 s29, $0x17E00  }
.Ltmp4:
0xc2: {  	s29 =	sadd.s32 $0x200, s29;
	(pc) =	sbr.rel @p2 .LBB2_10-.Ltmp4, $4  }
0xc3: {  	_ = 	snop  }
0xc4: {  	_ =	swait.ge [sflag:s11], $0x80  }
0xc5: {  	s30 =	sshra.s32 s30, $0x2;
	[sflag:s11] =	ssyncset.done $0x0  }
0xc6: {  	s31 =	sadd.s32 $0xE000, s30;
	[sflag:s11] =	ssyncadd.s32 $0xFFFFFF80  }
.Ltmp5:
0xc7: {  	_ = 	snop;
	(pc) =	sbr.rel .LBB2_11-.Ltmp5, $1  }
0xc8: {  	_ =	sdelay $0x3  }
.LBB2_2:
0xc9: {  	[tilespmem:s20], [sflag:$0x2] =	stream.linear.gather [hbm4b:s7+s3], $0x80, $0x38;
	[tilespmem:$0x1C400] =	vst v63  }
0xca: {  	_ =	swait.ge [sflag:s21], $0x80  }
0xcb: {  	s29 =	sadd.s32 $0xFFFFF920, s16;
	[sflag:s21] =	ssyncset.done $0x0  }
0xcc: {  	s30 =	sadd.s32 $0x6F0, s29;
	[sflag:s21] =	ssyncadd.s32 $0xFFFFFF80  }
0xcd: {  	[tilespmem:s22], [sflag:$0x3] =	stream.linear.gather [hbm4b:s30+s3], $0x80, $0x38;
	[tilespmem:$0x1C400] =	vst v63  }
0xce: {  	_ = 	snop  }
0xcf: {  	[spmem:s2] =	stream.indirect.scatter.add.f32 [tilespmem:s18], [sflag:$0x4], $0x1, s20, s24, $0xb8;
	[tilespmem:$0x1C400] =	vst v63  }
0xd0: {  	_ =	swait.ge [sflag:s19], $0x80  }
0xd1: {  	[sflag:s19] =	ssyncset.done $0x0  }
0xd2: {  	[sflag:s19] =	ssyncadd.s32 $0xFFFFFF80  }
0xd3: {  	_ =	swait.ge [sflag:s26], $0x80  }
0xd4: {  	[sflag:s26] =	ssyncset.done $0x0  }
0xd5: {  	s29 =	sadd.s32 $0x700, s29;
	[sflag:s26] =	ssyncadd.s32 $0xFFFFFF80  }
0xd6: {  	[tilespmem:s20], [sflag:$0x2] =	stream.linear.gather [hbm4b:s29+s3], $0x80, $0x38;
	[tilespmem:$0x1C400] =	vst v63  }
0xd7: {  	_ = 	snop  }
0xd8: {  	[spmem:s2] =	stream.indirect.scatter.add.f32 [tilespmem:s18], [sflag:$0x4], $0x1, s22, s24, $0xb8;
	[tilespmem:$0x1C400] =	vst v63  }
0xd9: {  	_ =	swait.ge [sflag:s19], $0x80  }
0xda: {  	s29 =	simm.s32 $0xFFFFF940;
	[sflag:s19] =	ssyncset.done $0x0  }
.LBB2_3:
0xdb: {  	p2 =	sne.s32 s29, $0xFFFFFFE0  }
0xdc: {  	[sflag:s19] =	ssyncadd.s32 $0xFFFFFF80;
	s30 =	smov.u32 s29;
	s29 =	sadd.s32 $0x20, s29  }
0xdd: {  	_ = 	snop  }
0xde: {  	_ =	swait.ge [sflag:s21], $0x80  }
0xdf: {  	s30 =	sadd.s32 s30, s16;
	[sflag:s21] =	ssyncset.done $0x0  }
0xe0: {  	s31 =	sadd.s32 $0x6F0, s30;
	[sflag:s21] =	ssyncadd.s32 $0xFFFFFF80  }
0xe1: {  	[tilespmem:s22], [sflag:$0x3] =	stream.linear.gather [hbm4b:s31+s3], $0x80, $0x38;
	[tilespmem:$0x1C400] =	vst v63  }
0xe2: {  	_ = 	snop  }
0xe3: {  	[spmem:s2] =	stream.indirect.scatter.add.f32 [tilespmem:s18], [sflag:$0x4], $0x1, s20, s24, $0xb8;
	[tilespmem:$0x1C400] =	vst v63  }
0xe4: {  	_ =	swait.ge [sflag:s19], $0x80  }
0xe5: {  	[sflag:s19] =	ssyncset.done $0x0  }
0xe6: {  	[sflag:s19] =	ssyncadd.s32 $0xFFFFFF80  }
0xe7: {  	_ =	swait.ge [sflag:s26], $0x80  }
0xe8: {  	[sflag:s26] =	ssyncset.done $0x0  }
0xe9: {  	s30 =	sadd.s32 $0x700, s30;
	[sflag:s26] =	ssyncadd.s32 $0xFFFFFF80  }
0xea: {  	[tilespmem:s20], [sflag:$0x2] =	stream.linear.gather [hbm4b:s30+s3], $0x80, $0x38;
	[tilespmem:$0x1C400] =	vst v63  }
.Ltmp6:
0xeb: {  	_ = 	snop;
	(pc) =	sbr.rel @p2 .LBB2_3-.Ltmp6, $4  }
0xec: {  	_ = 	snop  }
0xed: {  	[spmem:s2] =	stream.indirect.scatter.add.f32 [tilespmem:s18], [sflag:$0x4], $0x1, s22, s24, $0xb8;
	[tilespmem:$0x1C400] =	vst v63  }
0xee: {  	_ =	swait.ge [sflag:s19], $0x80  }
0xef: {  	[sflag:s19] =	ssyncset.done $0x0  }
0xf0: {  	[sflag:s19] =	ssyncadd.s32 $0xFFFFFF80  }
0xf1: {  	_ =	swait.ge [sflag:s21], $0x80  }
0xf2: {  	[sflag:s21] =	ssyncset.done $0x0  }
0xf3: {  	s29 =	rddreg [dreg:$0xa];
	[sflag:s21] =	ssyncadd.s32 $0xFFFFFF80  }
0xf4: {  	[tilespmem:s22], [sflag:$0x3] =	stream.linear.gather [hbm4b:s29+s3], $0x80, $0x38;
	[tilespmem:$0x1C400] =	vst v63  }
0xf5: {  	_ = 	snop  }
0xf6: {  	[spmem:s2] =	stream.indirect.scatter.add.f32 [tilespmem:s18], [sflag:$0x4], $0x1, s20, s24, $0xb8;
	[tilespmem:$0x1C400] =	vst v63  }
0xf7: {  	_ =	swait.ge [sflag:s19], $0x80  }
0xf8: {  	[sflag:s19] =	ssyncset.done $0x0  }
0xf9: {  	[sflag:s19] =	ssyncadd.s32 $0xFFFFFF80  }
0xfa: {  	_ =	swait.ge [sflag:s26], $0x80  }
0xfb: {  	[sflag:s26] =	ssyncset.done $0x0  }
0xfc: {  	[sflag:s26] =	ssyncadd.s32 $0xFFFFFF80  }
0xfd: {  	[spmem:s2] =	stream.indirect.scatter.add.f32 [tilespmem:s18], [sflag:$0x4], $0x1, s22, s24, $0xb8;
	[tilespmem:$0x1C400] =	vst v63  }
0xfe: {  	_ =	swait.ge [sflag:s19], $0x80  }
0xff: {  	[sflag:s19] =	ssyncset.done $0x0  }
0x100: {  	s29 =	rddreg [dreg:$0x5];
	[sflag:s19] =	ssyncadd.s32 $0xFFFFFF80  }
0x101: {  	[tilespmem:s3], [sflag:$0x4] =	stream.linear.gather [hbm4b:s29+s3], $0xE000, $0x38;
	[tilespmem:$0x1C400] =	vst v63  }
0x102: {  	_ =	swait.ge [sflag:s19], $0xE000  }
0x103: {  	[sflag:s19] =	ssyncset.done $0x0  }
0x104: {  	[sflag:s19] =	ssyncadd.s32 $0xFFFF2000  }
0x105: {  	[tilespmem:s28], [sflag:$0x1] =	stream.indirect.gather [hbm4b:s1+s24], $0x1, s3, s24, $0xb8;
	[tilespmem:$0x1C400] =	vst v63  }
0x106: {  	s29 =	simm.s32 $0xE080  }
0x107: {  	[tilespmem:s29], [sflag:$0x1] =	stream.indirect.gather [hbm4b:s1+s24], $0x1, s24, s24, $0xb8;
	[tilespmem:$0x1C400] =	vst v63  }
0x108: {  	s30 =	simm.s32 $0xE100;
	s29 =	simm.s32 $0x100  }
0x109: {  	[tilespmem:s30], [sflag:$0x1] =	stream.indirect.gather [hbm4b:s1+s24], $0x1, s29, s24, $0xb8;
	[tilespmem:$0x1C400] =	vst v63  }
0x10a: {  	s29 =	simm.s32 $0x180;
	s30 =	simm.s32 $0xE180  }
0x10b: {  	[tilespmem:s30], [sflag:$0x1] =	stream.indirect.gather [hbm4b:s1+s24], $0x1, s29, s24, $0xb8;
	[tilespmem:$0x1C400] =	vst v63  }
0x10c: {  	s29 =	simm.s32 $0x200;
	s30 =	simm.s32 $0xE200  }
0x10d: {  	[tilespmem:s30], [sflag:$0x1] =	stream.indirect.gather [hbm4b:s1+s24], $0x1, s29, s24, $0xb8;
	[tilespmem:$0x1C400] =	vst v63  }
0x10e: {  	s29 =	simm.s32 $0x280;
	s30 =	simm.s32 $0xE280  }
0x10f: {  	[tilespmem:s30], [sflag:$0x1] =	stream.indirect.gather [hbm4b:s1+s24], $0x1, s29, s24, $0xb8;
	[tilespmem:$0x1C400] =	vst v63  }
0x110: {  	s29 =	simm.s32 $0x300;
	s30 =	simm.s32 $0xE300  }
0x111: {  	[tilespmem:s30], [sflag:$0x1] =	stream.indirect.gather [hbm4b:s1+s24], $0x1, s29, s24, $0xb8;
	[tilespmem:$0x1C400] =	vst v63  }
0x112: {  	s29 =	simm.s32 $0x380;
	s30 =	simm.s32 $0xE380  }
0x113: {  	[tilespmem:s30], [sflag:$0x1] =	stream.indirect.gather [hbm4b:s1+s24], $0x1, s29, s24, $0xb8;
	[tilespmem:$0x1C400] =	vst v63  }
0x114: {  	s29 =	simm.s32 $0x400;
	s30 =	simm.s32 $0xE400  }
0x115: {  	[tilespmem:s30], [sflag:$0x1] =	stream.indirect.gather [hbm4b:s1+s24], $0x1, s29, s24, $0xb8;
	[tilespmem:$0x1C400] =	vst v63  }
0x116: {  	s29 =	simm.s32 $0x480;
	s30 =	simm.s32 $0xE480  }
0x117: {  	[tilespmem:s30], [sflag:$0x1] =	stream.indirect.gather [hbm4b:s1+s24], $0x1, s29, s24, $0xb8;
	[tilespmem:$0x1C400] =	vst v63  }
0x118: {  	s29 =	simm.s32 $0x500;
	s30 =	simm.s32 $0xE500  }
0x119: {  	[tilespmem:s30], [sflag:$0x1] =	stream.indirect.gather [hbm4b:s1+s24], $0x1, s29, s24, $0xb8;
	[tilespmem:$0x1C400] =	vst v63  }
0x11a: {  	s29 =	simm.s32 $0x580;
	s30 =	simm.s32 $0xE580  }
0x11b: {  	[tilespmem:s30], [sflag:$0x1] =	stream.indirect.gather [hbm4b:s1+s24], $0x1, s29, s24, $0xb8;
	[tilespmem:$0x1C400] =	vst v63  }
0x11c: {  	s29 =	simm.s32 $0x600;
	s30 =	simm.s32 $0xE600  }
0x11d: {  	[tilespmem:s30], [sflag:$0x1] =	stream.indirect.gather [hbm4b:s1+s24], $0x1, s29, s24, $0xb8;
	[tilespmem:$0x1C400] =	vst v63  }
0x11e: {  	s29 =	simm.s32 $0x680;
	s30 =	simm.s32 $0xE680  }
0x11f: {  	[tilespmem:s30], [sflag:$0x1] =	stream.indirect.gather [hbm4b:s1+s24], $0x1, s29, s24, $0xb8;
	[tilespmem:$0x1C400] =	vst v63  }
0x120: {  	_ = 	snop  }
0x121: {  	[tilespmem:s8], [sflag:$0x1] =	stream.indirect.gather [hbm4b:s1+s24], $0x1, s0, s24, $0xb8;
	[tilespmem:$0x1C400] =	vst v63  }
0x122: {  	_ = 	snop  }
0x123: {  	[tilespmem:s10], [sflag:$0x1] =	stream.indirect.gather [hbm4b:s1+s24], $0x1, s9, s24, $0xb8;
	[tilespmem:$0x1C400] =	vst v63  }
0x124: {  	_ =	swait.ge [sflag:s11], $0x80  }
0x125: {  	s31 =	simm.s32 $0xE800;
	[sflag:s11] =	ssyncset.done $0x0  }
0x126: {  	s29 =	simm.s32 $0x2200;
	s30 =	simm.s32 $0x800;
	[sflag:s11] =	ssyncadd.s32 $0xFFFFFF80  }
.LBB2_5:
0x127: {  	[tilespmem:s31], [sflag:$0x1] =	stream.indirect.gather [hbm4b:s1+s24], $0x1, s30, s24, $0xb8;
	[tilespmem:$0x1C400] =	vst v63  }
0x128: {  	s30 =	smov.u32 s29;
	p2 =	sne.s32 s29, $0x37E00  }
.Ltmp7:
0x129: {  	s29 =	sadd.s32 $0x200, s29;
	(pc) =	sbr.rel @p2 .LBB2_5-.Ltmp7, $4  }
0x12a: {  	_ = 	snop  }
0x12b: {  	_ =	swait.ge [sflag:s11], $0x80  }
0x12c: {  	s30 =	sshra.s32 s30, $0x2;
	[sflag:s11] =	ssyncset.done $0x0  }
0x12d: {  	s31 =	sadd.s32 $0xE000, s30;
	[sflag:s11] =	ssyncadd.s32 $0xFFFFFF80  }
0x12e: {  	[tilespmem:s31], [sflag:$0x1] =	stream.indirect.gather [hbm4b:s1+s24], $0x1, s30, s24, $0xb8;
	[tilespmem:$0x1C400] =	vst v63  }
0x12f: {  	_ =	swait.ge [sflag:s11], $0x80  }
0x130: {  	[sflag:s11] =	ssyncset.done $0x0  }
0x131: {  	[sflag:s11] =	ssyncadd.s32 $0xFFFFFF80  }
0x132: {  	_ =	swait.ge [sflag:s11], $0x80  }
0x133: {  	[sflag:s11] =	ssyncset.done $0x0  }
0x134: {  	[sflag:s11] =	ssyncadd.s32 $0xFFFFFF80  }
0x135: {  	_ =	swait.ge [sflag:s11], $0x80  }
0x136: {  	[sflag:s11] =	ssyncset.done $0x0  }
0x137: {  	[sflag:s11] =	ssyncadd.s32 $0xFFFFFF80  }
0x138: {  	_ =	swait.ge [sflag:s11], $0x80  }
0x139: {  	[sflag:s11] =	ssyncset.done $0x0  }
0x13a: {  	[sflag:s11] =	ssyncadd.s32 $0xFFFFFF80  }
0x13b: {  	_ =	swait.ge [sflag:s11], $0x80  }
0x13c: {  	[sflag:s11] =	ssyncset.done $0x0  }
0x13d: {  	[sflag:s11] =	ssyncadd.s32 $0xFFFFFF80  }
0x13e: {  	_ =	swait.ge [sflag:s11], $0x80  }
0x13f: {  	[sflag:s11] =	ssyncset.done $0x0  }
0x140: {  	[sflag:s11] =	ssyncadd.s32 $0xFFFFFF80  }
0x141: {  	_ =	swait.ge [sflag:s11], $0x80  }
0x142: {  	[sflag:s11] =	ssyncset.done $0x0  }
0x143: {  	[sflag:s11] =	ssyncadd.s32 $0xFFFFFF80  }
0x144: {  	_ =	swait.ge [sflag:s11], $0x80  }
0x145: {  	[sflag:s11] =	ssyncset.done $0x0  }
0x146: {  	[sflag:s11] =	ssyncadd.s32 $0xFFFFFF80  }
0x147: {  	_ =	swait.ge [sflag:s11], $0x80  }
0x148: {  	[sflag:s11] =	ssyncset.done $0x0  }
0x149: {  	[sflag:s11] =	ssyncadd.s32 $0xFFFFFF80  }
0x14a: {  	_ =	swait.ge [sflag:s11], $0x80  }
0x14b: {  	[sflag:s11] =	ssyncset.done $0x0  }
0x14c: {  	[sflag:s11] =	ssyncadd.s32 $0xFFFFFF80  }
0x14d: {  	_ =	swait.ge [sflag:s11], $0x80  }
0x14e: {  	[sflag:s11] =	ssyncset.done $0x0  }
0x14f: {  	[sflag:s11] =	ssyncadd.s32 $0xFFFFFF80  }
0x150: {  	_ =	swait.ge [sflag:s11], $0x80  }
0x151: {  	[sflag:s11] =	ssyncset.done $0x0  }
0x152: {  	[sflag:s11] =	ssyncadd.s32 $0xFFFFFF80  }
0x153: {  	_ =	swait.ge [sflag:s11], $0x80  }
0x154: {  	[sflag:s11] =	ssyncset.done $0x0  }
0x155: {  	[sflag:s11] =	ssyncadd.s32 $0xFFFFFF80  }
0x156: {  	_ =	swait.ge [sflag:s11], $0x80  }
0x157: {  	[sflag:s11] =	ssyncset.done $0x0  }
0x158: {  	[sflag:s11] =	ssyncadd.s32 $0xFFFFFF80  }
0x159: {  	_ =	swait.ge [sflag:s11], $0x80  }
0x15a: {  	[sflag:s11] =	ssyncset.done $0x0  }
0x15b: {  	[sflag:s11] =	ssyncadd.s32 $0xFFFFFF80  }
0x15c: {  	_ =	swait.ge [sflag:s11], $0x80  }
0x15d: {  	[sflag:s11] =	ssyncset.done $0x0  }
.Ltmp8:
0x15e: {  	s29 =	rddreg [dreg:$0x6];
	[sflag:s11] =	ssyncadd.s32 $0xFFFFFF80;
	(pc) =	sbr.rel .LBB2_12-.Ltmp8, $4  }
0x15f: {  	[hbm4b:s29+s3] =	stream.linear.scatter [tilespmem:s28], [sflag:$0x4], $0xE000, $0x38;
	[tilespmem:$0x1C400] =	vst v63  }
0x160: {  	_ =	swait.ge [sflag:s19], $0xE000  }
0x161: {  	[sflag:s19] =	ssyncset.done $0x0  }
0x162: {  	[sflag:s19] =	ssyncadd.s32 $0xFFFF2000  }
.LBB2_13:
0x163: {  	_ =	sfence.sel $0x180000  }
0x164: {  	[bflag:$0x0] =	sbarrier.arrive $0xFFFF  }
0x165: {  	_ =	strace $0x90000047  }
0x166: {  	[bflag:$0x2] =	sbarrier.arrive $0xFFFF  }
0x167: {  	s0 =	rddreg [dreg:$0x4]  }
0x168: {  	s0 =	sadd.s32 @!p1 $0x100000, s0  }
0x169: {  	[sflag:s0] =	ssyncadd.tile.s32 @!p1 $0x1;
	_ =	shalt  }
.Lfunc_end2:
_tile_overlayer_lowered:
.L_overlay_start_2:
0x16a: {  	(tag) =	ssettag $0x2  }
0x16b: {  	s0 =	rddreg [dreg:$0x0];
	s2 =	stileid.u32  }
0x16c: {  	s1 =	rddreg [dreg:$0x1];
	p0 =	sne.s32 s2, $0x0  }
0x16d: {  	s3 =	rddreg [dreg:$0x2];
	[bflag:$0x3] =	sbarrier.arrive $0xFFFF;
	s2 =	simm.s32 @!p0 $0x1C04  }
0x16e: {  	[timem:s3], [sflag:s2] =	dma.local @!p0 [hbm:s0], s1  }
0x16f: {  	s0 =	simm.s32 @!p0 $0x4  }
0x170: {  	_ =	swait.ge @!p0 [sflag:s0], s1  }
0x171: {  	s1 =	ssub.s32 @!p0 $0x0, s1;
	[sflag:s0] =	ssyncset.done @!p0 $0x0  }
0x172: {  	[sflag:s0] =	ssyncadd.s32 @!p0 s1  }
0x173: {  	[bflag:$0x3] =	sbarrier.arrive $0xFFFF  }
0x174: {  	_ =	shalt  }

// kernel: kernel.9.cloned.1.call-start
scs
__scs_entry_jumppad:
0x0: {  	(pc) =	sbr.rel $0x88, $3  }
0x1: {  	(tag) =	ssettag $0x0;
	lr =	simm.s32 $0x1  }
0x2: {  	[smem:$0x3F95] =	sst lr;
	_ =	strace $0xD0000000  }
0x3: {  	_ = 	snop  }
0x4: {  	_ = 	snop  }
0x5: {  	_ = 	snop  }
0x6: {  	_ = 	snop  }
0x7: {  	_ = 	snop  }
__scs_overlays_trampoline_lowered:
0x8: {  	[smem:$0x3FA4] =	sst s0  }
0x9: {  	[smem:$0x3FA5] =	sst s1  }
0xa: {  	[smem:$0x3FA6] =	sst s2  }
0xb: {  	[smem:$0x3FA7] =	sst s3  }
0xc: {  	[smem:$0x3FA8] =	sst s4  }
0xd: {  	[smem:$0x3FA9] =	sst s5  }
0xe: {  	[smem:$0x3FAA] =	sst s6  }
0xf: {  	[smem:$0x3FAB] =	sst s7  }
0x10: {  	[smem:$0x3FAC] =	sst s8  }
0x11: {  	[smem:$0x3FAD] =	sst s9;
	s0 =	simm.s32 @!p0 $0x0  }
0x12: {  	s1 =	sld [smem:$0x3F93];
	s0 =	simm.s32 @p0 $0x1  }
0x13: {  	[smem:$0x3FAE] =	sst s0;
	s0 =	simm.s32 @!p1 $0x0  }
0x14: {  	s2 =	sld [smem:$0x3F92];
	s0 =	simm.s32 @p1 $0x1  }
0x15: {  	[smem:$0x3FAF] =	sst s0;
	s0 =	simm.s32 @!p2 $0x0  }
0x16: {  	s3 =	sld [smem:$0x3FDB];
	s0 =	simm.s32 @p2 $0x1  }
0x17: {  	s4 =	simm.s32 $0x1BF5;
	[smem:$0x3FB1] =	sst s0  }
0x18: {  	s0 =	sld [smem:$0x3F94];
	_ =	swait.ge [sflag:s4], $0x0  }
0x19: {  	s7 =	sld [smem:$0x3F95]  }
0x1a: {  	s8 =	sadd.s32 $0xFFFFE003, lr  }
0x1b: {  	s9 =	sadd.s32 $0xFFFFFEF7, lr;
	s5 =	simm.s32 $0xFFFFFFFF;
	p2 =	slt.u32 s8, $0xFFFFF086  }
0x1c: {  	p1 =	slt.u32 s9, $0xF7A;
	s5 =	simm.s32 @!p2 $0x0  }
0x1d: {  	s5 =	simm.s32 @p1 $0x1;
	p0 =	seq.s32 s7, s2  }
0x1e: {  	s7 =	smul.u32 @!p0 $0xF7A, s2;
	p2 =	seq.s32 @!p0 s5, $0x0  }
0x1f: {  	s9 =	smul.u32 $0xF7A, s1;
	s8 =	simm.s32 @!p0 $0x1BF5;
	p2 =	por !p2, p0  }
0x20: {  	[sflag:s8] =	ssyncset.s32 @!p0 $0xFFFFF086;
	s6 =	sadd.s32 @!p0 s3, s7;
	s7 =	simm.s32 @!p0 $0x108  }
0x21: {  	s3 =	sadd.s32 s3, s9;
	s6 =	sadd.s32 @!p0 $0x88, s6;
	s7 =	simm.s32 @p2 $0x1082  }
0x22: {  	[simem:s7], [sflag:s8] =	dma.local @!p0 [hbm:s6], $0xF7A  }
0x23: {  	s9 =	sor.u32 $0xD0000000, s2;
	s6 =	simm.s32 $0x108;
	_ =	swait.ge @!p0 [sflag:s8], $0x0  }
0x24: {  	s3 =	sadd.s32 $0x88, s3;
	s6 =	simm.s32 @!p1 $0x1082;
	[sflag:s4] =	ssyncset.s32 $0xFFFFF086  }
0x25: {  	[simem:s6], [sflag:s4] =	dma.local [hbm:s3], $0xF7A  }
0x26: {  	[smem:$0x3F95] =	sst s1;
	(tag) =	ssettag s2;
	_ =	strace s9  }
0x27: {  	s1 =	sld [smem:$0x3FA5]  }
0x28: {  	s2 =	sld [smem:$0x3FA6]  }
0x29: {  	s4 =	sld [smem:$0x3FA8]  }
0x2a: {  	p0 =	seq.s32 s5, $0x0;
	s5 =	sld [smem:$0x3FA9]  }
0x2b: {  	s6 =	sld [smem:$0x3FAA]  }
0x2c: {  	s7 =	sld [smem:$0x3FAB]  }
0x2d: {  	s3 =	simm.s32 $0x108;
	s8 =	sld [smem:$0x3FAC]  }
0x2e: {  	s3 =	simm.s32 @!p0 $0x1082;
	s9 =	sld [smem:$0x3FAD]  }
0x2f: {  	lr =	sadd.s32 s0, s3;
	s0 =	sld [smem:$0x3FA4]  }
0x30: {  	s3 =	sld [smem:$0x3FA7]  }
0x31: {  	[smem:$0x3FB0] =	sst s10  }
0x32: {  	s10 =	sld [smem:$0x3FAE];
	_ =	sdelay $0x3  }
0x33: {  	p0 =	seq.s32 s10, $0x1;
	s10 =	sld [smem:$0x3FB0];
	_ =	sdelay $0x3  }
0x34: {  	[smem:$0x3FB0] =	sst s10  }
0x35: {  	s10 =	sld [smem:$0x3FAF];
	_ =	sdelay $0x3  }
0x36: {  	p1 =	seq.s32 s10, $0x1;
	s10 =	sld [smem:$0x3FB0];
	_ =	sdelay $0x3  }
0x37: {  	[smem:$0x3FB0] =	sst s10  }
0x38: {  	s10 =	sld [smem:$0x3FB1]  }
0x39: {  	_ = 	snop;
	(pc) =	sbr.ind lr, $3  }
0x3a: {  	_ = 	snop  }
0x3b: {  	_ = 	snop  }
0x3c: {  	p2 =	seq.s32 s10, $0x1;
	s10 =	sld [smem:$0x3FB0]  }
0x3d: {  	_ =	shalt  }
0x3e: {  	_ =	shalt  }
0x3f: {  	_ =	shalt  }
0x40: {  	_ =	shalt  }
0x41: {  	_ =	shalt  }
0x42: {  	_ =	shalt  }
0x43: {  	_ =	shalt  }
0x44: {  	_ =	shalt  }
0x45: {  	_ =	shalt  }
0x46: {  	_ =	shalt  }
0x47: {  	_ =	shalt  }
0x48: {  	_ =	shalt  }
0x49: {  	_ =	shalt  }
0x4a: {  	_ =	shalt  }
0x4b: {  	_ =	shalt  }
0x4c: {  	_ =	shalt  }
0x4d: {  	_ =	shalt  }
0x4e: {  	_ =	shalt  }
0x4f: {  	_ =	shalt  }
0x50: {  	_ =	shalt  }
0x51: {  	_ =	shalt  }
0x52: {  	_ =	shalt  }
0x53: {  	_ =	shalt  }
0x54: {  	_ =	shalt  }
0x55: {  	_ =	shalt  }
0x56: {  	_ =	shalt  }
0x57: {  	_ =	shalt  }
0x58: {  	_ =	shalt  }
0x59: {  	_ =	shalt  }
0x5a: {  	_ =	shalt  }
0x5b: {  	_ =	shalt  }
0x5c: {  	_ =	shalt  }
0x5d: {  	_ =	shalt  }
0x5e: {  	_ =	shalt  }
0x5f: {  	_ =	shalt  }
0x60: {  	_ =	shalt  }
0x61: {  	_ =	shalt  }
0x62: {  	_ =	shalt  }
0x63: {  	_ =	shalt  }
0x64: {  	_ =	shalt  }
0x65: {  	_ =	shalt  }
0x66: {  	_ =	shalt  }
0x67: {  	_ =	shalt  }
0x68: {  	_ =	shalt  }
0x69: {  	_ =	shalt  }
0x6a: {  	_ =	shalt  }
0x6b: {  	_ =	shalt  }
0x6c: {  	_ =	shalt  }
0x6d: {  	_ =	shalt  }
0x6e: {  	_ =	shalt  }
0x6f: {  	_ =	shalt  }
0x70: {  	_ =	shalt  }
0x71: {  	_ =	shalt  }
0x72: {  	_ =	shalt  }
0x73: {  	_ =	shalt  }
0x74: {  	_ =	shalt  }
0x75: {  	_ =	shalt  }
0x76: {  	_ =	shalt  }
0x77: {  	_ =	shalt  }
0x78: {  	_ =	shalt  }
0x79: {  	_ =	shalt  }
0x7a: {  	_ =	shalt  }
0x7b: {  	_ =	shalt  }
0x7c: {  	_ =	shalt  }
0x7d: {  	_ =	shalt  }
0x7e: {  	_ =	shalt  }
0x7f: {  	_ =	shalt  }
0x80: {  	_ =	shalt  }
0x81: {  	_ =	shalt  }
0x82: {  	_ =	shalt  }
0x83: {  	_ =	shalt  }
0x84: {  	_ =	shalt  }
0x85: {  	_ =	shalt  }
0x86: {  	_ =	shalt  }
0x87: {  	_ =	shalt  }
.Lfunc_end0:
.L_simem_size_0:
called_computation.1_lowered:
.L_overlay_start_0:
0x88: {  	s2 =	sld [smem:$0x3FD9]  }
0x89: {  	s3 =	sld [smem:$0x3FFE];
	_ =	sdelay $0x1  }
0x8a: {  	s1 =	srdreg.scid  }
0x8b: {  	s0 =	sand.u32 $0x1, s1  }
0x8c: {  	s16 =	sshll.u32 s0, $0xA;
	s2 =	sadd.s32 s3, s2  }
0x8d: {  	s2 =	sadd.s32 s2, s16  }
0x8e: {  	[smem:$0x3FBC] =	sst s2  }
0x8f: {  	_ = 	snop  }
0x90: {  	(tm) =	ssettm $0x1  }
0x91: {  	s17 =	sld [smem:$0x3FFB];
	_ =	sdelay $0x3  }
0x92: {  	_ =	strace s17  }
0x93: {  	s2 =	sld [smem:$0x3FFC];
	_ =	sdelay $0x3  }
0x94: {  	_ =	strace s2  }
0x95: {  	s2 =	sld [smem:$0x3FFD];
	_ =	sdelay $0x3  }
0x96: {  	_ =	strace s2  }
0x97: {  	_ =	strace $0x8FFFFFFF  }
0x98: {  	s18 =	sld [smem:$0x3FDB];
	_ =	sdelay $0x1  }
0x99: {  	s19 =	simm.s32 $_scs_section_size  }
0x9a: {  	s4 =	simm.s32 $_size__tile_overlayer_lowered;
	s5 =	simm.s32 $_tile_overlayer_lowered  }
0x9b: {  	s22 =	simm.s32 $0x1BFF;
	s21 =	sshll.u32 s5, $0x1;
	s2 =	sadd.s32 s19, s18  }
0x9c: {  	s6 =	simm.s32 $0x0;
	s20 =	sshll.u32 s4, $0x1;
	s4 =	sadd.s32 s21, s2  }
0x9d: {  	[timem:s6], [sflag:s22] =	dma.local [hbm:s4], s20  }
0x9e: {  	_ =	swait.ge [sflag:s22], s20  }
0x9f: {  	s3 =	ssub.s32 $0x0, s20;
	[sflag:s22] =	ssyncset.done $0x0  }
0xa0: {  	[sflag:s22] =	ssyncadd.s32 s3;
	_ =	sdelay $0x1  }
0xa1: {  	s23 =	simm.s32 $0x1B8B  }
0xa2: {  	_ =	swait.ge [sflag:s23], $0x1  }
0xa3: {  	[sflag:s23] =	ssyncset.done $0x0  }
0xa4: {  	s25 =	simm.s32 $0x1B8E;
	s24 =	sld [smem:$0x3FFE];
	[sflag:s23] =	ssyncadd.s32 $0xFFFFFFFF  }
0xa5: {  	s26 =	simm.s32 $execute0_lowered;
	[smem:$0x3FD2] =	sst s25  }
0xa6: {  	s4 =	sshll.u32 s26, $0x1;
	_ =	strace $0x80000049;
	[dreg:$0x1] =	wrdreg $0xFFFFFFFF  }
0xa7: {  	s28 =	simm.s32 $_size_execute0_lowered;
	s2 =	sadd.s32 s2, s4;
	[dreg:$0x0] =	wrdreg $0x0  }
0xa8: {  	s4 =	sshll.u32 s28, $0x1;
	[dreg:$0x2] =	wrdreg s2  }
0xa9: {  	[dreg:$0x3] =	wrdreg s4  }
0xaa: {  	[dreg:$0x4] =	wrdreg $0xC0  }
0xab: {  	_ =	task [dreg:s6], $0x5FFFF  }
0xac: {  	[dreg:$0x1] =	wrdreg $0xFFFFFFFF  }
0xad: {  	[dreg:$0x0] =	wrdreg $0x60  }
0xae: {  	[dreg:$0x2] =	wrdreg s24  }
0xaf: {  	[dreg:$0x3] =	wrdreg $0xBA000  }
0xb0: {  	[dreg:$0x4] =	wrdreg $0x9  }
0xb1: {  	_ =	task.clear_ibuf [dreg:s6], $0x5FFFF;
	_ =	strace $0x90000049  }
0xb2: {  	s29 =	simm.s32 $0x9;
	_ =	strace $0x8000004B  }
0xb3: {  	_ =	swait.ge [sflag:s29], $0x1  }
0xb4: {  	[sflag:s29] =	ssyncadd.s32 $0xFFFFFFFF  }
0xb5: {  	_ =	strace $0x9000004B  }
0xb6: {  	_ =	sfence  }
0xb7: {  	s30 =	sld [smem:$0x0];
	_ =	sdelay $0x2  }
0xb8: {  	s31 =	sshll.u32 s1, $0xD;
	s1 =	sshrl.u32 s1, $0x2  }
0xb9: {  	s3 =	sand.u32 $0x4000, s31;
	s1 =	sadd.s32 s1, s30  }
0xba: {  	s0 =	sor.u32 s3, s0;
	s1 =	sshll.u32 s1, $0x11  }
0xbb: {  	s0 =	sor.u32 s1, s0  }
0xbc: {  	s0 =	sadd.s32 $0x8F2B, s0  }
0xbd: {  	[sflag:s0] =	ssyncadd.remote.s32 $0x1  }
0xbe: {  	_ =	sfence.sel $0xFFFF  }
0xbf: {  	[dreg:$0x0] =	wrdreg $0xFFFFFFFF;
	(pc) =	sbr.abs _section_cstart, $3  }
0xc0: {  	[dreg:$0x1] =	wrdreg $0xFFFFFFFF  }
0xc1: {  	_ =	task.clear_ibuf [dreg:s6], $0x2FFFF;
	_ =	strace $0x9FFFFFFF  }
0xc2: {  	(tm) =	ssettm $0x7FFFFFFF  }
0xc3: {  	_ =	shalt  }
tec
execute0_lowered:
.L_overlay_start_1:
0x0: {  	(tag) =	ssettag $0x1  }
0x1: {  	s0 =	rddreg [dreg:$0x0]  }
0x2: {  	s2 =	rddreg [dreg:$0x1]  }
0x3: {  	s3 =	simm.s32 $0x0;
	s13 =	stileid.u32;
	s1 =	srdreg.scid  }
0x4: {  	s29 =	simm.s32 $0x7800;
	s30 =	simm.s32 $0xB900;
	s28 =	simm.s32 $0x8  }
0x5: {  	[smem:$0x7FF] =	sst s3;
	s5 =	smul.u32 $0x2800, s13;
	s1 =	sand.u32 $0x1, s1  }
0x6: {  	s4 =	sadd.s32 $0x34800, s0;
	s8 =	sadd.s32 $0x5DE00, s0;
	s7 =	smul.u32 $0x50000, s13  }
0x7: {  	s9 =	sadd.s32 $0x3600, s0;
	s12 =	smul.u32 $0x5000, s13;
	s16 =	sshll.u32 s13, $0x6  }
0x8: {  	s17 =	smul.u32 $0xA00, s13;
	s13 =	simm.s32 $0x3;
	_ =	strace $0x8000004A  }
0x9: {  	s6 =	smul.u32 $0x28000, s1;
	s14 =	ssub.s32 $0x2, s1;
	p0 =	seq.s32 s1, $0x1  }
0xa: {  	s10 =	sadd.s32 s5, s0;
	s11 =	sshrl.u32 s14, $0x1;
	s7 =	sshrl.u32 s7, $0x2  }
0xb: {  	s18 =	sshrl.u32 s12, $0x3;
	s19 =	sadd.s32 s8, s17;
	s0 =	sadd.s32 s6, s0  }
0xc: {  	s6 =	ssub.s32 s14, s11;
	s7 =	sadd.s32 s7, s2;
	s15 =	sadd.s32 $0x8F000, s10  }
0xd: {  	s12 =	sadd.s32 s9, s18;
	[dreg:$0x7] =	wrdreg s19;
	s21 =	sadd.s32 $0x700, s18  }
0xe: {  	s19 =	sadd.s32 s17, s9;
	s10 =	simm.s32 $0x9;
	[dreg:$0x3] =	wrdreg s7  }
0xf: {  	s11 =	simm.s32 $0x2;
	s14 =	simm.s32 $0xB;
	[dreg:$0x4] =	wrdreg s15  }
0x10: {  	s17 =	simm.s32 $0x7;
	s20 =	sadd.s32 $0x8, s12;
	[dreg:$0x6] =	wrdreg s12  }
0x11: {  	s7 =	sor.u32 $0x1C0D, s16;
	s22 =	sadd.s32 $0x10, s12;
	[dreg:$0x8] =	wrdreg s20  }
0x12: {  	s23 =	sadd.s32 $0x18, s12;
	s8 =	sadd.s32 s8, s21;
	[dreg:$0x9] =	wrdreg s22  }
0x13: {  	s1 =	sadd.s32 s9, s21;
	s24 =	sadd.s32 $0x708, s12;
	[dreg:$0xa] =	wrdreg s23  }
0x14: {  	s25 =	sadd.s32 $0x710, s12;
	s26 =	sadd.s32 $0x718, s12;
	[dreg:$0xb] =	wrdreg s8  }
0x15: {  	s0 =	sadd.s32 $0xB7000, s0;
	s31 =	smax.u32 s6, $0x1;
	[dreg:$0xc] =	wrdreg s1  }
0x16: {  	s21 =	simm.s32 $0x40;
	s9 =	simm.s32 $0x1;
	[dreg:$0xd] =	wrdreg s24  }
0x17: {  	s12 =	simm.s32 $0xA;
	s15 =	simm.s32 $0x4;
	[dreg:$0xe] =	wrdreg s25  }
.Ltmp0:
0x18: {  	s16 =	simm.s32 $0xC;
	[dreg:$0xf] =	wrdreg s26;
	(pc) =	sbr.rel .LBB2_1-.Ltmp0, $4  }
0x19: {  	[dreg:$0x10] =	wrdreg s31;
	s8 =	simm.s32 $0xD;
	s22 =	simm.s32 $0x3800  }
0x1a: {  	s23 =	simm.s32 $0xB800;
	s0 =	sadd.s32 s5, s0;
	s25 =	simm.s32 $0x5800  }
0x1b: {  	s26 =	simm.s32 $0xB880;
	s1 =	simm.s32 $0xB980;
	[dreg:$0x5] =	wrdreg s7  }
0x1c: {  	s5 =	simm.s32 $0x0;
	[dreg:$0x11] =	wrdreg s0;
	s0 =	simm.s32 $0x9800  }
.LBB2_8:
0x1d: {  	s6 =	simm.s32 $0x5  }
0x1e: {  	_ =	swait.ge [sflag:s6], $0x2000  }
0x1f: {  	[sflag:s6] =	ssyncset.done $0x0  }
0x20: {  	s20 =	simm.s32 $0x6;
	[sflag:s6] =	ssyncadd.s32 $0xFFFFE000  }
0x21: {  	_ =	swait.ge [sflag:s20], $0x2000  }
0x22: {  	[sflag:s20] =	ssyncset.done $0x0  }
0x23: {  	[sflag:s20] =	ssyncadd.s32 $0xFFFFE000  }
0x24: {  	_ =	swait.ge [sflag:s17], $0x2000  }
0x25: {  	[sflag:s17] =	ssyncset.done $0x0  }
0x26: {  	[sflag:s17] =	ssyncadd.s32 $0xFFFFE000  }
0x27: {  	_ =	swait.ge [sflag:s28], $0x2000  }
0x28: {  	[sflag:s28] =	ssyncset.done $0x0  }
0x29: {  	[sflag:s28] =	ssyncadd.s32 $0xFFFFE000  }
0x2a: {  	[bflag:$0x0] =	sbarrier.arrive $0xFFFF  }
0x2b: {  	s7 =	rddreg [dreg:$0x5]  }
0x2c: {  	s24 =	rddreg [dreg:$0x11]  }
0x2d: {  	s8 =	rddreg [dreg:$0x12]  }
0x2e: {  	[hbm:s24], [sflag:s7] =	dma.local [spmem:s8], $0x2800  }
0x2f: {  	s8 =	simm.s32 $0xD  }
0x30: {  	_ =	swait.ge [sflag:s8], $0x2800  }
0x31: {  	s5 =	sadd.s32 $0x1, s5;
	s31 =	rddreg [dreg:$0x10]  }
0x32: {  	p1 =	sne.s32 s5, s31  }
.Ltmp1:
0x33: {  	_ = 	snop;
	(pc) =	sbr.rel @!p1 .LBB2_9-.Ltmp1, $3  }
0x34: {  	_ =	sdelay $0x1  }
0x35: {  	[sflag:s8] =	ssyncset.done $0x0  }
0x36: {  	[sflag:s8] =	ssyncadd.s32 $0xFFFFD800  }
.LBB2_1:
0x37: {  	s6 =	rddreg [dreg:$0x3]  }
0x38: {  	s31 =	rddreg [dreg:$0x4];
	s18 =	sshrl.u32 s6, $0x3  }
0x39: {  	[dreg:$0x12] =	wrdreg s18  }
0x3a: {  	[spmem:s18], [sflag:s7] =	dma.local [hbm:s31], $0x2800  }
.Ltmp2:
0x3b: {  	_ =	swait.ge [sflag:s8], $0x2800;
	(pc) =	sbr.rel @!p0 .LBB2_2-.Ltmp2, $4  }
0x3c: {  	[sflag:s8] =	ssyncset.done $0x0  }
0x3d: {  	[sflag:s8] =	ssyncadd.s32 $0xFFFFD800  }
0x3e: {  	[bflag:$0x0] =	sbarrier.arrive $0xFFFF  }
0x3f: {  	s18 =	simm.s32 $0x0  }
0x40: {  	s6 =	rddreg [dreg:$0xb]  }
0x41: {  	[tilespmem:s18], [sflag:$0xD] =	stream.linear.gather [hbm4b:s6+s18], $0x1800, $0x38;
	[tilespmem:$0x1FA00] =	vst v63  }
0x42: {  	_ =	swait.ge [sflag:s8], $0x1800  }
0x43: {  	[sflag:s8] =	ssyncset.done $0x0  }
0x44: {  	[sflag:s8] =	ssyncadd.s32 $0xFFFFE800  }
0x45: {  	[tilespmem:s22], [sflag:$0x1] =	stream.indirect.gather [hbm4b:s4+s21], $0x80, s18, s21, $0xb8;
	[tilespmem:$0x1FA00] =	vst v63  }
0x46: {  	s31 =	rddreg [dreg:$0xc]  }
0x47: {  	[tilespmem:s23], [sflag:$0x9] =	stream.linear.gather [hbm4b:s31+s18], $0x40, $0x38;
	[tilespmem:$0x1FA00] =	vst v63  }
0x48: {  	_ = 	snop  }
0x49: {  	[tilespmem:s25], [sflag:$0x2] =	stream.indirect.gather [hbm4b:s4+s21], $0x80, s21, s21, $0xb8;
	[tilespmem:$0x1FA00] =	vst v63  }
0x4a: {  	s7 =	rddreg [dreg:$0xd]  }
0x4b: {  	[tilespmem:s26], [sflag:$0xA] =	stream.linear.gather [hbm4b:s7+s18], $0x40, $0x38;
	[tilespmem:$0x1FA00] =	vst v63  }
0x4c: {  	s8 =	simm.s32 $0x80  }
0x4d: {  	[tilespmem:s29], [sflag:$0x3] =	stream.indirect.gather [hbm4b:s4+s21], $0x80, s8, s21, $0xb8;
	[tilespmem:$0x1FA00] =	vst v63  }
0x4e: {  	s20 =	rddreg [dreg:$0xe]  }
0x4f: {  	[tilespmem:s30], [sflag:$0xB] =	stream.linear.gather [hbm4b:s20+s18], $0x40, $0x38;
	[tilespmem:$0x1FA00] =	vst v63  }
0x50: {  	s24 =	simm.s32 $0xC0  }
0x51: {  	[tilespmem:s0], [sflag:$0x4] =	stream.indirect.gather [hbm4b:s4+s21], $0x80, s24, s21, $0xb8;
	[tilespmem:$0x1FA00] =	vst v63  }
0x52: {  	s31 =	rddreg [dreg:$0xf];
	s24 =	simm.s32 $0x1C0  }
0x53: {  	[tilespmem:s1], [sflag:$0xC] =	stream.linear.gather [hbm4b:s31+s18], $0x40, $0x38;
	[tilespmem:$0x1FA00] =	vst v63  }
.LBB2_6:
0x54: {  	_ =	swait.ge [sflag:s9], $0x2000  }
0x55: {  	[sflag:s9] =	ssyncset.done $0x0  }
0x56: {  	[sflag:s9] =	ssyncadd.s32 $0xFFFFE000  }
0x57: {  	_ =	swait.ge [sflag:s10], $0x40  }
0x58: {  	[sflag:s10] =	ssyncset.done $0x0  }
0x59: {  	[sflag:s10] =	ssyncadd.s32 $0xFFFFFFC0  }
0x5a: {  	[spmem:s2] =	stream.indirect.scatter.add.f32 [tilespmem:s22], [sflag:$0x5], $0x80, s23, s21, $0xb8;
	[tilespmem:$0x1FA00] =	vst v63  }
0x5b: {  	_ =	swait.ge [sflag:s11], $0x2000  }
0x5c: {  	[sflag:s11] =	ssyncset.done $0x0  }
0x5d: {  	[sflag:s11] =	ssyncadd.s32 $0xFFFFE000  }
0x5e: {  	_ =	swait.ge [sflag:s12], $0x40  }
0x5f: {  	p1 =	seq.s32 s18, $0x2E0;
	[sflag:s12] =	ssyncset.done $0x0  }
0x60: {  	s6 =	simm.s32 @!p1 $0x5;
	[sflag:s12] =	ssyncadd.s32 $0xFFFFFFC0  }
0x61: {  	[spmem:s2] =	stream.indirect.scatter.add.f32 [tilespmem:s25], [sflag:$0x6], $0x80, s26, s21, $0xb8;
	[tilespmem:$0x1FA00] =	vst v63  }
0x62: {  	_ =	swait.ge @!p1 [sflag:s6], $0x2000  }
0x63: {  	s7 =	simm.s32 @!p1 $0x40;
	[sflag:s6] =	ssyncset.done @!p1 $0x0  }
0x64: {  	s8 =	simm.s32 @!p1 $0x3800;
	[sflag:s6] =	ssyncadd.s32 @!p1 $0xFFFFE000;
	s6 =	sadd.s32 @!p1 $0xFFFFFF40, s24  }
0x65: {  	[tilespmem:s8], [sflag:$0x1] =	stream.indirect.gather @!p1 [hbm4b:s4+s7], $0x80, s6, s7, $0xb8;
	[tilespmem:$0x1FA00] =	vst v63  }
0x66: {  	s6 =	sadd.s32 @!p1 s18, s19  }
0x67: {  	s20 =	simm.s32 @!p1 $0x0;
	s31 =	simm.s32 @!p1 $0xB800;
	s8 =	sadd.s32 @!p1 $0x720, s6  }
0x68: {  	[tilespmem:s31], [sflag:$0x9] =	stream.linear.gather @!p1 [hbm4b:s8+s20], $0x40, $0x38;
	[tilespmem:$0x1FA00] =	vst v63  }
0x69: {  	s8 =	simm.s32 @!p1 $0x6  }
0x6a: {  	_ =	swait.ge @!p1 [sflag:s8], $0x2000  }
0x6b: {  	[sflag:s8] =	ssyncset.done @!p1 $0x0  }
0x6c: {  	s31 =	simm.s32 @!p1 $0x5800;
	[sflag:s8] =	ssyncadd.s32 @!p1 $0xFFFFE000;
	s8 =	sadd.s32 @!p1 $0xFFFFFF80, s24  }
0x6d: {  	[tilespmem:s31], [sflag:$0x2] =	stream.indirect.gather @!p1 [hbm4b:s4+s7], $0x80, s8, s7, $0xb8;
	[tilespmem:$0x1FA00] =	vst v63  }
0x6e: {  	s6 =	sadd.s32 @!p1 $0x728, s6;
	s7 =	simm.s32 @!p1 $0xB880  }
0x6f: {  	[tilespmem:s7], [sflag:$0xA] =	stream.linear.gather @!p1 [hbm4b:s6+s20], $0x40, $0x38;
	[tilespmem:$0x1FA00] =	vst v63  }
0x70: {  	_ =	swait.ge [sflag:s13], $0x2000  }
0x71: {  	[sflag:s13] =	ssyncset.done $0x0  }
0x72: {  	[sflag:s13] =	ssyncadd.s32 $0xFFFFE000  }
0x73: {  	_ =	swait.ge [sflag:s14], $0x40  }
0x74: {  	[sflag:s14] =	ssyncset.done $0x0  }
0x75: {  	[sflag:s14] =	ssyncadd.s32 $0xFFFFFFC0  }
0x76: {  	[spmem:s2] =	stream.indirect.scatter.add.f32 [tilespmem:s29], [sflag:$0x7], $0x80, s30, s21, $0xb8;
	[tilespmem:$0x1FA00] =	vst v63  }
0x77: {  	_ =	swait.ge [sflag:s15], $0x2000  }
0x78: {  	[sflag:s15] =	ssyncset.done $0x0  }
.Ltmp3:
0x79: {  	[sflag:s15] =	ssyncadd.s32 $0xFFFFE000;
	(pc) =	sbr.rel @p1 .LBB2_8-.Ltmp3, $4  }
0x7a: {  	_ =	swait.ge [sflag:s16], $0x40  }
0x7b: {  	[sflag:s16] =	ssyncset.done $0x0  }
0x7c: {  	[sflag:s16] =	ssyncadd.s32 $0xFFFFFFC0  }
0x7d: {  	[spmem:s2] =	stream.indirect.scatter.add.f32 [tilespmem:s0], [sflag:$0x8], $0x80, s1, s21, $0xb8;
	[tilespmem:$0x1FA00] =	vst v63  }
0x7e: {  	_ =	swait.ge [sflag:s17], $0x2000  }
0x7f: {  	[sflag:s17] =	ssyncset.done $0x0  }
0x80: {  	s6 =	sadd.s32 $0xFFFFFFC0, s24;
	s31 =	sadd.s32 s18, s19;
	[sflag:s17] =	ssyncadd.s32 $0xFFFFE000  }
0x81: {  	[tilespmem:s29], [sflag:$0x3] =	stream.indirect.gather [hbm4b:s4+s21], $0x80, s6, s21, $0xb8;
	[tilespmem:$0x1FA00] =	vst v63  }
0x82: {  	s7 =	sadd.s32 $0x730, s31  }
0x83: {  	[tilespmem:s30], [sflag:$0xB] =	stream.linear.gather [hbm4b:s7+s3], $0x40, $0x38;
	[tilespmem:$0x1FA00] =	vst v63  }
0x84: {  	_ =	swait.ge [sflag:s28], $0x2000  }
.Ltmp4:
0x85: {  	[sflag:s28] =	ssyncset.done $0x0;
	(pc) =	sbr.rel .LBB2_6-.Ltmp4, $4  }
0x86: {  	[sflag:s28] =	ssyncadd.s32 $0xFFFFE000  }
0x87: {  	[tilespmem:s0], [sflag:$0x4] =	stream.indirect.gather [hbm4b:s4+s21], $0x80, s24, s21, $0xb8;
	[tilespmem:$0x1FA00] =	vst v63  }
0x88: {  	s18 =	sadd.s32 $0x20, s18;
	s6 =	sadd.s32 $0x738, s31;
	s24 =	sadd.s32 $0x100, s24  }
0x89: {  	[tilespmem:s1], [sflag:$0xC] =	stream.linear.gather [hbm4b:s6+s3], $0x40, $0x38;
	[tilespmem:$0x1FA00] =	vst v63  }
.LBB2_2:
0x8a: {  	s6 =	rddreg [dreg:$0x7]  }
0x8b: {  	[tilespmem:s18], [sflag:$0xD] =	stream.linear.gather [hbm4b:s6+s18], $0x3800, $0x38;
	[tilespmem:$0x1FA00] =	vst v63  }
0x8c: {  	_ =	swait.ge [sflag:s8], $0x3800  }
0x8d: {  	[sflag:s8] =	ssyncset.done $0x0  }
0x8e: {  	[sflag:s8] =	ssyncadd.s32 $0xFFFFC800  }
0x8f: {  	[tilespmem:s22], [sflag:$0x1] =	stream.indirect.gather [hbm4b:s4+s21], $0x80, s18, s21, $0xb8;
	[tilespmem:$0x1FA00] =	vst v63  }
0x90: {  	s31 =	rddreg [dreg:$0x6]  }
0x91: {  	[tilespmem:s23], [sflag:$0x9] =	stream.linear.gather [hbm4b:s31+s18], $0x40, $0x38;
	[tilespmem:$0x1FA00] =	vst v63  }
0x92: {  	_ = 	snop  }
0x93: {  	[tilespmem:s25], [sflag:$0x2] =	stream.indirect.gather [hbm4b:s4+s21], $0x80, s21, s21, $0xb8;
	[tilespmem:$0x1FA00] =	vst v63  }
0x94: {  	s7 =	rddreg [dreg:$0x8]  }
0x95: {  	[tilespmem:s26], [sflag:$0xA] =	stream.linear.gather [hbm4b:s7+s18], $0x40, $0x38;
	[tilespmem:$0x1FA00] =	vst v63  }
0x96: {  	s8 =	simm.s32 $0x80  }
0x97: {  	[tilespmem:s29], [sflag:$0x3] =	stream.indirect.gather [hbm4b:s4+s21], $0x80, s8, s21, $0xb8;
	[tilespmem:$0x1FA00] =	vst v63  }
0x98: {  	s20 =	rddreg [dreg:$0x9]  }
0x99: {  	[tilespmem:s30], [sflag:$0xB] =	stream.linear.gather [hbm4b:s20+s18], $0x40, $0x38;
	[tilespmem:$0x1FA00] =	vst v63  }
0x9a: {  	s24 =	simm.s32 $0xC0  }
0x9b: {  	[tilespmem:s0], [sflag:$0x4] =	stream.indirect.gather [hbm4b:s4+s21], $0x80, s24, s21, $0xb8;
	[tilespmem:$0x1FA00] =	vst v63  }
0x9c: {  	s31 =	rddreg [dreg:$0xa];
	s24 =	simm.s32 $0x1C0  }
0x9d: {  	[tilespmem:s1], [sflag:$0xC] =	stream.linear.gather [hbm4b:s31+s18], $0x40, $0x38;
	[tilespmem:$0x1FA00] =	vst v63  }
.LBB2_3:
0x9e: {  	_ =	swait.ge [sflag:s9], $0x2000  }
0x9f: {  	[sflag:s9] =	ssyncset.done $0x0  }
0xa0: {  	[sflag:s9] =	ssyncadd.s32 $0xFFFFE000  }
0xa1: {  	_ =	swait.ge [sflag:s10], $0x40  }
0xa2: {  	[sflag:s10] =	ssyncset.done $0x0  }
0xa3: {  	[sflag:s10] =	ssyncadd.s32 $0xFFFFFFC0  }
0xa4: {  	[spmem:s2] =	stream.indirect.scatter.add.f32 [tilespmem:s22], [sflag:$0x5], $0x80, s23, s21, $0xb8;
	[tilespmem:$0x1FA00] =	vst v63  }
0xa5: {  	_ =	swait.ge [sflag:s11], $0x2000  }
0xa6: {  	[sflag:s11] =	ssyncset.done $0x0  }
0xa7: {  	[sflag:s11] =	ssyncadd.s32 $0xFFFFE000  }
0xa8: {  	_ =	swait.ge [sflag:s12], $0x40  }
0xa9: {  	p1 =	seq.s32 s18, $0x6E0;
	[sflag:s12] =	ssyncset.done $0x0  }
0xaa: {  	s31 =	simm.s32 @!p1 $0x5;
	[sflag:s12] =	ssyncadd.s32 $0xFFFFFFC0  }
0xab: {  	[spmem:s2] =	stream.indirect.scatter.add.f32 [tilespmem:s25], [sflag:$0x6], $0x80, s26, s21, $0xb8;
	[tilespmem:$0x1FA00] =	vst v63  }
0xac: {  	_ =	swait.ge @!p1 [sflag:s31], $0x2000  }
0xad: {  	s8 =	simm.s32 @!p1 $0x40;
	[sflag:s31] =	ssyncset.done @!p1 $0x0  }
0xae: {  	s7 =	simm.s32 @!p1 $0x3800;
	[sflag:s31] =	ssyncadd.s32 @!p1 $0xFFFFE000;
	s31 =	sadd.s32 @!p1 $0xFFFFFF40, s24  }
0xaf: {  	[tilespmem:s7], [sflag:$0x1] =	stream.indirect.gather @!p1 [hbm4b:s4+s8], $0x80, s31, s8, $0xb8;
	[tilespmem:$0x1FA00] =	vst v63  }
0xb0: {  	s7 =	sadd.s32 @!p1 s18, s19  }
0xb1: {  	s6 =	simm.s32 @!p1 $0x0;
	s20 =	simm.s32 @!p1 $0xB800;
	s31 =	sadd.s32 @!p1 $0x20, s7  }
0xb2: {  	[tilespmem:s20], [sflag:$0x9] =	stream.linear.gather @!p1 [hbm4b:s31+s6], $0x40, $0x38;
	[tilespmem:$0x1FA00] =	vst v63  }
0xb3: {  	s20 =	simm.s32 @!p1 $0x6  }
0xb4: {  	_ =	swait.ge @!p1 [sflag:s20], $0x2000  }
0xb5: {  	[sflag:s20] =	ssyncset.done @!p1 $0x0  }
0xb6: {  	s31 =	simm.s32 @!p1 $0x5800;
	[sflag:s20] =	ssyncadd.s32 @!p1 $0xFFFFE000;
	s20 =	sadd.s32 @!p1 $0xFFFFFF80, s24  }
0xb7: {  	[tilespmem:s31], [sflag:$0x2] =	stream.indirect.gather @!p1 [hbm4b:s4+s8], $0x80, s20, s8, $0xb8;
	[tilespmem:$0x1FA00] =	vst v63  }
0xb8: {  	s7 =	sadd.s32 @!p1 $0x28, s7;
	s8 =	simm.s32 @!p1 $0xB880  }
0xb9: {  	[tilespmem:s8], [sflag:$0xA] =	stream.linear.gather @!p1 [hbm4b:s7+s6], $0x40, $0x38;
	[tilespmem:$0x1FA00] =	vst v63  }
0xba: {  	_ =	swait.ge [sflag:s13], $0x2000  }
0xbb: {  	[sflag:s13] =	ssyncset.done $0x0  }
0xbc: {  	[sflag:s13] =	ssyncadd.s32 $0xFFFFE000  }
0xbd: {  	_ =	swait.ge [sflag:s14], $0x40  }
0xbe: {  	[sflag:s14] =	ssyncset.done $0x0  }
0xbf: {  	[sflag:s14] =	ssyncadd.s32 $0xFFFFFFC0  }
0xc0: {  	[spmem:s2] =	stream.indirect.scatter.add.f32 [tilespmem:s29], [sflag:$0x7], $0x80, s30, s21, $0xb8;
	[tilespmem:$0x1FA00] =	vst v63  }
0xc1: {  	_ =	swait.ge [sflag:s15], $0x2000  }
0xc2: {  	[sflag:s15] =	ssyncset.done $0x0  }
.Ltmp5:
0xc3: {  	[sflag:s15] =	ssyncadd.s32 $0xFFFFE000;
	(pc) =	sbr.rel @p1 .LBB2_8-.Ltmp5, $4  }
0xc4: {  	_ =	swait.ge [sflag:s16], $0x40  }
0xc5: {  	[sflag:s16] =	ssyncset.done $0x0  }
0xc6: {  	[sflag:s16] =	ssyncadd.s32 $0xFFFFFFC0  }
0xc7: {  	[spmem:s2] =	stream.indirect.scatter.add.f32 [tilespmem:s0], [sflag:$0x8], $0x80, s1, s21, $0xb8;
	[tilespmem:$0x1FA00] =	vst v63  }
0xc8: {  	_ =	swait.ge [sflag:s17], $0x2000  }
0xc9: {  	[sflag:s17] =	ssyncset.done $0x0  }
0xca: {  	s6 =	sadd.s32 $0xFFFFFFC0, s24;
	s31 =	sadd.s32 s18, s19;
	[sflag:s17] =	ssyncadd.s32 $0xFFFFE000  }
0xcb: {  	[tilespmem:s29], [sflag:$0x3] =	stream.indirect.gather [hbm4b:s4+s21], $0x80, s6, s21, $0xb8;
	[tilespmem:$0x1FA00] =	vst v63  }
0xcc: {  	s7 =	sadd.s32 $0x30, s31  }
0xcd: {  	[tilespmem:s30], [sflag:$0xB] =	stream.linear.gather [hbm4b:s7+s3], $0x40, $0x38;
	[tilespmem:$0x1FA00] =	vst v63  }
0xce: {  	_ =	swait.ge [sflag:s28], $0x2000  }
.Ltmp6:
0xcf: {  	[sflag:s28] =	ssyncset.done $0x0;
	(pc) =	sbr.rel .LBB2_3-.Ltmp6, $4  }
0xd0: {  	[sflag:s28] =	ssyncadd.s32 $0xFFFFE000  }
0xd1: {  	[tilespmem:s0], [sflag:$0x4] =	stream.indirect.gather [hbm4b:s4+s21], $0x80, s24, s21, $0xb8;
	[tilespmem:$0x1FA00] =	vst v63  }
0xd2: {  	s18 =	sadd.s32 $0x20, s18;
	s6 =	sadd.s32 $0x38, s31;
	s24 =	sadd.s32 $0x100, s24  }
0xd3: {  	[tilespmem:s1], [sflag:$0xC] =	stream.linear.gather [hbm4b:s6+s3], $0x40, $0x38;
	[tilespmem:$0x1FA00] =	vst v63  }
.LBB2_9:
0xd4: {  	_ =	sfence.sel $0x180000  }
0xd5: {  	[bflag:$0x0] =	sbarrier.arrive $0xFFFF  }
0xd6: {  	_ =	strace $0x9000004A  }
0xd7: {  	s0 =	stileid.u32;
	[bflag:$0x2] =	sbarrier.arrive $0xFFFF  }
0xd8: {  	p0 =	sne.s32 s0, $0x0;
	s0 =	rddreg [dreg:$0x2]  }
0xd9: {  	s0 =	sadd.s32 @!p0 $0x100000, s0  }
0xda: {  	[sflag:s0] =	ssyncadd.tile.s32 @!p0 $0x1;
	_ =	shalt  }
.Lfunc_end2:
_tile_overlayer_lowered:
.L_overlay_start_2:
0xdb: {  	(tag) =	ssettag $0x2  }
0xdc: {  	s0 =	rddreg [dreg:$0x0];
	s2 =	stileid.u32  }
0xdd: {  	s1 =	rddreg [dreg:$0x1];
	p0 =	sne.s32 s2, $0x0  }
0xde: {  	s3 =	rddreg [dreg:$0x2];
	[bflag:$0x3] =	sbarrier.arrive $0xFFFF;
	s2 =	simm.s32 @!p0 $0x1C0D  }
0xdf: {  	[timem:s3], [sflag:s2] =	dma.local @!p0 [hbm:s0], s1  }
0xe0: {  	s0 =	simm.s32 @!p0 $0xD  }
0xe1: {  	_ =	swait.ge @!p0 [sflag:s0], s1  }
0xe2: {  	s1 =	ssub.s32 @!p0 $0x0, s1;
	[sflag:s0] =	ssyncset.done @!p0 $0x0  }
0xe3: {  	[sflag:s0] =	ssyncadd.s32 @!p0 s1  }
0xe4: {  	[bflag:$0x3] =	sbarrier.arrive $0xFFFF  }
0xe5: {  	_ =	shalt  }

</sc_bundles>
